<compile_context>
chip_gen: v7x
topology: tpu7x:2x2x1
jax: 0.10.2.dev20260603
libtpu: 0.0.44.dev20260713+nightly
codegen_flags: <defaults>
</compile_context>

<pallas_src>
import functools

import numpy as np

import jax
import jax.numpy as jnp
from jax import lax
from jax.experimental import pallas as pl
from jax.experimental.pallas import tpu as pltpu
from jax.experimental.pallas import tpu_sc as plsc

_N = 10000
_D = 128
_E = 320000

_NC = 2
_NS = 16
_NW = _NC * _NS
_NPAD = 10112
_RPT = _NPAD // _NS
_CHUNK = 128
_JW = 81
_JPRE = _JW + 3
_EPW = _JW * _CHUNK
_EPAD = _EPW * _NW
_GROWS = _EPAD // _CHUNK
_ROWB = _CHUNK * _D * 4


@functools.cache
def _get_sc_segment_sum(tbl_rows):
    mesh = plsc.VectorSubcoreMesh(
        core_axis_name="c", subcore_axis_name="s",
        num_cores=_NC, num_subcores=_NS)
    body = functools.partial(_sc_segment_sum_body, tbl_rows)
    return functools.partial(
        pl.kernel,
        mesh=mesh,
        out_type=jax.ShapeDtypeStruct((_NC, _NPAD, _D), jnp.float32),
        scratch_types=[
            pltpu.VMEM((_CHUNK,), jnp.int32),
            pltpu.VMEM((_CHUNK,), jnp.int32),
            pltpu.VMEM((_CHUNK,), jnp.int32),
            pltpu.VMEM((_CHUNK,), jnp.int32),
            pltpu.VMEM((_CHUNK,), jnp.int32),
            pltpu.VMEM((_CHUNK,), jnp.int32),
            pltpu.VMEM((_CHUNK,), jnp.int32),
            pltpu.VMEM((_CHUNK, _D), jnp.float32),
            pltpu.VMEM((_CHUNK, _D), jnp.float32),
            pltpu.VMEM((_CHUNK, _D), jnp.float32),
            pltpu.VMEM_SHARED((_NPAD, _D), jnp.float32),
            pltpu.SemaphoreType.DMA,
            pltpu.SemaphoreType.DMA,
            pltpu.SemaphoreType.DMA,
            pltpu.SemaphoreType.DMA,
            pltpu.SemaphoreType.DMA,
            pltpu.SemaphoreType.DMA,
            pltpu.SemaphoreType.DMA,
            pltpu.SemaphoreType.DMA,
            pltpu.SemaphoreType.DMA,
            pltpu.SemaphoreType.DMA,
            pltpu.SemaphoreType.DMA,
            pltpu.SemaphoreType.DMA,
            pltpu.SemaphoreType.DMA,
        ],
    )(body)


def _sc_segment_sum_body(tbl_rows, edges_hbm, h_hbm, zeros_hbm,
                         out_hbm,
                         srci0, srci1, srci2, dsti0, dsti1, dsti2, dsti3,
                         rows0, rows1, rows2, acc,
                         isem0, isem1, isem2, dsem0, dsem1, dsem2, dsem3,
                         gsem0, gsem1, gsem2, ssem0, ssem1, ssem2):
    del tbl_rows
    cid = lax.axis_index("c")
    sid = lax.axis_index("s")
    wid = sid * _NC + cid
    r0 = sid * _RPT

    srci = (srci0, srci1, srci2)
    dsti = (dsti0, dsti1, dsti2, dsti3)
    rows = (rows0, rows1, rows2)
    isem = (isem0, isem1, isem2)
    dsem = (dsem0, dsem1, dsem2, dsem3)
    gsem = (gsem0, gsem1, gsem2)
    ssem = (ssem0, ssem1, ssem2)

    def src_row(j):
        return edges_hbm.at[0, pl.ds((wid + _NW * j) * _CHUNK, _CHUNK)]

    def dst_row(j):
        return edges_hbm.at[1, pl.ds((wid + _NW * j) * _CHUNK, _CHUNK)]

    for u in range(3):
        pltpu.async_copy(src_row(u), srci[u], isem[u])
    pltpu.async_copy(dst_row(0), dsti0, dsem0)
    pltpu.async_copy(dst_row(1), dsti1, dsem1)
    pltpu.make_async_copy(src_row(0), srci0, isem0).wait()
    pltpu.async_copy(h_hbm.at[srci0], rows0, gsem0)
    pltpu.make_async_copy(src_row(0), srci1, isem1).wait()
    pltpu.async_copy(h_hbm.at[srci1], rows1, gsem1)
    pltpu.sync_copy(edges_hbm.at[1, pl.ds(_E, _CHUNK)], dsti3)
    pltpu.async_copy(rows2, acc.at[dsti3], ssem2, add=True)

    pltpu.sync_copy(zeros_hbm.at[pl.ds(r0, _RPT)], acc.at[pl.ds(r0, _RPT)])
    plsc.subcore_barrier()

    def round_fn(r, carry):
        for p in range(3):
            c = 3 * r + p
            u3 = p
            f3 = (p + 2) % 3
            pltpu.make_async_copy(rows[f3], acc.at[dsti[u3]],
                                  ssem[f3]).wait()
            pltpu.async_copy(dst_row(c + 2), dsti[f3], dsem[f3])
            pltpu.make_async_copy(src_row(0), srci[f3], isem[f3]).wait()
            pltpu.async_copy(h_hbm.at[srci[f3]], rows[f3], gsem[f3])
            pltpu.make_async_copy(h_hbm.at[srci0], rows[u3],
                                  gsem[u3]).wait()
            pltpu.make_async_copy(dst_row(0), dsti[u3], dsem[u3]).wait()
            pltpu.async_copy(rows[u3], acc.at[dsti[u3]], ssem[u3],
                             add=True)
            pltpu.async_copy(src_row(c + 3), srci[u3], isem[u3])
        return carry

    lax.fori_loop(0, _JW // 3, round_fn, 0)
    pltpu.make_async_copy(h_hbm.at[srci0], rows0, gsem0).wait()
    pltpu.make_async_copy(h_hbm.at[srci0], rows1, gsem1).wait()
    pltpu.make_async_copy(rows2, acc.at[dsti2], ssem2).wait()
    pltpu.make_async_copy(src_row(0), srci2, isem2).wait()
    pltpu.make_async_copy(dst_row(0), dsti0, dsem0).wait()
    pltpu.make_async_copy(dst_row(0), dsti1, dsem1).wait()
    plsc.subcore_barrier()

    pltpu.sync_copy(acc.at[pl.ds(r0, _RPT)],
                    out_hbm.at[cid, pl.ds(r0, _RPT), :])


def _bn(z, valid, g, b):
    zm = jnp.where(valid, z, 0.0)
    mean = jnp.sum(zm, axis=0, keepdims=True) * (1.0 / _N)
    var = jnp.sum(zm * zm, axis=0, keepdims=True) * (1.0 / _N) - mean * mean
    return (z - mean) * lax.rsqrt(var + 1e-5) * g + b


def _make_mlp(in_rows, out_rows, trailing_bn):
    def body(h_ref, p_ref, w1_ref, b1_ref, g1_ref, be1_ref, w2_ref, b2_ref,
             *rest):
        if trailing_bn:
            bng_ref, bnb_ref, out_ref = rest
        else:
            (out_ref,) = rest
        valid = lax.broadcasted_iota(jnp.int32, (_NPAD, 1), 0) < _N
        hv = h_ref[...]
        if in_rows < _NPAD:
            hv = jnp.concatenate(
                [hv, jnp.zeros((_NPAD - in_rows, _D), jnp.float32)], axis=0)
        a = hv + p_ref[0] + p_ref[1]
        a = jnp.where(valid, a, 0.0)
        z = jnp.dot(a, w1_ref[...], preferred_element_type=jnp.float32)
        z = z + b1_ref[...]
        z = _bn(z, valid, g1_ref[...], be1_ref[...])
        z = jnp.maximum(z, 0.0)
        z = jnp.dot(z, w2_ref[...], preferred_element_type=jnp.float32)
        z = z + b2_ref[...]
        if trailing_bn:
            z = _bn(z, valid, bng_ref[...], bnb_ref[...])
            z = jnp.maximum(z, 0.0)
        if out_rows < _NPAD:
            out_ref[...] = z[:out_rows]
        else:
            out_ref[...] = jnp.where(valid, z, 0.0)

    return pl.pallas_call(
        body,
        out_shape=jax.ShapeDtypeStruct((out_rows, _D), jnp.float32),
    )


_mlp_first = _make_mlp(_N, _NPAD, True)
_mlp_mid = _make_mlp(_NPAD, _NPAD, True)
_mlp_final = _make_mlp(_NPAD, _N, False)


def kernel(x, edge_index, params):
    pad = _JPRE * _NW * _CHUNK - _E
    ar = np.arange(pad, dtype=np.int32)
    edges = jnp.concatenate(
        [edge_index,
         jnp.asarray(np.stack([ar % _CHUNK, ar % (_NPAD - _N) + _N]))],
        axis=1)
    zeros = jnp.asarray(np.zeros((_NPAD, _D), np.float32))

    h = x
    for i in (1, 2, 3):
        parts = _get_sc_segment_sum(h.shape[0])(edges, h, zeros)
        args = (h, parts,
                params[f'W{i}_1'], params[f'b{i}_1'],
                params[f'mlp_g{i}'], params[f'mlp_b{i}'],
                params[f'W{i}_2'], params[f'b{i}_2'])
        if i == 1:
            h = _mlp_first(*args, params[f'bn_g{i}'], params[f'bn_b{i}'])
        elif i == 2:
            h = _mlp_mid(*args, params[f'bn_g{i}'], params[f'bn_b{i}'])
        else:
            h = _mlp_final(*args)
    return h

# --- scband reference (transcript-rebuilt; emitter-appended) ---
"""Pipeline reference for scband-three-layer-gin-29094108463692 (READ-ONLY COPY).

The authoritative reference and input builder live on the scoring server;
editing this copy changes nothing except your own understanding.
"""

import jax, jax.numpy as jnp
import numpy as np

N = 10000
E = 320000
D = 128
H = 128
O = 128

def _init_linear(key, din, dout):
    k1, k2 = jax.random.split(key)
    bound = 1.0 / np.sqrt(din)
    W = jax.random.uniform(k1, (din, dout), minval=-bound, maxval=bound, dtype=jnp.float32)
    b = jax.random.uniform(k2, (dout,), minval=-bound, maxval=bound, dtype=jnp.float32)
    return W, b

def setup_inputs(seed: int = 0):
    key = jax.random.key(seed)
    ks = jax.random.split(key, 10)
    x = jax.random.normal(ks[0], (N, D), dtype=jnp.float32)
    edge_index = jax.random.randint(ks[1], (2, E), 0, N, dtype=jnp.int32)
    params = {}
    dims = [(D, H, H), (H, H, H), (H, H, O)]
    for i, (din, dh, dout) in enumerate(dims, start=1):
        W1, b1 = _init_linear(ks[2 * i], din, dh)
        W2, b2 = _init_linear(ks[2 * i + 1], dh, dout)
        params[f'W{i}_1'] = W1
        params[f'b{i}_1'] = b1
        params[f'W{i}_2'] = W2
        params[f'b{i}_2'] = b2
        params[f'mlp_g{i}'] = jnp.ones((dh,), dtype=jnp.float32)
        params[f'mlp_b{i}'] = jnp.zeros((dh,), dtype=jnp.float32)
    for i in (1, 2):
        params[f'bn_g{i}'] = jnp.ones((H,), dtype=jnp.float32)
        params[f'bn_b{i}'] = jnp.zeros((H,), dtype=jnp.float32)
    return {'x': x, 'edge_index': edge_index, 'params': params}

def _batch_norm(h, g, b):
    mean = jnp.mean(h, axis=0)
    var = jnp.var(h, axis=0)
    return (h - mean) * jax.lax.rsqrt(var + 1e-5) * g + b

def _gin_layer(h, src, dst, params, i):
    # GINConv with eps=0: nn((1+eps)*x + sum_{j in N(i)} x_j)
    agg = jax.ops.segment_sum(h[src], dst, num_segments=N)
    h = h + agg
    # PyG MLP([din, dh, dout]): Linear -> BatchNorm -> ReLU -> Linear (plain last)
    h = h @ params[f'W{i}_1'] + params[f'b{i}_1']
    h = _batch_norm(h, params[f'mlp_g{i}'], params[f'mlp_b{i}'])
    h = jax.nn.relu(h)
    h = h @ params[f'W{i}_2'] + params[f'b{i}_2']
    return h

def reference(x, edge_index, params):
    src = edge_index[0]
    dst = edge_index[1]
    h = _gin_layer(x, src, dst, params, 1)
    h = _batch_norm(h, params['bn_g1'], params['bn_b1'])
    h = jax.nn.relu(h)
    # dropout is identity in eval mode
    h = _gin_layer(h, src, dst, params, 2)
    h = _batch_norm(h, params['bn_g2'], params['bn_b2'])
    h = jax.nn.relu(h)
    h = _gin_layer(h, src, dst, params, 3)
    return h

if __name__ == "__main__":
    import jax
    _d = setup_inputs()
    print(jax.jit(kernel)(*tuple(_d.values())))

</pallas_src>

<mosaic_0001>
#map = affine_map<(d0, d1) -> (0, 0)>
#map1 = affine_map<(d0, d1) -> (0, 0, 0)>
module attributes {stable_mosaic.version = 14 : i64} {
  func.func @_sc_segment_sum_body(%arg0: i32, %arg1: i32, %arg2: memref<2x344064xi32, #tpu.memory_space<hbm>>, %arg3: memref<10112x128xf32, #tpu.memory_space<hbm>>, %arg4: memref<10112x128xf32, #tpu.memory_space<hbm>>, %arg5: memref<2x10112x128xf32, #tpu.memory_space<hbm>>, %arg6: memref<128xi32, #tpu.memory_space<vmem>>, %arg7: memref<128xi32, #tpu.memory_space<vmem>>, %arg8: memref<128xi32, #tpu.memory_space<vmem>>, %arg9: memref<128xi32, #tpu.memory_space<vmem>>, %arg10: memref<128xi32, #tpu.memory_space<vmem>>, %arg11: memref<128xi32, #tpu.memory_space<vmem>>, %arg12: memref<128xi32, #tpu.memory_space<vmem>>, %arg13: memref<128x128xf32, #tpu.memory_space<vmem>>, %arg14: memref<128x128xf32, #tpu.memory_space<vmem>>, %arg15: memref<128x128xf32, #tpu.memory_space<vmem>>, %arg16: memref<10112x128xf32, #tpu.memory_space<vmem_shared>>, %arg17: memref<!tpu.dma_semaphore, #tpu.memory_space<semaphore_mem>>, %arg18: memref<!tpu.dma_semaphore, #tpu.memory_space<semaphore_mem>>, %arg19: memref<!tpu.dma_semaphore, #tpu.memory_space<semaphore_mem>>, %arg20: memref<!tpu.dma_semaphore, #tpu.memory_space<semaphore_mem>>, %arg21: memref<!tpu.dma_semaphore, #tpu.memory_space<semaphore_mem>>, %arg22: memref<!tpu.dma_semaphore, #tpu.memory_space<semaphore_mem>>, %arg23: memref<!tpu.dma_semaphore, #tpu.memory_space<semaphore_mem>>, %arg24: memref<!tpu.dma_semaphore, #tpu.memory_space<semaphore_mem>>, %arg25: memref<!tpu.dma_semaphore, #tpu.memory_space<semaphore_mem>>, %arg26: memref<!tpu.dma_semaphore, #tpu.memory_space<semaphore_mem>>, %arg27: memref<!tpu.dma_semaphore, #tpu.memory_space<semaphore_mem>>, %arg28: memref<!tpu.dma_semaphore, #tpu.memory_space<semaphore_mem>>, %arg29: memref<!tpu.dma_semaphore, #tpu.memory_space<semaphore_mem>>) attributes {dimension_semantics = [#tpu.dimension_semantics<core_parallel>, #tpu.dimension_semantics<subcore_parallel>], iteration_bounds = array<i64: 2, 16>, scalar_prefetch = 0 : i64, scratch_operands = 24 : i64, tpu.core_type = #tpu.core_type<sc_vector_subcore>, window_params = [{transform_indices = #map}, {transform_indices = #map}, {transform_indices = #map}, {transform_indices = #map1}]} {
    %mul3A = arith.constant 2 : i32
    %mul3A_0 = arith.muli %arg1, %mul3A : i32
    %add3A = arith.addi %mul3A_0, %arg0 : i32
    %mul3A_1 = arith.constant 632 : i32
    %mul3A_2 = arith.muli %arg1, %mul3A_1 : i32
    %add3A_3 = arith.constant 0 : i32
    %add3A_4 = arith.addi %add3A, %add3A_3 : i32
    %mul3A_5 = arith.constant 128 : i32
    %mul3A_6 = arith.muli %add3A_4, %mul3A_5 : i32
    %dma_start3A = arith.constant 0 : i32
    %dma_start3A_7 = tpu.memref_slice %arg2[%dma_start3A, %mul3A_6] : memref<2x344064xi32, #tpu.memory_space<hbm>> -> memref<1x128xi32, #tpu.memory_space<hbm>>
    %dma_start3A_8 = tpu.memref_squeeze %dma_start3A_7 : memref<1x128xi32, #tpu.memory_space<hbm>> -> memref<128xi32, #tpu.memory_space<hbm>>
    %dma_start3A_9 = tpu.memref_slice %arg2[%dma_start3A, %mul3A_6] : memref<2x344064xi32, #tpu.memory_space<hbm>> -> memref<1x128xi32, #tpu.memory_space<hbm>>
    %dma_start3A_10 = tpu.memref_squeeze %dma_start3A_9 : memref<1x128xi32, #tpu.memory_space<hbm>> -> memref<128xi32, #tpu.memory_space<hbm>>
    tpu.enqueue_dma source(%dma_start3A_10 : memref<128xi32, #tpu.memory_space<hbm>>) target(%arg6 : memref<128xi32, #tpu.memory_space<vmem>>) target_semaphore(%arg17 : memref<!tpu.dma_semaphore, #tpu.memory_space<semaphore_mem>>)
    %add3A_11 = arith.constant 32 : i32
    %add3A_12 = arith.addi %add3A, %add3A_11 : i32
    %mul3A_13 = arith.constant 128 : i32
    %mul3A_14 = arith.muli %add3A_12, %mul3A_13 : i32
    %dma_start3A_15 = arith.constant 0 : i32
    %dma_start3A_16 = tpu.memref_slice %arg2[%dma_start3A_15, %mul3A_14] : memref<2x344064xi32, #tpu.memory_space<hbm>> -> memref<1x128xi32, #tpu.memory_space<hbm>>
    %dma_start3A_17 = tpu.memref_squeeze %dma_start3A_16 : memref<1x128xi32, #tpu.memory_space<hbm>> -> memref<128xi32, #tpu.memory_space<hbm>>
    %dma_start3A_18 = tpu.memref_slice %arg2[%dma_start3A_15, %mul3A_14] : memref<2x344064xi32, #tpu.memory_space<hbm>> -> memref<1x128xi32, #tpu.memory_space<hbm>>
    %dma_start3A_19 = tpu.memref_squeeze %dma_start3A_18 : memref<1x128xi32, #tpu.memory_space<hbm>> -> memref<128xi32, #tpu.memory_space<hbm>>
    tpu.enqueue_dma source(%dma_start3A_19 : memref<128xi32, #tpu.memory_space<hbm>>) target(%arg7 : memref<128xi32, #tpu.memory_space<vmem>>) target_semaphore(%arg18 : memref<!tpu.dma_semaphore, #tpu.memory_space<semaphore_mem>>)
    %add3A_20 = arith.constant 64 : i32
    %add3A_21 = arith.addi %add3A, %add3A_20 : i32
    %mul3A_22 = arith.constant 128 : i32
    %mul3A_23 = arith.muli %add3A_21, %mul3A_22 : i32
    %dma_start3A_24 = arith.constant 0 : i32
    %dma_start3A_25 = tpu.memref_slice %arg2[%dma_start3A_24, %mul3A_23] : memref<2x344064xi32, #tpu.memory_space<hbm>> -> memref<1x128xi32, #tpu.memory_space<hbm>>
    %dma_start3A_26 = tpu.memref_squeeze %dma_start3A_25 : memref<1x128xi32, #tpu.memory_space<hbm>> -> memref<128xi32, #tpu.memory_space<hbm>>
    %dma_start3A_27 = tpu.memref_slice %arg2[%dma_start3A_24, %mul3A_23] : memref<2x344064xi32, #tpu.memory_space<hbm>> -> memref<1x128xi32, #tpu.memory_space<hbm>>
    %dma_start3A_28 = tpu.memref_squeeze %dma_start3A_27 : memref<1x128xi32, #tpu.memory_space<hbm>> -> memref<128xi32, #tpu.memory_space<hbm>>
    tpu.enqueue_dma source(%dma_start3A_28 : memref<128xi32, #tpu.memory_space<hbm>>) target(%arg8 : memref<128xi32, #tpu.memory_space<vmem>>) target_semaphore(%arg19 : memref<!tpu.dma_semaphore, #tpu.memory_space<semaphore_mem>>)
    %add3A_29 = arith.constant 0 : i32
    %add3A_30 = arith.addi %add3A, %add3A_29 : i32
    %mul3A_31 = arith.constant 128 : i32
    %mul3A_32 = arith.muli %add3A_30, %mul3A_31 : i32
    %dma_start3A_33 = arith.constant 1 : i32
    %dma_start3A_34 = tpu.memref_slice %arg2[%dma_start3A_33, %mul3A_32] : memref<2x344064xi32, #tpu.memory_space<hbm>> -> memref<1x128xi32, #tpu.memory_space<hbm>>
    %dma_start3A_35 = tpu.memref_squeeze %dma_start3A_34 : memref<1x128xi32, #tpu.memory_space<hbm>> -> memref<128xi32, #tpu.memory_space<hbm>>
    %dma_start3A_36 = tpu.memref_slice %arg2[%dma_start3A_33, %mul3A_32] : memref<2x344064xi32, #tpu.memory_space<hbm>> -> memref<1x128xi32, #tpu.memory_space<hbm>>
    %dma_start3A_37 = tpu.memref_squeeze %dma_start3A_36 : memref<1x128xi32, #tpu.memory_space<hbm>> -> memref<128xi32, #tpu.memory_space<hbm>>
    tpu.enqueue_dma source(%dma_start3A_37 : memref<128xi32, #tpu.memory_space<hbm>>) target(%arg9 : memref<128xi32, #tpu.memory_space<vmem>>) target_semaphore(%arg20 : memref<!tpu.dma_semaphore, #tpu.memory_space<semaphore_mem>>)
    %add3A_38 = arith.constant 32 : i32
    %add3A_39 = arith.addi %add3A, %add3A_38 : i32
    %mul3A_40 = arith.constant 128 : i32
    %mul3A_41 = arith.muli %add3A_39, %mul3A_40 : i32
    %dma_start3A_42 = arith.constant 1 : i32
    %dma_start3A_43 = tpu.memref_slice %arg2[%dma_start3A_42, %mul3A_41] : memref<2x344064xi32, #tpu.memory_space<hbm>> -> memref<1x128xi32, #tpu.memory_space<hbm>>
    %dma_start3A_44 = tpu.memref_squeeze %dma_start3A_43 : memref<1x128xi32, #tpu.memory_space<hbm>> -> memref<128xi32, #tpu.memory_space<hbm>>
    %dma_start3A_45 = tpu.memref_slice %arg2[%dma_start3A_42, %mul3A_41] : memref<2x344064xi32, #tpu.memory_space<hbm>> -> memref<1x128xi32, #tpu.memory_space<hbm>>
    %dma_start3A_46 = tpu.memref_squeeze %dma_start3A_45 : memref<1x128xi32, #tpu.memory_space<hbm>> -> memref<128xi32, #tpu.memory_space<hbm>>
    tpu.enqueue_dma source(%dma_start3A_46 : memref<128xi32, #tpu.memory_space<hbm>>) target(%arg10 : memref<128xi32, #tpu.memory_space<vmem>>) target_semaphore(%arg21 : memref<!tpu.dma_semaphore, #tpu.memory_space<semaphore_mem>>)
    %add3A_47 = arith.constant 0 : i32
    %add3A_48 = arith.addi %add3A, %add3A_47 : i32
    %mul3A_49 = arith.constant 128 : i32
    %mul3A_50 = arith.muli %add3A_48, %mul3A_49 : i32
    %dma_wait3A = arith.constant 0 : i32
    %dma_wait3A_51 = tpu.memref_slice %arg2[%dma_wait3A, %mul3A_50] : memref<2x344064xi32, #tpu.memory_space<hbm>> -> memref<1x128xi32, #tpu.memory_space<hbm>>
    %dma_wait3A_52 = tpu.memref_squeeze %dma_wait3A_51 : memref<1x128xi32, #tpu.memory_space<hbm>> -> memref<128xi32, #tpu.memory_space<hbm>>
    %dma_wait3A_53 = tpu.memref_slice %arg2[%dma_wait3A, %mul3A_50] : memref<2x344064xi32, #tpu.memory_space<hbm>> -> memref<1x128xi32, #tpu.memory_space<hbm>>
    %dma_wait3A_54 = tpu.memref_squeeze %dma_wait3A_53 : memref<1x128xi32, #tpu.memory_space<hbm>> -> memref<128xi32, #tpu.memory_space<hbm>>
    tpu.wait_dma2 semaphore(%arg17 : memref<!tpu.dma_semaphore, #tpu.memory_space<semaphore_mem>>) src(%dma_wait3A_54 : memref<128xi32, #tpu.memory_space<hbm>>) dst(%arg6 : memref<128xi32, #tpu.memory_space<vmem>>)
    %dma_start3A_55 = arith.constant 0 : i32
    %dma_start3A_56 = arith.constant 0 : i32
    %dma_start3A_57 = tpu.memref_slice %arg3[%dma_start3A_55, %dma_start3A_56] : memref<10112x128xf32, #tpu.memory_space<hbm>> -> memref<10112x128xf32, #tpu.memory_space<hbm>>
    tpu.enqueue_indirect_dma source(%dma_start3A_57 : memref<10112x128xf32, #tpu.memory_space<hbm>>) target(%arg13 : memref<128x128xf32, #tpu.memory_space<vmem>>) offsets(%arg6 : memref<128xi32, #tpu.memory_space<vmem>>) semaphore(%arg24 : memref<!tpu.dma_semaphore, #tpu.memory_space<semaphore_mem>>)
    %add3A_58 = arith.constant 0 : i32
    %add3A_59 = arith.addi %add3A, %add3A_58 : i32
    %mul3A_60 = arith.constant 128 : i32
    %mul3A_61 = arith.muli %add3A_59, %mul3A_60 : i32
    %dma_wait3A_62 = arith.constant 0 : i32
    %dma_wait3A_63 = tpu.memref_slice %arg2[%dma_wait3A_62, %mul3A_61] : memref<2x344064xi32, #tpu.memory_space<hbm>> -> memref<1x128xi32, #tpu.memory_space<hbm>>
    %dma_wait3A_64 = tpu.memref_squeeze %dma_wait3A_63 : memref<1x128xi32, #tpu.memory_space<hbm>> -> memref<128xi32, #tpu.memory_space<hbm>>
    %dma_wait3A_65 = tpu.memref_slice %arg2[%dma_wait3A_62, %mul3A_61] : memref<2x344064xi32, #tpu.memory_space<hbm>> -> memref<1x128xi32, #tpu.memory_space<hbm>>
    %dma_wait3A_66 = tpu.memref_squeeze %dma_wait3A_65 : memref<1x128xi32, #tpu.memory_space<hbm>> -> memref<128xi32, #tpu.memory_space<hbm>>
    tpu.wait_dma2 semaphore(%arg18 : memref<!tpu.dma_semaphore, #tpu.memory_space<semaphore_mem>>) src(%dma_wait3A_66 : memref<128xi32, #tpu.memory_space<hbm>>) dst(%arg7 : memref<128xi32, #tpu.memory_space<vmem>>)
    %dma_start3A_67 = arith.constant 0 : i32
    %dma_start3A_68 = arith.constant 0 : i32
    %dma_start3A_69 = tpu.memref_slice %arg3[%dma_start3A_67, %dma_start3A_68] : memref<10112x128xf32, #tpu.memory_space<hbm>> -> memref<10112x128xf32, #tpu.memory_space<hbm>>
    tpu.enqueue_indirect_dma source(%dma_start3A_69 : memref<10112x128xf32, #tpu.memory_space<hbm>>) target(%arg14 : memref<128x128xf32, #tpu.memory_space<vmem>>) offsets(%arg7 : memref<128xi32, #tpu.memory_space<vmem>>) semaphore(%arg25 : memref<!tpu.dma_semaphore, #tpu.memory_space<semaphore_mem>>)
    %run_scoped3A = arith.constant 1 : i32
    "tpu.region"() ({
      %run_scoped3A_115 = tpu.sem_alloc : memref<!tpu.dma_semaphore, #tpu.memory_space<semaphore_mem>>
      %dma_start3A_116 = arith.constant 320000 : i32
      %dma_start3A_117 = tpu.memref_slice %arg2[%run_scoped3A, %dma_start3A_116] : memref<2x344064xi32, #tpu.memory_space<hbm>> -> memref<1x128xi32, #tpu.memory_space<hbm>>
      %dma_start3A_118 = tpu.memref_squeeze %dma_start3A_117 : memref<1x128xi32, #tpu.memory_space<hbm>> -> memref<128xi32, #tpu.memory_space<hbm>>
      %dma_start3A_119 = arith.constant 320000 : i32
      %dma_start3A_120 = tpu.memref_slice %arg2[%run_scoped3A, %dma_start3A_119] : memref<2x344064xi32, #tpu.memory_space<hbm>> -> memref<1x128xi32, #tpu.memory_space<hbm>>
      %dma_start3A_121 = tpu.memref_squeeze %dma_start3A_120 : memref<1x128xi32, #tpu.memory_space<hbm>> -> memref<128xi32, #tpu.memory_space<hbm>>
      tpu.enqueue_dma source(%dma_start3A_121 : memref<128xi32, #tpu.memory_space<hbm>>) target(%arg12 : memref<128xi32, #tpu.memory_space<vmem>>) target_semaphore(%run_scoped3A_115 : memref<!tpu.dma_semaphore, #tpu.memory_space<semaphore_mem>>)
      %dma_wait3A_122 = arith.constant 320000 : i32
      %dma_wait3A_123 = tpu.memref_slice %arg2[%run_scoped3A, %dma_wait3A_122] : memref<2x344064xi32, #tpu.memory_space<hbm>> -> memref<1x128xi32, #tpu.memory_space<hbm>>
      %dma_wait3A_124 = tpu.memref_squeeze %dma_wait3A_123 : memref<1x128xi32, #tpu.memory_space<hbm>> -> memref<128xi32, #tpu.memory_space<hbm>>
      %dma_wait3A_125 = arith.constant 320000 : i32
      %dma_wait3A_126 = tpu.memref_slice %arg2[%run_scoped3A, %dma_wait3A_125] : memref<2x344064xi32, #tpu.memory_space<hbm>> -> memref<1x128xi32, #tpu.memory_space<hbm>>
      %dma_wait3A_127 = tpu.memref_squeeze %dma_wait3A_126 : memref<1x128xi32, #tpu.memory_space<hbm>> -> memref<128xi32, #tpu.memory_space<hbm>>
      tpu.wait_dma2 semaphore(%run_scoped3A_115 : memref<!tpu.dma_semaphore, #tpu.memory_space<semaphore_mem>>) src(%dma_wait3A_127 : memref<128xi32, #tpu.memory_space<hbm>>) dst(%arg12 : memref<128xi32, #tpu.memory_space<vmem>>)
      tpu.yield
    }) : () -> ()
    %dma_start3A_70 = arith.constant 0 : i32
    %dma_start3A_71 = arith.constant 0 : i32
    %dma_start3A_72 = tpu.memref_slice %arg16[%dma_start3A_70, %dma_start3A_71] : memref<10112x128xf32, #tpu.memory_space<vmem_shared>> -> memref<10112x128xf32, #tpu.memory_space<vmem_shared>>
    tpu.enqueue_indirect_dma source(%arg15 : memref<128x128xf32, #tpu.memory_space<vmem>>) target(%dma_start3A_72 : memref<10112x128xf32, #tpu.memory_space<vmem_shared>>) offsets(%arg12 : memref<128xi32, #tpu.memory_space<vmem>>) semaphore(%arg29 : memref<!tpu.dma_semaphore, #tpu.memory_space<semaphore_mem>>) {add = true}
    "tpu.region"() ({
      %run_scoped3A_115 = tpu.sem_alloc : memref<!tpu.dma_semaphore, #tpu.memory_space<semaphore_mem>>
      %dma_start3A_116 = arith.constant 0 : i32
      %dma_start3A_117 = tpu.memref_slice %arg16[%mul3A_2, %dma_start3A_116] : memref<10112x128xf32, #tpu.memory_space<vmem_shared>> -> memref<632x128xf32, #tpu.memory_space<vmem_shared>>
      %dma_start3A_118 = arith.constant 0 : i32
      %dma_start3A_119 = tpu.memref_slice %arg4[%mul3A_2, %dma_start3A_118] : memref<10112x128xf32, #tpu.memory_space<hbm>> -> memref<632x128xf32, #tpu.memory_space<hbm>>
      tpu.enqueue_dma source(%dma_start3A_119 : memref<632x128xf32, #tpu.memory_space<hbm>>) target(%dma_start3A_117 : memref<632x128xf32, #tpu.memory_space<vmem_shared>>) target_semaphore(%run_scoped3A_115 : memref<!tpu.dma_semaphore, #tpu.memory_space<semaphore_mem>>)
      %dma_wait3A_120 = arith.constant 0 : i32
      %dma_wait3A_121 = tpu.memref_slice %arg16[%mul3A_2, %dma_wait3A_120] : memref<10112x128xf32, #tpu.memory_space<vmem_shared>> -> memref<632x128xf32, #tpu.memory_space<vmem_shared>>
      %dma_wait3A_122 = arith.constant 0 : i32
      %dma_wait3A_123 = tpu.memref_slice %arg4[%mul3A_2, %dma_wait3A_122] : memref<10112x128xf32, #tpu.memory_space<hbm>> -> memref<632x128xf32, #tpu.memory_space<hbm>>
      tpu.wait_dma2 semaphore(%run_scoped3A_115 : memref<!tpu.dma_semaphore, #tpu.memory_space<semaphore_mem>>) src(%dma_wait3A_123 : memref<632x128xf32, #tpu.memory_space<hbm>>) dst(%dma_wait3A_121 : memref<632x128xf32, #tpu.memory_space<vmem_shared>>)
      tpu.yield
    }) : () -> ()
    %barrier3A = arith.constant 0 : index
    tpu.barrier barrier_id(%barrier3A)
    %scan3A = arith.constant 0 : i32
    %scan3A_73 = arith.constant 0 : i32
    %scan3A_74 = arith.constant 27 : i32
    %scan3A_75 = arith.addi %scan3A_73, %scan3A_74 : i32
    %scan3A_76 = arith.constant 1 : i32
    scf.for %scan3A_115 = %scan3A_73 to %scan3A_75 step %scan3A_76  : i32 {
      %mul3A_116 = arith.constant 3 : i32
      %mul3A_117 = arith.muli %mul3A_116, %scan3A_115 : i32
      %add3A_118 = arith.constant 0 : i32
      %add3A_119 = arith.addi %mul3A_117, %add3A_118 : i32
      %dma_wait3A_120 = arith.constant 0 : i32
      %dma_wait3A_121 = arith.constant 0 : i32
      %dma_wait3A_122 = tpu.memref_slice %arg16[%dma_wait3A_120, %dma_wait3A_121] : memref<10112x128xf32, #tpu.memory_space<vmem_shared>> -> memref<10112x128xf32, #tpu.memory_space<vmem_shared>>
      tpu.wait_indirect_dma semaphore(%arg29 : memref<!tpu.dma_semaphore, #tpu.memory_space<semaphore_mem>>) src(%arg15 : memref<128x128xf32, #tpu.memory_space<vmem>>) dst(%dma_wait3A_122 : memref<10112x128xf32, #tpu.memory_space<vmem_shared>>)
      %add3A_123 = arith.constant 2 : i32
      %add3A_124 = arith.addi %add3A_119, %add3A_123 : i32
      %mul3A_125 = arith.constant 32 : i32
      %mul3A_126 = arith.muli %mul3A_125, %add3A_124 : i32
      %add3A_127 = arith.addi %add3A, %mul3A_126 : i32
      %mul3A_128 = arith.constant 128 : i32
      %mul3A_129 = arith.muli %add3A_127, %mul3A_128 : i32
      %dma_start3A_130 = arith.constant 1 : i32
      %dma_start3A_131 = tpu.memref_slice %arg2[%dma_start3A_130, %mul3A_129] : memref<2x344064xi32, #tpu.memory_space<hbm>> -> memref<1x128xi32, #tpu.memory_space<hbm>>
      %dma_start3A_132 = tpu.memref_squeeze %dma_start3A_131 : memref<1x128xi32, #tpu.memory_space<hbm>> -> memref<128xi32, #tpu.memory_space<hbm>>
      %dma_start3A_133 = tpu.memref_slice %arg2[%dma_start3A_130, %mul3A_129] : memref<2x344064xi32, #tpu.memory_space<hbm>> -> memref<1x128xi32, #tpu.memory_space<hbm>>
      %dma_start3A_134 = tpu.memref_squeeze %dma_start3A_133 : memref<1x128xi32, #tpu.memory_space<hbm>> -> memref<128xi32, #tpu.memory_space<hbm>>
      tpu.enqueue_dma source(%dma_start3A_134 : memref<128xi32, #tpu.memory_space<hbm>>) target(%arg11 : memref<128xi32, #tpu.memory_space<vmem>>) target_semaphore(%arg22 : memref<!tpu.dma_semaphore, #tpu.memory_space<semaphore_mem>>)
      %add3A_135 = arith.constant 0 : i32
      %add3A_136 = arith.addi %add3A, %add3A_135 : i32
      %mul3A_137 = arith.constant 128 : i32
      %mul3A_138 = arith.muli %add3A_136, %mul3A_137 : i32
      %dma_wait3A_139 = arith.constant 0 : i32
      %dma_wait3A_140 = tpu.memref_slice %arg2[%dma_wait3A_139, %mul3A_138] : memref<2x344064xi32, #tpu.memory_space<hbm>> -> memref<1x128xi32, #tpu.memory_space<hbm>>
      %dma_wait3A_141 = tpu.memref_squeeze %dma_wait3A_140 : memref<1x128xi32, #tpu.memory_space<hbm>> -> memref<128xi32, #tpu.memory_space<hbm>>
      %dma_wait3A_142 = tpu.memref_slice %arg2[%dma_wait3A_139, %mul3A_138] : memref<2x344064xi32, #tpu.memory_space<hbm>> -> memref<1x128xi32, #tpu.memory_space<hbm>>
      %dma_wait3A_143 = tpu.memref_squeeze %dma_wait3A_142 : memref<1x128xi32, #tpu.memory_space<hbm>> -> memref<128xi32, #tpu.memory_space<hbm>>
      tpu.wait_dma2 semaphore(%arg19 : memref<!tpu.dma_semaphore, #tpu.memory_space<semaphore_mem>>) src(%dma_wait3A_143 : memref<128xi32, #tpu.memory_space<hbm>>) dst(%arg8 : memref<128xi32, #tpu.memory_space<vmem>>)
      %dma_start3A_144 = arith.constant 0 : i32
      %dma_start3A_145 = arith.constant 0 : i32
      %dma_start3A_146 = tpu.memref_slice %arg3[%dma_start3A_144, %dma_start3A_145] : memref<10112x128xf32, #tpu.memory_space<hbm>> -> memref<10112x128xf32, #tpu.memory_space<hbm>>
      tpu.enqueue_indirect_dma source(%dma_start3A_146 : memref<10112x128xf32, #tpu.memory_space<hbm>>) target(%arg15 : memref<128x128xf32, #tpu.memory_space<vmem>>) offsets(%arg8 : memref<128xi32, #tpu.memory_space<vmem>>) semaphore(%arg26 : memref<!tpu.dma_semaphore, #tpu.memory_space<semaphore_mem>>)
      %dma_wait3A_147 = arith.constant 0 : i32
      %dma_wait3A_148 = arith.constant 0 : i32
      %dma_wait3A_149 = tpu.memref_slice %arg3[%dma_wait3A_147, %dma_wait3A_148] : memref<10112x128xf32, #tpu.memory_space<hbm>> -> memref<10112x128xf32, #tpu.memory_space<hbm>>
      tpu.wait_indirect_dma semaphore(%arg24 : memref<!tpu.dma_semaphore, #tpu.memory_space<semaphore_mem>>) src(%dma_wait3A_149 : memref<10112x128xf32, #tpu.memory_space<hbm>>) dst(%arg13 : memref<128x128xf32, #tpu.memory_space<vmem>>)
      %add3A_150 = arith.constant 0 : i32
      %add3A_151 = arith.addi %add3A, %add3A_150 : i32
      %mul3A_152 = arith.constant 128 : i32
      %mul3A_153 = arith.muli %add3A_151, %mul3A_152 : i32
      %dma_wait3A_154 = arith.constant 1 : i32
      %dma_wait3A_155 = tpu.memref_slice %arg2[%dma_wait3A_154, %mul3A_153] : memref<2x344064xi32, #tpu.memory_space<hbm>> -> memref<1x128xi32, #tpu.memory_space<hbm>>
      %dma_wait3A_156 = tpu.memref_squeeze %dma_wait3A_155 : memref<1x128xi32, #tpu.memory_space<hbm>> -> memref<128xi32, #tpu.memory_space<hbm>>
      %dma_wait3A_157 = tpu.memref_slice %arg2[%dma_wait3A_154, %mul3A_153] : memref<2x344064xi32, #tpu.memory_space<hbm>> -> memref<1x128xi32, #tpu.memory_space<hbm>>
      %dma_wait3A_158 = tpu.memref_squeeze %dma_wait3A_157 : memref<1x128xi32, #tpu.memory_space<hbm>> -> memref<128xi32, #tpu.memory_space<hbm>>
      tpu.wait_dma2 semaphore(%arg20 : memref<!tpu.dma_semaphore, #tpu.memory_space<semaphore_mem>>) src(%dma_wait3A_158 : memref<128xi32, #tpu.memory_space<hbm>>) dst(%arg9 : memref<128xi32, #tpu.memory_space<vmem>>)
      %dma_start3A_159 = arith.constant 0 : i32
      %dma_start3A_160 = arith.constant 0 : i32
      %dma_start3A_161 = tpu.memref_slice %arg16[%dma_start3A_159, %dma_start3A_160] : memref<10112x128xf32, #tpu.memory_space<vmem_shared>> -> memref<10112x128xf32, #tpu.memory_space<vmem_shared>>
      tpu.enqueue_indirect_dma source(%arg13 : memref<128x128xf32, #tpu.memory_space<vmem>>) target(%dma_start3A_161 : memref<10112x128xf32, #tpu.memory_space<vmem_shared>>) offsets(%arg9 : memref<128xi32, #tpu.memory_space<vmem>>) semaphore(%arg27 : memref<!tpu.dma_semaphore, #tpu.memory_space<semaphore_mem>>) {add = true}
      %add3A_162 = arith.constant 3 : i32
      %add3A_163 = arith.addi %add3A_119, %add3A_162 : i32
      %mul3A_164 = arith.constant 32 : i32
      %mul3A_165 = arith.muli %mul3A_164, %add3A_163 : i32
      %add3A_166 = arith.addi %add3A, %mul3A_165 : i32
      %mul3A_167 = arith.constant 128 : i32
      %mul3A_168 = arith.muli %add3A_166, %mul3A_167 : i32
      %dma_start3A_169 = arith.constant 0 : i32
      %dma_start3A_170 = tpu.memref_slice %arg2[%dma_start3A_169, %mul3A_168] : memref<2x344064xi32, #tpu.memory_space<hbm>> -> memref<1x128xi32, #tpu.memory_space<hbm>>
      %dma_start3A_171 = tpu.memref_squeeze %dma_start3A_170 : memref<1x128xi32, #tpu.memory_space<hbm>> -> memref<128xi32, #tpu.memory_space<hbm>>
      %dma_start3A_172 = tpu.memref_slice %arg2[%dma_start3A_169, %mul3A_168] : memref<2x344064xi32, #tpu.memory_space<hbm>> -> memref<1x128xi32, #tpu.memory_space<hbm>>
      %dma_start3A_173 = tpu.memref_squeeze %dma_start3A_172 : memref<1x128xi32, #tpu.memory_space<hbm>> -> memref<128xi32, #tpu.memory_space<hbm>>
      tpu.enqueue_dma source(%dma_start3A_173 : memref<128xi32, #tpu.memory_space<hbm>>) target(%arg6 : memref<128xi32, #tpu.memory_space<vmem>>) target_semaphore(%arg17 : memref<!tpu.dma_semaphore, #tpu.memory_space<semaphore_mem>>)
      %mul3A_174 = arith.constant 3 : i32
      %mul3A_175 = arith.muli %mul3A_174, %scan3A_115 : i32
      %add3A_176 = arith.constant 1 : i32
      %add3A_177 = arith.addi %mul3A_175, %add3A_176 : i32
      %dma_wait3A_178 = arith.constant 0 : i32
      %dma_wait3A_179 = arith.constant 0 : i32
      %dma_wait3A_180 = tpu.memref_slice %arg16[%dma_wait3A_178, %dma_wait3A_179] : memref<10112x128xf32, #tpu.memory_space<vmem_shared>> -> memref<10112x128xf32, #tpu.memory_space<vmem_shared>>
      tpu.wait_indirect_dma semaphore(%arg27 : memref<!tpu.dma_semaphore, #tpu.memory_space<semaphore_mem>>) src(%arg13 : memref<128x128xf32, #tpu.memory_space<vmem>>) dst(%dma_wait3A_180 : memref<10112x128xf32, #tpu.memory_space<vmem_shared>>)
      %add3A_181 = arith.constant 2 : i32
      %add3A_182 = arith.addi %add3A_177, %add3A_181 : i32
      %mul3A_183 = arith.constant 32 : i32
      %mul3A_184 = arith.muli %mul3A_183, %add3A_182 : i32
      %add3A_185 = arith.addi %add3A, %mul3A_184 : i32
      %mul3A_186 = arith.constant 128 : i32
      %mul3A_187 = arith.muli %add3A_185, %mul3A_186 : i32
      %dma_start3A_188 = arith.constant 1 : i32
      %dma_start3A_189 = tpu.memref_slice %arg2[%dma_start3A_188, %mul3A_187] : memref<2x344064xi32, #tpu.memory_space<hbm>> -> memref<1x128xi32, #tpu.memory_space<hbm>>
      %dma_start3A_190 = tpu.memref_squeeze %dma_start3A_189 : memref<1x128xi32, #tpu.memory_space<hbm>> -> memref<128xi32, #tpu.memory_space<hbm>>
      %dma_start3A_191 = tpu.memref_slice %arg2[%dma_start3A_188, %mul3A_187] : memref<2x344064xi32, #tpu.memory_space<hbm>> -> memref<1x128xi32, #tpu.memory_space<hbm>>
      %dma_start3A_192 = tpu.memref_squeeze %dma_start3A_191 : memref<1x128xi32, #tpu.memory_space<hbm>> -> memref<128xi32, #tpu.memory_space<hbm>>
      tpu.enqueue_dma source(%dma_start3A_192 : memref<128xi32, #tpu.memory_space<hbm>>) target(%arg9 : memref<128xi32, #tpu.memory_space<vmem>>) target_semaphore(%arg20 : memref<!tpu.dma_semaphore, #tpu.memory_space<semaphore_mem>>)
      %add3A_193 = arith.constant 0 : i32
      %add3A_194 = arith.addi %add3A, %add3A_193 : i32
      %mul3A_195 = arith.constant 128 : i32
      %mul3A_196 = arith.muli %add3A_194, %mul3A_195 : i32
      %dma_wait3A_197 = arith.constant 0 : i32
      %dma_wait3A_198 = tpu.memref_slice %arg2[%dma_wait3A_197, %mul3A_196] : memref<2x344064xi32, #tpu.memory_space<hbm>> -> memref<1x128xi32, #tpu.memory_space<hbm>>
      %dma_wait3A_199 = tpu.memref_squeeze %dma_wait3A_198 : memref<1x128xi32, #tpu.memory_space<hbm>> -> memref<128xi32, #tpu.memory_space<hbm>>
      %dma_wait3A_200 = tpu.memref_slice %arg2[%dma_wait3A_197, %mul3A_196] : memref<2x344064xi32, #tpu.memory_space<hbm>> -> memref<1x128xi32, #tpu.memory_space<hbm>>
      %dma_wait3A_201 = tpu.memref_squeeze %dma_wait3A_200 : memref<1x128xi32, #tpu.memory_space<hbm>> -> memref<128xi32, #tpu.memory_space<hbm>>
      tpu.wait_dma2 semaphore(%arg17 : memref<!tpu.dma_semaphore, #tpu.memory_space<semaphore_mem>>) src(%dma_wait3A_201 : memref<128xi32, #tpu.memory_space<hbm>>) dst(%arg6 : memref<128xi32, #tpu.memory_space<vmem>>)
      %dma_start3A_202 = arith.constant 0 : i32
      %dma_start3A_203 = arith.constant 0 : i32
      %dma_start3A_204 = tpu.memref_slice %arg3[%dma_start3A_202, %dma_start3A_203] : memref<10112x128xf32, #tpu.memory_space<hbm>> -> memref<10112x128xf32, #tpu.memory_space<hbm>>
      tpu.enqueue_indirect_dma source(%dma_start3A_204 : memref<10112x128xf32, #tpu.memory_space<hbm>>) target(%arg13 : memref<128x128xf32, #tpu.memory_space<vmem>>) offsets(%arg6 : memref<128xi32, #tpu.memory_space<vmem>>) semaphore(%arg24 : memref<!tpu.dma_semaphore, #tpu.memory_space<semaphore_mem>>)
      %dma_wait3A_205 = arith.constant 0 : i32
      %dma_wait3A_206 = arith.constant 0 : i32
      %dma_wait3A_207 = tpu.memref_slice %arg3[%dma_wait3A_205, %dma_wait3A_206] : memref<10112x128xf32, #tpu.memory_space<hbm>> -> memref<10112x128xf32, #tpu.memory_space<hbm>>
      tpu.wait_indirect_dma semaphore(%arg25 : memref<!tpu.dma_semaphore, #tpu.memory_space<semaphore_mem>>) src(%dma_wait3A_207 : memref<10112x128xf32, #tpu.memory_space<hbm>>) dst(%arg14 : memref<128x128xf32, #tpu.memory_space<vmem>>)
      %add3A_208 = arith.constant 0 : i32
      %add3A_209 = arith.addi %add3A, %add3A_208 : i32
      %mul3A_210 = arith.constant 128 : i32
      %mul3A_211 = arith.muli %add3A_209, %mul3A_210 : i32
      %dma_wait3A_212 = arith.constant 1 : i32
      %dma_wait3A_213 = tpu.memref_slice %arg2[%dma_wait3A_212, %mul3A_211] : memref<2x344064xi32, #tpu.memory_space<hbm>> -> memref<1x128xi32, #tpu.memory_space<hbm>>
      %dma_wait3A_214 = tpu.memref_squeeze %dma_wait3A_213 : memref<1x128xi32, #tpu.memory_space<hbm>> -> memref<128xi32, #tpu.memory_space<hbm>>
      %dma_wait3A_215 = tpu.memref_slice %arg2[%dma_wait3A_212, %mul3A_211] : memref<2x344064xi32, #tpu.memory_space<hbm>> -> memref<1x128xi32, #tpu.memory_space<hbm>>
      %dma_wait3A_216 = tpu.memref_squeeze %dma_wait3A_215 : memref<1x128xi32, #tpu.memory_space<hbm>> -> memref<128xi32, #tpu.memory_space<hbm>>
      tpu.wait_dma2 semaphore(%arg21 : memref<!tpu.dma_semaphore, #tpu.memory_space<semaphore_mem>>) src(%dma_wait3A_216 : memref<128xi32, #tpu.memory_space<hbm>>) dst(%arg10 : memref<128xi32, #tpu.memory_space<vmem>>)
      %dma_start3A_217 = arith.constant 0 : i32
      %dma_start3A_218 = arith.constant 0 : i32
      %dma_start3A_219 = tpu.memref_slice %arg16[%dma_start3A_217, %dma_start3A_218] : memref<10112x128xf32, #tpu.memory_space<vmem_shared>> -> memref<10112x128xf32, #tpu.memory_space<vmem_shared>>
      tpu.enqueue_indirect_dma source(%arg14 : memref<128x128xf32, #tpu.memory_space<vmem>>) target(%dma_start3A_219 : memref<10112x128xf32, #tpu.memory_space<vmem_shared>>) offsets(%arg10 : memref<128xi32, #tpu.memory_space<vmem>>) semaphore(%arg28 : memref<!tpu.dma_semaphore, #tpu.memory_space<semaphore_mem>>) {add = true}
      %add3A_220 = arith.constant 3 : i32
      %add3A_221 = arith.addi %add3A_177, %add3A_220 : i32
      %mul3A_222 = arith.constant 32 : i32
      %mul3A_223 = arith.muli %mul3A_222, %add3A_221 : i32
      %add3A_224 = arith.addi %add3A, %mul3A_223 : i32
      %mul3A_225 = arith.constant 128 : i32
      %mul3A_226 = arith.muli %add3A_224, %mul3A_225 : i32
      %dma_start3A_227 = arith.constant 0 : i32
      %dma_start3A_228 = tpu.memref_slice %arg2[%dma_start3A_227, %mul3A_226] : memref<2x344064xi32, #tpu.memory_space<hbm>> -> memref<1x128xi32, #tpu.memory_space<hbm>>
      %dma_start3A_229 = tpu.memref_squeeze %dma_start3A_228 : memref<1x128xi32, #tpu.memory_space<hbm>> -> memref<128xi32, #tpu.memory_space<hbm>>
      %dma_start3A_230 = tpu.memref_slice %arg2[%dma_start3A_227, %mul3A_226] : memref<2x344064xi32, #tpu.memory_space<hbm>> -> memref<1x128xi32, #tpu.memory_space<hbm>>
      %dma_start3A_231 = tpu.memref_squeeze %dma_start3A_230 : memref<1x128xi32, #tpu.memory_space<hbm>> -> memref<128xi32, #tpu.memory_space<hbm>>
      tpu.enqueue_dma source(%dma_start3A_231 : memref<128xi32, #tpu.memory_space<hbm>>) target(%arg7 : memref<128xi32, #tpu.memory_space<vmem>>) target_semaphore(%arg18 : memref<!tpu.dma_semaphore, #tpu.memory_space<semaphore_mem>>)
      %mul3A_232 = arith.constant 3 : i32
      %mul3A_233 = arith.muli %mul3A_232, %scan3A_115 : i32
      %add3A_234 = arith.constant 2 : i32
      %add3A_235 = arith.addi %mul3A_233, %add3A_234 : i32
      %dma_wait3A_236 = arith.constant 0 : i32
      %dma_wait3A_237 = arith.constant 0 : i32
      %dma_wait3A_238 = tpu.memref_slice %arg16[%dma_wait3A_236, %dma_wait3A_237] : memref<10112x128xf32, #tpu.memory_space<vmem_shared>> -> memref<10112x128xf32, #tpu.memory_space<vmem_shared>>
      tpu.wait_indirect_dma semaphore(%arg28 : memref<!tpu.dma_semaphore, #tpu.memory_space<semaphore_mem>>) src(%arg14 : memref<128x128xf32, #tpu.memory_space<vmem>>) dst(%dma_wait3A_238 : memref<10112x128xf32, #tpu.memory_space<vmem_shared>>)
      %add3A_239 = arith.constant 2 : i32
      %add3A_240 = arith.addi %add3A_235, %add3A_239 : i32
      %mul3A_241 = arith.constant 32 : i32
      %mul3A_242 = arith.muli %mul3A_241, %add3A_240 : i32
      %add3A_243 = arith.addi %add3A, %mul3A_242 : i32
      %mul3A_244 = arith.constant 128 : i32
      %mul3A_245 = arith.muli %add3A_243, %mul3A_244 : i32
      %dma_start3A_246 = arith.constant 1 : i32
      %dma_start3A_247 = tpu.memref_slice %arg2[%dma_start3A_246, %mul3A_245] : memref<2x344064xi32, #tpu.memory_space<hbm>> -> memref<1x128xi32, #tpu.memory_space<hbm>>
      %dma_start3A_248 = tpu.memref_squeeze %dma_start3A_247 : memref<1x128xi32, #tpu.memory_space<hbm>> -> memref<128xi32, #tpu.memory_space<hbm>>
      %dma_start3A_249 = tpu.memref_slice %arg2[%dma_start3A_246, %mul3A_245] : memref<2x344064xi32, #tpu.memory_space<hbm>> -> memref<1x128xi32, #tpu.memory_space<hbm>>
      %dma_start3A_250 = tpu.memref_squeeze %dma_start3A_249 : memref<1x128xi32, #tpu.memory_space<hbm>> -> memref<128xi32, #tpu.memory_space<hbm>>
      tpu.enqueue_dma source(%dma_start3A_250 : memref<128xi32, #tpu.memory_space<hbm>>) target(%arg10 : memref<128xi32, #tpu.memory_space<vmem>>) target_semaphore(%arg21 : memref<!tpu.dma_semaphore, #tpu.memory_space<semaphore_mem>>)
      %add3A_251 = arith.constant 0 : i32
      %add3A_252 = arith.addi %add3A, %add3A_251 : i32
      %mul3A_253 = arith.constant 128 : i32
      %mul3A_254 = arith.muli %add3A_252, %mul3A_253 : i32
      %dma_wait3A_255 = arith.constant 0 : i32
      %dma_wait3A_256 = tpu.memref_slice %arg2[%dma_wait3A_255, %mul3A_254] : memref<2x344064xi32, #tpu.memory_space<hbm>> -> memref<1x128xi32, #tpu.memory_space<hbm>>
      %dma_wait3A_257 = tpu.memref_squeeze %dma_wait3A_256 : memref<1x128xi32, #tpu.memory_space<hbm>> -> memref<128xi32, #tpu.memory_space<hbm>>
      %dma_wait3A_258 = tpu.memref_slice %arg2[%dma_wait3A_255, %mul3A_254] : memref<2x344064xi32, #tpu.memory_space<hbm>> -> memref<1x128xi32, #tpu.memory_space<hbm>>
      %dma_wait3A_259 = tpu.memref_squeeze %dma_wait3A_258 : memref<1x128xi32, #tpu.memory_space<hbm>> -> memref<128xi32, #tpu.memory_space<hbm>>
      tpu.wait_dma2 semaphore(%arg18 : memref<!tpu.dma_semaphore, #tpu.memory_space<semaphore_mem>>) src(%dma_wait3A_259 : memref<128xi32, #tpu.memory_space<hbm>>) dst(%arg7 : memref<128xi32, #tpu.memory_space<vmem>>)
      %dma_start3A_260 = arith.constant 0 : i32
      %dma_start3A_261 = arith.constant 0 : i32
      %dma_start3A_262 = tpu.memref_slice %arg3[%dma_start3A_260, %dma_start3A_261] : memref<10112x128xf32, #tpu.memory_space<hbm>> -> memref<10112x128xf32, #tpu.memory_space<hbm>>
      tpu.enqueue_indirect_dma source(%dma_start3A_262 : memref<10112x128xf32, #tpu.memory_space<hbm>>) target(%arg14 : memref<128x128xf32, #tpu.memory_space<vmem>>) offsets(%arg7 : memref<128xi32, #tpu.memory_space<vmem>>) semaphore(%arg25 : memref<!tpu.dma_semaphore, #tpu.memory_space<semaphore_mem>>)
      %dma_wait3A_263 = arith.constant 0 : i32
      %dma_wait3A_264 = arith.constant 0 : i32
      %dma_wait3A_265 = tpu.memref_slice %arg3[%dma_wait3A_263, %dma_wait3A_264] : memref<10112x128xf32, #tpu.memory_space<hbm>> -> memref<10112x128xf32, #tpu.memory_space<hbm>>
      tpu.wait_indirect_dma semaphore(%arg26 : memref<!tpu.dma_semaphore, #tpu.memory_space<semaphore_mem>>) src(%dma_wait3A_265 : memref<10112x128xf32, #tpu.memory_space<hbm>>) dst(%arg15 : memref<128x128xf32, #tpu.memory_space<vmem>>)
      %add3A_266 = arith.constant 0 : i32
      %add3A_267 = arith.addi %add3A, %add3A_266 : i32
      %mul3A_268 = arith.constant 128 : i32
      %mul3A_269 = arith.muli %add3A_267, %mul3A_268 : i32
      %dma_wait3A_270 = arith.constant 1 : i32
      %dma_wait3A_271 = tpu.memref_slice %arg2[%dma_wait3A_270, %mul3A_269] : memref<2x344064xi32, #tpu.memory_space<hbm>> -> memref<1x128xi32, #tpu.memory_space<hbm>>
      %dma_wait3A_272 = tpu.memref_squeeze %dma_wait3A_271 : memref<1x128xi32, #tpu.memory_space<hbm>> -> memref<128xi32, #tpu.memory_space<hbm>>
      %dma_wait3A_273 = tpu.memref_slice %arg2[%dma_wait3A_270, %mul3A_269] : memref<2x344064xi32, #tpu.memory_space<hbm>> -> memref<1x128xi32, #tpu.memory_space<hbm>>
      %dma_wait3A_274 = tpu.memref_squeeze %dma_wait3A_273 : memref<1x128xi32, #tpu.memory_space<hbm>> -> memref<128xi32, #tpu.memory_space<hbm>>
      tpu.wait_dma2 semaphore(%arg22 : memref<!tpu.dma_semaphore, #tpu.memory_space<semaphore_mem>>) src(%dma_wait3A_274 : memref<128xi32, #tpu.memory_space<hbm>>) dst(%arg11 : memref<128xi32, #tpu.memory_space<vmem>>)
      %dma_start3A_275 = arith.constant 0 : i32
      %dma_start3A_276 = arith.constant 0 : i32
      %dma_start3A_277 = tpu.memref_slice %arg16[%dma_start3A_275, %dma_start3A_276] : memref<10112x128xf32, #tpu.memory_space<vmem_shared>> -> memref<10112x128xf32, #tpu.memory_space<vmem_shared>>
      tpu.enqueue_indirect_dma source(%arg15 : memref<128x128xf32, #tpu.memory_space<vmem>>) target(%dma_start3A_277 : memref<10112x128xf32, #tpu.memory_space<vmem_shared>>) offsets(%arg11 : memref<128xi32, #tpu.memory_space<vmem>>) semaphore(%arg29 : memref<!tpu.dma_semaphore, #tpu.memory_space<semaphore_mem>>) {add = true}
      %add3A_278 = arith.constant 3 : i32
      %add3A_279 = arith.addi %add3A_235, %add3A_278 : i32
      %mul3A_280 = arith.constant 32 : i32
      %mul3A_281 = arith.muli %mul3A_280, %add3A_279 : i32
      %add3A_282 = arith.addi %add3A, %mul3A_281 : i32
      %mul3A_283 = arith.constant 128 : i32
      %mul3A_284 = arith.muli %add3A_282, %mul3A_283 : i32
      %dma_start3A_285 = arith.constant 0 : i32
      %dma_start3A_286 = tpu.memref_slice %arg2[%dma_start3A_285, %mul3A_284] : memref<2x344064xi32, #tpu.memory_space<hbm>> -> memref<1x128xi32, #tpu.memory_space<hbm>>
      %dma_start3A_287 = tpu.memref_squeeze %dma_start3A_286 : memref<1x128xi32, #tpu.memory_space<hbm>> -> memref<128xi32, #tpu.memory_space<hbm>>
      %dma_start3A_288 = tpu.memref_slice %arg2[%dma_start3A_285, %mul3A_284] : memref<2x344064xi32, #tpu.memory_space<hbm>> -> memref<1x128xi32, #tpu.memory_space<hbm>>
      %dma_start3A_289 = tpu.memref_squeeze %dma_start3A_288 : memref<1x128xi32, #tpu.memory_space<hbm>> -> memref<128xi32, #tpu.memory_space<hbm>>
      tpu.enqueue_dma source(%dma_start3A_289 : memref<128xi32, #tpu.memory_space<hbm>>) target(%arg8 : memref<128xi32, #tpu.memory_space<vmem>>) target_semaphore(%arg19 : memref<!tpu.dma_semaphore, #tpu.memory_space<semaphore_mem>>)
    }
    %scan3A_77 = arith.constant 27 : i32
    %dma_wait3A_78 = arith.constant 0 : i32
    %dma_wait3A_79 = arith.constant 0 : i32
    %dma_wait3A_80 = tpu.memref_slice %arg3[%dma_wait3A_78, %dma_wait3A_79] : memref<10112x128xf32, #tpu.memory_space<hbm>> -> memref<10112x128xf32, #tpu.memory_space<hbm>>
    tpu.wait_indirect_dma semaphore(%arg24 : memref<!tpu.dma_semaphore, #tpu.memory_space<semaphore_mem>>) src(%dma_wait3A_80 : memref<10112x128xf32, #tpu.memory_space<hbm>>) dst(%arg13 : memref<128x128xf32, #tpu.memory_space<vmem>>)
    %dma_wait3A_81 = arith.constant 0 : i32
    %dma_wait3A_82 = arith.constant 0 : i32
    %dma_wait3A_83 = tpu.memref_slice %arg3[%dma_wait3A_81, %dma_wait3A_82] : memref<10112x128xf32, #tpu.memory_space<hbm>> -> memref<10112x128xf32, #tpu.memory_space<hbm>>
    tpu.wait_indirect_dma semaphore(%arg25 : memref<!tpu.dma_semaphore, #tpu.memory_space<semaphore_mem>>) src(%dma_wait3A_83 : memref<10112x128xf32, #tpu.memory_space<hbm>>) dst(%arg14 : memref<128x128xf32, #tpu.memory_space<vmem>>)
    %dma_wait3A_84 = arith.constant 0 : i32
    %dma_wait3A_85 = arith.constant 0 : i32
    %dma_wait3A_86 = tpu.memref_slice %arg16[%dma_wait3A_84, %dma_wait3A_85] : memref<10112x128xf32, #tpu.memory_space<vmem_shared>> -> memref<10112x128xf32, #tpu.memory_space<vmem_shared>>
    tpu.wait_indirect_dma semaphore(%arg29 : memref<!tpu.dma_semaphore, #tpu.memory_space<semaphore_mem>>) src(%arg15 : memref<128x128xf32, #tpu.memory_space<vmem>>) dst(%dma_wait3A_86 : memref<10112x128xf32, #tpu.memory_space<vmem_shared>>)
    %add3A_87 = arith.constant 0 : i32
    %add3A_88 = arith.addi %add3A, %add3A_87 : i32
    %mul3A_89 = arith.constant 128 : i32
    %mul3A_90 = arith.muli %add3A_88, %mul3A_89 : i32
    %dma_wait3A_91 = arith.constant 0 : i32
    %dma_wait3A_92 = tpu.memref_slice %arg2[%dma_wait3A_91, %mul3A_90] : memref<2x344064xi32, #tpu.memory_space<hbm>> -> memref<1x128xi32, #tpu.memory_space<hbm>>
    %dma_wait3A_93 = tpu.memref_squeeze %dma_wait3A_92 : memref<1x128xi32, #tpu.memory_space<hbm>> -> memref<128xi32, #tpu.memory_space<hbm>>
    %dma_wait3A_94 = tpu.memref_slice %arg2[%dma_wait3A_91, %mul3A_90] : memref<2x344064xi32, #tpu.memory_space<hbm>> -> memref<1x128xi32, #tpu.memory_space<hbm>>
    %dma_wait3A_95 = tpu.memref_squeeze %dma_wait3A_94 : memref<1x128xi32, #tpu.memory_space<hbm>> -> memref<128xi32, #tpu.memory_space<hbm>>
    tpu.wait_dma2 semaphore(%arg19 : memref<!tpu.dma_semaphore, #tpu.memory_space<semaphore_mem>>) src(%dma_wait3A_95 : memref<128xi32, #tpu.memory_space<hbm>>) dst(%arg8 : memref<128xi32, #tpu.memory_space<vmem>>)
    %add3A_96 = arith.constant 0 : i32
    %add3A_97 = arith.addi %add3A, %add3A_96 : i32
    %mul3A_98 = arith.constant 128 : i32
    %mul3A_99 = arith.muli %add3A_97, %mul3A_98 : i32
    %dma_wait3A_100 = arith.constant 1 : i32
    %dma_wait3A_101 = tpu.memref_slice %arg2[%dma_wait3A_100, %mul3A_99] : memref<2x344064xi32, #tpu.memory_space<hbm>> -> memref<1x128xi32, #tpu.memory_space<hbm>>
    %dma_wait3A_102 = tpu.memref_squeeze %dma_wait3A_101 : memref<1x128xi32, #tpu.memory_space<hbm>> -> memref<128xi32, #tpu.memory_space<hbm>>
    %dma_wait3A_103 = tpu.memref_slice %arg2[%dma_wait3A_100, %mul3A_99] : memref<2x344064xi32, #tpu.memory_space<hbm>> -> memref<1x128xi32, #tpu.memory_space<hbm>>
    %dma_wait3A_104 = tpu.memref_squeeze %dma_wait3A_103 : memref<1x128xi32, #tpu.memory_space<hbm>> -> memref<128xi32, #tpu.memory_space<hbm>>
    tpu.wait_dma2 semaphore(%arg20 : memref<!tpu.dma_semaphore, #tpu.memory_space<semaphore_mem>>) src(%dma_wait3A_104 : memref<128xi32, #tpu.memory_space<hbm>>) dst(%arg9 : memref<128xi32, #tpu.memory_space<vmem>>)
    %add3A_105 = arith.constant 0 : i32
    %add3A_106 = arith.addi %add3A, %add3A_105 : i32
    %mul3A_107 = arith.constant 128 : i32
    %mul3A_108 = arith.muli %add3A_106, %mul3A_107 : i32
    %dma_wait3A_109 = arith.constant 1 : i32
    %dma_wait3A_110 = tpu.memref_slice %arg2[%dma_wait3A_109, %mul3A_108] : memref<2x344064xi32, #tpu.memory_space<hbm>> -> memref<1x128xi32, #tpu.memory_space<hbm>>
    %dma_wait3A_111 = tpu.memref_squeeze %dma_wait3A_110 : memref<1x128xi32, #tpu.memory_space<hbm>> -> memref<128xi32, #tpu.memory_space<hbm>>
    %dma_wait3A_112 = tpu.memref_slice %arg2[%dma_wait3A_109, %mul3A_108] : memref<2x344064xi32, #tpu.memory_space<hbm>> -> memref<1x128xi32, #tpu.memory_space<hbm>>
    %dma_wait3A_113 = tpu.memref_squeeze %dma_wait3A_112 : memref<1x128xi32, #tpu.memory_space<hbm>> -> memref<128xi32, #tpu.memory_space<hbm>>
    tpu.wait_dma2 semaphore(%arg21 : memref<!tpu.dma_semaphore, #tpu.memory_space<semaphore_mem>>) src(%dma_wait3A_113 : memref<128xi32, #tpu.memory_space<hbm>>) dst(%arg10 : memref<128xi32, #tpu.memory_space<vmem>>)
    %barrier3A_114 = arith.constant 0 : index
    tpu.barrier barrier_id(%barrier3A_114)
    "tpu.region"() ({
      %run_scoped3A_115 = tpu.sem_alloc : memref<!tpu.dma_semaphore, #tpu.memory_space<semaphore_mem>>
      %dma_start3A_116 = arith.constant 0 : i32
      %dma_start3A_117 = tpu.memref_slice %arg5[%arg0, %mul3A_2, %dma_start3A_116] : memref<2x10112x128xf32, #tpu.memory_space<hbm>> -> memref<1x632x128xf32, #tpu.memory_space<hbm>>
      %dma_start3A_118 = tpu.memref_squeeze %dma_start3A_117 : memref<1x632x128xf32, #tpu.memory_space<hbm>> -> memref<632x128xf32, #tpu.memory_space<hbm>>
      %dma_start3A_119 = arith.constant 0 : i32
      %dma_start3A_120 = tpu.memref_slice %arg16[%mul3A_2, %dma_start3A_119] : memref<10112x128xf32, #tpu.memory_space<vmem_shared>> -> memref<632x128xf32, #tpu.memory_space<vmem_shared>>
      tpu.enqueue_dma source(%dma_start3A_120 : memref<632x128xf32, #tpu.memory_space<vmem_shared>>) target(%dma_start3A_118 : memref<632x128xf32, #tpu.memory_space<hbm>>) target_semaphore(%run_scoped3A_115 : memref<!tpu.dma_semaphore, #tpu.memory_space<semaphore_mem>>)
      %dma_wait3A_121 = arith.constant 0 : i32
      %dma_wait3A_122 = tpu.memref_slice %arg5[%arg0, %mul3A_2, %dma_wait3A_121] : memref<2x10112x128xf32, #tpu.memory_space<hbm>> -> memref<1x632x128xf32, #tpu.memory_space<hbm>>
      %dma_wait3A_123 = tpu.memref_squeeze %dma_wait3A_122 : memref<1x632x128xf32, #tpu.memory_space<hbm>> -> memref<632x128xf32, #tpu.memory_space<hbm>>
      %dma_wait3A_124 = arith.constant 0 : i32
      %dma_wait3A_125 = tpu.memref_slice %arg16[%mul3A_2, %dma_wait3A_124] : memref<10112x128xf32, #tpu.memory_space<vmem_shared>> -> memref<632x128xf32, #tpu.memory_space<vmem_shared>>
      tpu.wait_dma2 semaphore(%run_scoped3A_115 : memref<!tpu.dma_semaphore, #tpu.memory_space<semaphore_mem>>) src(%dma_wait3A_125 : memref<632x128xf32, #tpu.memory_space<vmem_shared>>) dst(%dma_wait3A_123 : memref<632x128xf32, #tpu.memory_space<hbm>>)
      tpu.yield
    }) : () -> ()
    return
  }
}

#map = affine_map<(d0, d1) -> (0, 0)>
#map1 = affine_map<(d0, d1) -> (0, 0, 0)>
module attributes {stable_mosaic.version = 14 : i64} {
  func.func @_sc_segment_sum_body(%arg0: i32, %arg1: i32, %arg2: memref<2x344064xi32, #tpu.memory_space<hbm>>, %arg3: memref<10112x128xf32, #tpu.memory_space<hbm>>, %arg4: memref<10112x128xf32, #tpu.memory_space<hbm>>, %arg5: memref<2x10112x128xf32, #tpu.memory_space<hbm>>, %arg6: memref<128xi32, #tpu.memory_space<vmem>>, %arg7: memref<128xi32, #tpu.memory_space<vmem>>, %arg8: memref<128xi32, #tpu.memory_space<vmem>>, %arg9: memref<128xi32, #tpu.memory_space<vmem>>, %arg10: memref<128xi32, #tpu.memory_space<vmem>>, %arg11: memref<128xi32, #tpu.memory_space<vmem>>, %arg12: memref<128xi32, #tpu.memory_space<vmem>>, %arg13: memref<128x128xf32, #tpu.memory_space<vmem>>, %arg14: memref<128x128xf32, #tpu.memory_space<vmem>>, %arg15: memref<128x128xf32, #tpu.memory_space<vmem>>, %arg16: memref<10112x128xf32, #tpu.memory_space<vmem_shared>>, %arg17: memref<!tpu.dma_semaphore, #tpu.memory_space<semaphore_mem>>, %arg18: memref<!tpu.dma_semaphore, #tpu.memory_space<semaphore_mem>>, %arg19: memref<!tpu.dma_semaphore, #tpu.memory_space<semaphore_mem>>, %arg20: memref<!tpu.dma_semaphore, #tpu.memory_space<semaphore_mem>>, %arg21: memref<!tpu.dma_semaphore, #tpu.memory_space<semaphore_mem>>, %arg22: memref<!tpu.dma_semaphore, #tpu.memory_space<semaphore_mem>>, %arg23: memref<!tpu.dma_semaphore, #tpu.memory_space<semaphore_mem>>, %arg24: memref<!tpu.dma_semaphore, #tpu.memory_space<semaphore_mem>>, %arg25: memref<!tpu.dma_semaphore, #tpu.memory_space<semaphore_mem>>, %arg26: memref<!tpu.dma_semaphore, #tpu.memory_space<semaphore_mem>>, %arg27: memref<!tpu.dma_semaphore, #tpu.memory_space<semaphore_mem>>, %arg28: memref<!tpu.dma_semaphore, #tpu.memory_space<semaphore_mem>>, %arg29: memref<!tpu.dma_semaphore, #tpu.memory_space<semaphore_mem>>) attributes {dimension_semantics = [#tpu.dimension_semantics<core_parallel>, #tpu.dimension_semantics<subcore_parallel>], iteration_bounds = array<i64: 2, 16>, scalar_prefetch = 0 : i64, scratch_operands = 24 : i64, tpu.core_type = #tpu.core_type<sc_vector_subcore>, window_params = [{transform_indices = #map}, {transform_indices = #map}, {transform_indices = #map}, {transform_indices = #map1}]} {
    %mul3A = arith.constant 2 : i32
    %mul3A_0 = arith.muli %arg1, %mul3A : i32
    %add3A = arith.addi %mul3A_0, %arg0 : i32
    %mul3A_1 = arith.constant 632 : i32
    %mul3A_2 = arith.muli %arg1, %mul3A_1 : i32
    %add3A_3 = arith.constant 0 : i32
    %add3A_4 = arith.addi %add3A, %add3A_3 : i32
    %mul3A_5 = arith.constant 128 : i32
    %mul3A_6 = arith.muli %add3A_4, %mul3A_5 : i32
    %dma_start3A = arith.constant 0 : i32
    %dma_start3A_7 = tpu.memref_slice %arg2[%dma_start3A, %mul3A_6] : memref<2x344064xi32, #tpu.memory_space<hbm>> -> memref<1x128xi32, #tpu.memory_space<hbm>>
    %dma_start3A_8 = tpu.memref_squeeze %dma_start3A_7 : memref<1x128xi32, #tpu.memory_space<hbm>> -> memref<128xi32, #tpu.memory_space<hbm>>
    %dma_start3A_9 = tpu.memref_slice %arg2[%dma_start3A, %mul3A_6] : memref<2x344064xi32, #tpu.memory_space<hbm>> -> memref<1x128xi32, #tpu.memory_space<hbm>>
    %dma_start3A_10 = tpu.memref_squeeze %dma_start3A_9 : memref<1x128xi32, #tpu.memory_space<hbm>> -> memref<128xi32, #tpu.memory_space<hbm>>
    tpu.enqueue_dma source(%dma_start3A_10 : memref<128xi32, #tpu.memory_space<hbm>>) target(%arg6 : memref<128xi32, #tpu.memory_space<vmem>>) target_semaphore(%arg17 : memref<!tpu.dma_semaphore, #tpu.memory_space<semaphore_mem>>)
    %add3A_11 = arith.constant 32 : i32
    %add3A_12 = arith.addi %add3A, %add3A_11 : i32
    %mul3A_13 = arith.constant 128 : i32
    %mul3A_14 = arith.muli %add3A_12, %mul3A_13 : i32
    %dma_start3A_15 = arith.constant 0 : i32
    %dma_start3A_16 = tpu.memref_slice %arg2[%dma_start3A_15, %mul3A_14] : memref<2x344064xi32, #tpu.memory_space<hbm>> -> memref<1x128xi32, #tpu.memory_space<hbm>>
    %dma_start3A_17 = tpu.memref_squeeze %dma_start3A_16 : memref<1x128xi32, #tpu.memory_space<hbm>> -> memref<128xi32, #tpu.memory_space<hbm>>
    %dma_start3A_18 = tpu.memref_slice %arg2[%dma_start3A_15, %mul3A_14] : memref<2x344064xi32, #tpu.memory_space<hbm>> -> memref<1x128xi32, #tpu.memory_space<hbm>>
    %dma_start3A_19 = tpu.memref_squeeze %dma_start3A_18 : memref<1x128xi32, #tpu.memory_space<hbm>> -> memref<128xi32, #tpu.memory_space<hbm>>
    tpu.enqueue_dma source(%dma_start3A_19 : memref<128xi32, #tpu.memory_space<hbm>>) target(%arg7 : memref<128xi32, #tpu.memory_space<vmem>>) target_semaphore(%arg18 : memref<!tpu.dma_semaphore, #tpu.memory_space<semaphore_mem>>)
    %add3A_20 = arith.constant 64 : i32
    %add3A_21 = arith.addi %add3A, %add3A_20 : i32
    %mul3A_22 = arith.constant 128 : i32
    %mul3A_23 = arith.muli %add3A_21, %mul3A_22 : i32
    %dma_start3A_24 = arith.constant 0 : i32
    %dma_start3A_25 = tpu.memref_slice %arg2[%dma_start3A_24, %mul3A_23] : memref<2x344064xi32, #tpu.memory_space<hbm>> -> memref<1x128xi32, #tpu.memory_space<hbm>>
    %dma_start3A_26 = tpu.memref_squeeze %dma_start3A_25 : memref<1x128xi32, #tpu.memory_space<hbm>> -> memref<128xi32, #tpu.memory_space<hbm>>
    %dma_start3A_27 = tpu.memref_slice %arg2[%dma_start3A_24, %mul3A_23] : memref<2x344064xi32, #tpu.memory_space<hbm>> -> memref<1x128xi32, #tpu.memory_space<hbm>>
    %dma_start3A_28 = tpu.memref_squeeze %dma_start3A_27 : memref<1x128xi32, #tpu.memory_space<hbm>> -> memref<128xi32, #tpu.memory_space<hbm>>
    tpu.enqueue_dma source(%dma_start3A_28 : memref<128xi32, #tpu.memory_space<hbm>>) target(%arg8 : memref<128xi32, #tpu.memory_space<vmem>>) target_semaphore(%arg19 : memref<!tpu.dma_semaphore, #tpu.memory_space<semaphore_mem>>)
    %add3A_29 = arith.constant 0 : i32
    %add3A_30 = arith.addi %add3A, %add3A_29 : i32
    %mul3A_31 = arith.constant 128 : i32
    %mul3A_32 = arith.muli %add3A_30, %mul3A_31 : i32
    %dma_start3A_33 = arith.constant 1 : i32
    %dma_start3A_34 = tpu.memref_slice %arg2[%dma_start3A_33, %mul3A_32] : memref<2x344064xi32, #tpu.memory_space<hbm>> -> memref<1x128xi32, #tpu.memory_space<hbm>>
    %dma_start3A_35 = tpu.memref_squeeze %dma_start3A_34 : memref<1x128xi32, #tpu.memory_space<hbm>> -> memref<128xi32, #tpu.memory_space<hbm>>
    %dma_start3A_36 = tpu.memref_slice %arg2[%dma_start3A_33, %mul3A_32] : memref<2x344064xi32, #tpu.memory_space<hbm>> -> memref<1x128xi32, #tpu.memory_space<hbm>>
    %dma_start3A_37 = tpu.memref_squeeze %dma_start3A_36 : memref<1x128xi32, #tpu.memory_space<hbm>> -> memref<128xi32, #tpu.memory_space<hbm>>
    tpu.enqueue_dma source(%dma_start3A_37 : memref<128xi32, #tpu.memory_space<hbm>>) target(%arg9 : memref<128xi32, #tpu.memory_space<vmem>>) target_semaphore(%arg20 : memref<!tpu.dma_semaphore, #tpu.memory_space<semaphore_mem>>)
    %add3A_38 = arith.constant 32 : i32
    %add3A_39 = arith.addi %add3A, %add3A_38 : i32
    %mul3A_40 = arith.constant 128 : i32
    %mul3A_41 = arith.muli %add3A_39, %mul3A_40 : i32
    %dma_start3A_42 = arith.constant 1 : i32
    %dma_start3A_43 = tpu.memref_slice %arg2[%dma_start3A_42, %mul3A_41] : memref<2x344064xi32, #tpu.memory_space<hbm>> -> memref<1x128xi32, #tpu.memory_space<hbm>>
    %dma_start3A_44 = tpu.memref_squeeze %dma_start3A_43 : memref<1x128xi32, #tpu.memory_space<hbm>> -> memref<128xi32, #tpu.memory_space<hbm>>
    %dma_start3A_45 = tpu.memref_slice %arg2[%dma_start3A_42, %mul3A_41] : memref<2x344064xi32, #tpu.memory_space<hbm>> -> memref<1x128xi32, #tpu.memory_space<hbm>>
    %dma_start3A_46 = tpu.memref_squeeze %dma_start3A_45 : memref<1x128xi32, #tpu.memory_space<hbm>> -> memref<128xi32, #tpu.memory_space<hbm>>
    tpu.enqueue_dma source(%dma_start3A_46 : memref<128xi32, #tpu.memory_space<hbm>>) target(%arg10 : memref<128xi32, #tpu.memory_space<vmem>>) target_semaphore(%arg21 : memref<!tpu.dma_semaphore, #tpu.memory_space<semaphore_mem>>)
    %add3A_47 = arith.constant 0 : i32
    %add3A_48 = arith.addi %add3A, %add3A_47 : i32
    %mul3A_49 = arith.constant 128 : i32
    %mul3A_50 = arith.muli %add3A_48, %mul3A_49 : i32
    %dma_wait3A = arith.constant 0 : i32
    %dma_wait3A_51 = tpu.memref_slice %arg2[%dma_wait3A, %mul3A_50] : memref<2x344064xi32, #tpu.memory_space<hbm>> -> memref<1x128xi32, #tpu.memory_space<hbm>>
    %dma_wait3A_52 = tpu.memref_squeeze %dma_wait3A_51 : memref<1x128xi32, #tpu.memory_space<hbm>> -> memref<128xi32, #tpu.memory_space<hbm>>
    %dma_wait3A_53 = tpu.memref_slice %arg2[%dma_wait3A, %mul3A_50] : memref<2x344064xi32, #tpu.memory_space<hbm>> -> memref<1x128xi32, #tpu.memory_space<hbm>>
    %dma_wait3A_54 = tpu.memref_squeeze %dma_wait3A_53 : memref<1x128xi32, #tpu.memory_space<hbm>> -> memref<128xi32, #tpu.memory_space<hbm>>
    tpu.wait_dma2 semaphore(%arg17 : memref<!tpu.dma_semaphore, #tpu.memory_space<semaphore_mem>>) src(%dma_wait3A_54 : memref<128xi32, #tpu.memory_space<hbm>>) dst(%arg6 : memref<128xi32, #tpu.memory_space<vmem>>)
    %dma_start3A_55 = arith.constant 0 : i32
    %dma_start3A_56 = arith.constant 0 : i32
    %dma_start3A_57 = tpu.memref_slice %arg3[%dma_start3A_55, %dma_start3A_56] : memref<10112x128xf32, #tpu.memory_space<hbm>> -> memref<10112x128xf32, #tpu.memory_space<hbm>>
    tpu.enqueue_indirect_dma source(%dma_start3A_57 : memref<10112x128xf32, #tpu.memory_space<hbm>>) target(%arg13 : memref<128x128xf32, #tpu.memory_space<vmem>>) offsets(%arg6 : memref<128xi32, #tpu.memory_space<vmem>>) semaphore(%arg24 : memref<!tpu.dma_semaphore, #tpu.memory_space<semaphore_mem>>)
    %add3A_58 = arith.constant 0 : i32
    %add3A_59 = arith.addi %add3A, %add3A_58 : i32
    %mul3A_60 = arith.constant 128 : i32
    %mul3A_61 = arith.muli %add3A_59, %mul3A_60 : i32
    %dma_wait3A_62 = arith.constant 0 : i32
    %dma_wait3A_63 = tpu.memref_slice %arg2[%dma_wait3A_62, %mul3A_61] : memref<2x344064xi32, #tpu.memory_space<hbm>> -> memref<1x128xi32, #tpu.memory_space<hbm>>
    %dma_wait3A_64 = tpu.memref_squeeze %dma_wait3A_63 : memref<1x128xi32, #tpu.memory_space<hbm>> -> memref<128xi32, #tpu.memory_space<hbm>>
    %dma_wait3A_65 = tpu.memref_slice %arg2[%dma_wait3A_62, %mul3A_61] : memref<2x344064xi32, #tpu.memory_space<hbm>> -> memref<1x128xi32, #tpu.memory_space<hbm>>
    %dma_wait3A_66 = tpu.memref_squeeze %dma_wait3A_65 : memref<1x128xi32, #tpu.memory_space<hbm>> -> memref<128xi32, #tpu.memory_space<hbm>>
    tpu.wait_dma2 semaphore(%arg18 : memref<!tpu.dma_semaphore, #tpu.memory_space<semaphore_mem>>) src(%dma_wait3A_66 : memref<128xi32, #tpu.memory_space<hbm>>) dst(%arg7 : memref<128xi32, #tpu.memory_space<vmem>>)
    %dma_start3A_67 = arith.constant 0 : i32
    %dma_start3A_68 = arith.constant 0 : i32
    %dma_start3A_69 = tpu.memref_slice %arg3[%dma_start3A_67, %dma_start3A_68] : memref<10112x128xf32, #tpu.memory_space<hbm>> -> memref<10112x128xf32, #tpu.memory_space<hbm>>
    tpu.enqueue_indirect_dma source(%dma_start3A_69 : memref<10112x128xf32, #tpu.memory_space<hbm>>) target(%arg14 : memref<128x128xf32, #tpu.memory_space<vmem>>) offsets(%arg7 : memref<128xi32, #tpu.memory_space<vmem>>) semaphore(%arg25 : memref<!tpu.dma_semaphore, #tpu.memory_space<semaphore_mem>>)
    %run_scoped3A = arith.constant 1 : i32
    "tpu.region"() ({
      %run_scoped3A_115 = tpu.sem_alloc : memref<!tpu.dma_semaphore, #tpu.memory_space<semaphore_mem>>
      %dma_start3A_116 = arith.constant 320000 : i32
      %dma_start3A_117 = tpu.memref_slice %arg2[%run_scoped3A, %dma_start3A_116] : memref<2x344064xi32, #tpu.memory_space<hbm>> -> memref<1x128xi32, #tpu.memory_space<hbm>>
      %dma_start3A_118 = tpu.memref_squeeze %dma_start3A_117 : memref<1x128xi32, #tpu.memory_space<hbm>> -> memref<128xi32, #tpu.memory_space<hbm>>
      %dma_start3A_119 = arith.constant 320000 : i32
      %dma_start3A_120 = tpu.memref_slice %arg2[%run_scoped3A, %dma_start3A_119] : memref<2x344064xi32, #tpu.memory_space<hbm>> -> memref<1x128xi32, #tpu.memory_space<hbm>>
      %dma_start3A_121 = tpu.memref_squeeze %dma_start3A_120 : memref<1x128xi32, #tpu.memory_space<hbm>> -> memref<128xi32, #tpu.memory_space<hbm>>
      tpu.enqueue_dma source(%dma_start3A_121 : memref<128xi32, #tpu.memory_space<hbm>>) target(%arg12 : memref<128xi32, #tpu.memory_space<vmem>>) target_semaphore(%run_scoped3A_115 : memref<!tpu.dma_semaphore, #tpu.memory_space<semaphore_mem>>)
      %dma_wait3A_122 = arith.constant 320000 : i32
      %dma_wait3A_123 = tpu.memref_slice %arg2[%run_scoped3A, %dma_wait3A_122] : memref<2x344064xi32, #tpu.memory_space<hbm>> -> memref<1x128xi32, #tpu.memory_space<hbm>>
      %dma_wait3A_124 = tpu.memref_squeeze %dma_wait3A_123 : memref<1x128xi32, #tpu.memory_space<hbm>> -> memref<128xi32, #tpu.memory_space<hbm>>
      %dma_wait3A_125 = arith.constant 320000 : i32
      %dma_wait3A_126 = tpu.memref_slice %arg2[%run_scoped3A, %dma_wait3A_125] : memref<2x344064xi32, #tpu.memory_space<hbm>> -> memref<1x128xi32, #tpu.memory_space<hbm>>
      %dma_wait3A_127 = tpu.memref_squeeze %dma_wait3A_126 : memref<1x128xi32, #tpu.memory_space<hbm>> -> memref<128xi32, #tpu.memory_space<hbm>>
      tpu.wait_dma2 semaphore(%run_scoped3A_115 : memref<!tpu.dma_semaphore, #tpu.memory_space<semaphore_mem>>) src(%dma_wait3A_127 : memref<128xi32, #tpu.memory_space<hbm>>) dst(%arg12 : memref<128xi32, #tpu.memory_space<vmem>>)
      tpu.yield
    }) : () -> ()
    %dma_start3A_70 = arith.constant 0 : i32
    %dma_start3A_71 = arith.constant 0 : i32
    %dma_start3A_72 = tpu.memref_slice %arg16[%dma_start3A_70, %dma_start3A_71] : memref<10112x128xf32, #tpu.memory_space<vmem_shared>> -> memref<10112x128xf32, #tpu.memory_space<vmem_shared>>
    tpu.enqueue_indirect_dma source(%arg15 : memref<128x128xf32, #tpu.memory_space<vmem>>) target(%dma_start3A_72 : memref<10112x128xf32, #tpu.memory_space<vmem_shared>>) offsets(%arg12 : memref<128xi32, #tpu.memory_space<vmem>>) semaphore(%arg29 : memref<!tpu.dma_semaphore, #tpu.memory_space<semaphore_mem>>) {add = true}
    "tpu.region"() ({
      %run_scoped3A_115 = tpu.sem_alloc : memref<!tpu.dma_semaphore, #tpu.memory_space<semaphore_mem>>
      %dma_start3A_116 = arith.constant 0 : i32
      %dma_start3A_117 = tpu.memref_slice %arg16[%mul3A_2, %dma_start3A_116] : memref<10112x128xf32, #tpu.memory_space<vmem_shared>> -> memref<632x128xf32, #tpu.memory_space<vmem_shared>>
      %dma_start3A_118 = arith.constant 0 : i32
      %dma_start3A_119 = tpu.memref_slice %arg4[%mul3A_2, %dma_start3A_118] : memref<10112x128xf32, #tpu.memory_space<hbm>> -> memref<632x128xf32, #tpu.memory_space<hbm>>
      tpu.enqueue_dma source(%dma_start3A_119 : memref<632x128xf32, #tpu.memory_space<hbm>>) target(%dma_start3A_117 : memref<632x128xf32, #tpu.memory_space<vmem_shared>>) target_semaphore(%run_scoped3A_115 : memref<!tpu.dma_semaphore, #tpu.memory_space<semaphore_mem>>)
      %dma_wait3A_120 = arith.constant 0 : i32
      %dma_wait3A_121 = tpu.memref_slice %arg16[%mul3A_2, %dma_wait3A_120] : memref<10112x128xf32, #tpu.memory_space<vmem_shared>> -> memref<632x128xf32, #tpu.memory_space<vmem_shared>>
      %dma_wait3A_122 = arith.constant 0 : i32
      %dma_wait3A_123 = tpu.memref_slice %arg4[%mul3A_2, %dma_wait3A_122] : memref<10112x128xf32, #tpu.memory_space<hbm>> -> memref<632x128xf32, #tpu.memory_space<hbm>>
      tpu.wait_dma2 semaphore(%run_scoped3A_115 : memref<!tpu.dma_semaphore, #tpu.memory_space<semaphore_mem>>) src(%dma_wait3A_123 : memref<632x128xf32, #tpu.memory_space<hbm>>) dst(%dma_wait3A_121 : memref<632x128xf32, #tpu.memory_space<vmem_shared>>)
      tpu.yield
    }) : () -> ()
    %barrier3A = arith.constant 0 : index
    tpu.barrier barrier_id(%barrier3A)
    %scan3A = arith.constant 0 : i32
    %scan3A_73 = arith.constant 0 : i32
    %scan3A_74 = arith.constant 27 : i32
    %scan3A_75 = arith.addi %scan3A_73, %scan3A_74 : i32
    %scan3A_76 = arith.constant 1 : i32
    scf.for %scan3A_115 = %scan3A_73 to %scan3A_75 step %scan3A_76  : i32 {
      %mul3A_116 = arith.constant 3 : i32
      %mul3A_117 = arith.muli %mul3A_116, %scan3A_115 : i32
      %add3A_118 = arith.constant 0 : i32
      %add3A_119 = arith.addi %mul3A_117, %add3A_118 : i32
      %dma_wait3A_120 = arith.constant 0 : i32
      %dma_wait3A_121 = arith.constant 0 : i32
      %dma_wait3A_122 = tpu.memref_slice %arg16[%dma_wait3A_120, %dma_wait3A_121] : memref<10112x128xf32, #tpu.memory_space<vmem_shared>> -> memref<10112x128xf32, #tpu.memory_space<vmem_shared>>
      tpu.wait_indirect_dma semaphore(%arg29 : memref<!tpu.dma_semaphore, #tpu.memory_space<semaphore_mem>>) src(%arg15 : memref<128x128xf32, #tpu.memory_space<vmem>>) dst(%dma_wait3A_122 : memref<10112x128xf32, #tpu.memory_space<vmem_shared>>)
      %add3A_123 = arith.constant 2 : i32
      %add3A_124 = arith.addi %add3A_119, %add3A_123 : i32
      %mul3A_125 = arith.constant 32 : i32
      %mul3A_126 = arith.muli %mul3A_125, %add3A_124 : i32
      %add3A_127 = arith.addi %add3A, %mul3A_126 : i32
      %mul3A_128 = arith.constant 128 : i32
      %mul3A_129 = arith.muli %add3A_127, %mul3A_128 : i32
      %dma_start3A_130 = arith.constant 1 : i32
      %dma_start3A_131 = tpu.memref_slice %arg2[%dma_start3A_130, %mul3A_129] : memref<2x344064xi32, #tpu.memory_space<hbm>> -> memref<1x128xi32, #tpu.memory_space<hbm>>
      %dma_start3A_132 = tpu.memref_squeeze %dma_start3A_131 : memref<1x128xi32, #tpu.memory_space<hbm>> -> memref<128xi32, #tpu.memory_space<hbm>>
      %dma_start3A_133 = tpu.memref_slice %arg2[%dma_start3A_130, %mul3A_129] : memref<2x344064xi32, #tpu.memory_space<hbm>> -> memref<1x128xi32, #tpu.memory_space<hbm>>
      %dma_start3A_134 = tpu.memref_squeeze %dma_start3A_133 : memref<1x128xi32, #tpu.memory_space<hbm>> -> memref<128xi32, #tpu.memory_space<hbm>>
      tpu.enqueue_dma source(%dma_start3A_134 : memref<128xi32, #tpu.memory_space<hbm>>) target(%arg11 : memref<128xi32, #tpu.memory_space<vmem>>) target_semaphore(%arg22 : memref<!tpu.dma_semaphore, #tpu.memory_space<semaphore_mem>>)
      %add3A_135 = arith.constant 0 : i32
      %add3A_136 = arith.addi %add3A, %add3A_135 : i32
      %mul3A_137 = arith.constant 128 : i32
      %mul3A_138 = arith.muli %add3A_136, %mul3A_137 : i32
      %dma_wait3A_139 = arith.constant 0 : i32
      %dma_wait3A_140 = tpu.memref_slice %arg2[%dma_wait3A_139, %mul3A_138] : memref<2x344064xi32, #tpu.memory_space<hbm>> -> memref<1x128xi32, #tpu.memory_space<hbm>>
      %dma_wait3A_141 = tpu.memref_squeeze %dma_wait3A_140 : memref<1x128xi32, #tpu.memory_space<hbm>> -> memref<128xi32, #tpu.memory_space<hbm>>
      %dma_wait3A_142 = tpu.memref_slice %arg2[%dma_wait3A_139, %mul3A_138] : memref<2x344064xi32, #tpu.memory_space<hbm>> -> memref<1x128xi32, #tpu.memory_space<hbm>>
      %dma_wait3A_143 = tpu.memref_squeeze %dma_wait3A_142 : memref<1x128xi32, #tpu.memory_space<hbm>> -> memref<128xi32, #tpu.memory_space<hbm>>
      tpu.wait_dma2 semaphore(%arg19 : memref<!tpu.dma_semaphore, #tpu.memory_space<semaphore_mem>>) src(%dma_wait3A_143 : memref<128xi32, #tpu.memory_space<hbm>>) dst(%arg8 : memref<128xi32, #tpu.memory_space<vmem>>)
      %dma_start3A_144 = arith.constant 0 : i32
      %dma_start3A_145 = arith.constant 0 : i32
      %dma_start3A_146 = tpu.memref_slice %arg3[%dma_start3A_144, %dma_start3A_145] : memref<10112x128xf32, #tpu.memory_space<hbm>> -> memref<10112x128xf32, #tpu.memory_space<hbm>>
      tpu.enqueue_indirect_dma source(%dma_start3A_146 : memref<10112x128xf32, #tpu.memory_space<hbm>>) target(%arg15 : memref<128x128xf32, #tpu.memory_space<vmem>>) offsets(%arg8 : memref<128xi32, #tpu.memory_space<vmem>>) semaphore(%arg26 : memref<!tpu.dma_semaphore, #tpu.memory_space<semaphore_mem>>)
      %dma_wait3A_147 = arith.constant 0 : i32
      %dma_wait3A_148 = arith.constant 0 : i32
      %dma_wait3A_149 = tpu.memref_slice %arg3[%dma_wait3A_147, %dma_wait3A_148] : memref<10112x128xf32, #tpu.memory_space<hbm>> -> memref<10112x128xf32, #tpu.memory_space<hbm>>
      tpu.wait_indirect_dma semaphore(%arg24 : memref<!tpu.dma_semaphore, #tpu.memory_space<semaphore_mem>>) src(%dma_wait3A_149 : memref<10112x128xf32, #tpu.memory_space<hbm>>) dst(%arg13 : memref<128x128xf32, #tpu.memory_space<vmem>>)
      %add3A_150 = arith.constant 0 : i32
      %add3A_151 = arith.addi %add3A, %add3A_150 : i32
      %mul3A_152 = arith.constant 128 : i32
      %mul3A_153 = arith.muli %add3A_151, %mul3A_152 : i32
      %dma_wait3A_154 = arith.constant 1 : i32
      %dma_wait3A_155 = tpu.memref_slice %arg2[%dma_wait3A_154, %mul3A_153] : memref<2x344064xi32, #tpu.memory_space<hbm>> -> memref<1x128xi32, #tpu.memory_space<hbm>>
      %dma_wait3A_156 = tpu.memref_squeeze %dma_wait3A_155 : memref<1x128xi32, #tpu.memory_space<hbm>> -> memref<128xi32, #tpu.memory_space<hbm>>
      %dma_wait3A_157 = tpu.memref_slice %arg2[%dma_wait3A_154, %mul3A_153] : memref<2x344064xi32, #tpu.memory_space<hbm>> -> memref<1x128xi32, #tpu.memory_space<hbm>>
      %dma_wait3A_158 = tpu.memref_squeeze %dma_wait3A_157 : memref<1x128xi32, #tpu.memory_space<hbm>> -> memref<128xi32, #tpu.memory_space<hbm>>
      tpu.wait_dma2 semaphore(%arg20 : memref<!tpu.dma_semaphore, #tpu.memory_space<semaphore_mem>>) src(%dma_wait3A_158 : memref<128xi32, #tpu.memory_space<hbm>>) dst(%arg9 : memref<128xi32, #tpu.memory_space<vmem>>)
      %dma_start3A_159 = arith.constant 0 : i32
      %dma_start3A_160 = arith.constant 0 : i32
      %dma_start3A_161 = tpu.memref_slice %arg16[%dma_start3A_159, %dma_start3A_160] : memref<10112x128xf32, #tpu.memory_space<vmem_shared>> -> memref<10112x128xf32, #tpu.memory_space<vmem_shared>>
      tpu.enqueue_indirect_dma source(%arg13 : memref<128x128xf32, #tpu.memory_space<vmem>>) target(%dma_start3A_161 : memref<10112x128xf32, #tpu.memory_space<vmem_shared>>) offsets(%arg9 : memref<128xi32, #tpu.memory_space<vmem>>) semaphore(%arg27 : memref<!tpu.dma_semaphore, #tpu.memory_space<semaphore_mem>>) {add = true}
      %add3A_162 = arith.constant 3 : i32
      %add3A_163 = arith.addi %add3A_119, %add3A_162 : i32
      %mul3A_164 = arith.constant 32 : i32
      %mul3A_165 = arith.muli %mul3A_164, %add3A_163 : i32
      %add3A_166 = arith.addi %add3A, %mul3A_165 : i32
      %mul3A_167 = arith.constant 128 : i32
      %mul3A_168 = arith.muli %add3A_166, %mul3A_167 : i32
      %dma_start3A_169 = arith.constant 0 : i32
      %dma_start3A_170 = tpu.memref_slice %arg2[%dma_start3A_169, %mul3A_168] : memref<2x344064xi32, #tpu.memory_space<hbm>> -> memref<1x128xi32, #tpu.memory_space<hbm>>
      %dma_start3A_171 = tpu.memref_squeeze %dma_start3A_170 : memref<1x128xi32, #tpu.memory_space<hbm>> -> memref<128xi32, #tpu.memory_space<hbm>>
      %dma_start3A_172 = tpu.memref_slice %arg2[%dma_start3A_169, %mul3A_168] : memref<2x344064xi32, #tpu.memory_space<hbm>> -> memref<1x128xi32, #tpu.memory_space<hbm>>
      %dma_start3A_173 = tpu.memref_squeeze %dma_start3A_172 : memref<1x128xi32, #tpu.memory_space<hbm>> -> memref<128xi32, #tpu.memory_space<hbm>>
      tpu.enqueue_dma source(%dma_start3A_173 : memref<128xi32, #tpu.memory_space<hbm>>) target(%arg6 : memref<128xi32, #tpu.memory_space<vmem>>) target_semaphore(%arg17 : memref<!tpu.dma_semaphore, #tpu.memory_space<semaphore_mem>>)
      %mul3A_174 = arith.constant 3 : i32
      %mul3A_175 = arith.muli %mul3A_174, %scan3A_115 : i32
      %add3A_176 = arith.constant 1 : i32
      %add3A_177 = arith.addi %mul3A_175, %add3A_176 : i32
      %dma_wait3A_178 = arith.constant 0 : i32
      %dma_wait3A_179 = arith.constant 0 : i32
      %dma_wait3A_180 = tpu.memref_slice %arg16[%dma_wait3A_178, %dma_wait3A_179] : memref<10112x128xf32, #tpu.memory_space<vmem_shared>> -> memref<10112x128xf32, #tpu.memory_space<vmem_shared>>
      tpu.wait_indirect_dma semaphore(%arg27 : memref<!tpu.dma_semaphore, #tpu.memory_space<semaphore_mem>>) src(%arg13 : memref<128x128xf32, #tpu.memory_space<vmem>>) dst(%dma_wait3A_180 : memref<10112x128xf32, #tpu.memory_space<vmem_shared>>)
      %add3A_181 = arith.constant 2 : i32
      %add3A_182 = arith.addi %add3A_177, %add3A_181 : i32
      %mul3A_183 = arith.constant 32 : i32
      %mul3A_184 = arith.muli %mul3A_183, %add3A_182 : i32
      %add3A_185 = arith.addi %add3A, %mul3A_184 : i32
      %mul3A_186 = arith.constant 128 : i32
      %mul3A_187 = arith.muli %add3A_185, %mul3A_186 : i32
      %dma_start3A_188 = arith.constant 1 : i32
      %dma_start3A_189 = tpu.memref_slice %arg2[%dma_start3A_188, %mul3A_187] : memref<2x344064xi32, #tpu.memory_space<hbm>> -> memref<1x128xi32, #tpu.memory_space<hbm>>
      %dma_start3A_190 = tpu.memref_squeeze %dma_start3A_189 : memref<1x128xi32, #tpu.memory_space<hbm>> -> memref<128xi32, #tpu.memory_space<hbm>>
      %dma_start3A_191 = tpu.memref_slice %arg2[%dma_start3A_188, %mul3A_187] : memref<2x344064xi32, #tpu.memory_space<hbm>> -> memref<1x128xi32, #tpu.memory_space<hbm>>
      %dma_start3A_192 = tpu.memref_squeeze %dma_start3A_191 : memref<1x128xi32, #tpu.memory_space<hbm>> -> memref<128xi32, #tpu.memory_space<hbm>>
      tpu.enqueue_dma source(%dma_start3A_192 : memref<128xi32, #tpu.memory_space<hbm>>) target(%arg9 : memref<128xi32, #tpu.memory_space<vmem>>) target_semaphore(%arg20 : memref<!tpu.dma_semaphore, #tpu.memory_space<semaphore_mem>>)
      %add3A_193 = arith.constant 0 : i32
      %add3A_194 = arith.addi %add3A, %add3A_193 : i32
      %mul3A_195 = arith.constant 128 : i32
      %mul3A_196 = arith.muli %add3A_194, %mul3A_195 : i32
      %dma_wait3A_197 = arith.constant 0 : i32
      %dma_wait3A_198 = tpu.memref_slice %arg2[%dma_wait3A_197, %mul3A_196] : memref<2x344064xi32, #tpu.memory_space<hbm>> -> memref<1x128xi32, #tpu.memory_space<hbm>>
      %dma_wait3A_199 = tpu.memref_squeeze %dma_wait3A_198 : memref<1x128xi32, #tpu.memory_space<hbm>> -> memref<128xi32, #tpu.memory_space<hbm>>
      %dma_wait3A_200 = tpu.memref_slice %arg2[%dma_wait3A_197, %mul3A_196] : memref<2x344064xi32, #tpu.memory_space<hbm>> -> memref<1x128xi32, #tpu.memory_space<hbm>>
      %dma_wait3A_201 = tpu.memref_squeeze %dma_wait3A_200 : memref<1x128xi32, #tpu.memory_space<hbm>> -> memref<128xi32, #tpu.memory_space<hbm>>
      tpu.wait_dma2 semaphore(%arg17 : memref<!tpu.dma_semaphore, #tpu.memory_space<semaphore_mem>>) src(%dma_wait3A_201 : memref<128xi32, #tpu.memory_space<hbm>>) dst(%arg6 : memref<128xi32, #tpu.memory_space<vmem>>)
      %dma_start3A_202 = arith.constant 0 : i32
      %dma_start3A_203 = arith.constant 0 : i32
      %dma_start3A_204 = tpu.memref_slice %arg3[%dma_start3A_202, %dma_start3A_203] : memref<10112x128xf32, #tpu.memory_space<hbm>> -> memref<10112x128xf32, #tpu.memory_space<hbm>>
      tpu.enqueue_indirect_dma source(%dma_start3A_204 : memref<10112x128xf32, #tpu.memory_space<hbm>>) target(%arg13 : memref<128x128xf32, #tpu.memory_space<vmem>>) offsets(%arg6 : memref<128xi32, #tpu.memory_space<vmem>>) semaphore(%arg24 : memref<!tpu.dma_semaphore, #tpu.memory_space<semaphore_mem>>)
      %dma_wait3A_205 = arith.constant 0 : i32
      %dma_wait3A_206 = arith.constant 0 : i32
      %dma_wait3A_207 = tpu.memref_slice %arg3[%dma_wait3A_205, %dma_wait3A_206] : memref<10112x128xf32, #tpu.memory_space<hbm>> -> memref<10112x128xf32, #tpu.memory_space<hbm>>
      tpu.wait_indirect_dma semaphore(%arg25 : memref<!tpu.dma_semaphore, #tpu.memory_space<semaphore_mem>>) src(%dma_wait3A_207 : memref<10112x128xf32, #tpu.memory_space<hbm>>) dst(%arg14 : memref<128x128xf32, #tpu.memory_space<vmem>>)
      %add3A_208 = arith.constant 0 : i32
      %add3A_209 = arith.addi %add3A, %add3A_208 : i32
      %mul3A_210 = arith.constant 128 : i32
      %mul3A_211 = arith.muli %add3A_209, %mul3A_210 : i32
      %dma_wait3A_212 = arith.constant 1 : i32
      %dma_wait3A_213 = tpu.memref_slice %arg2[%dma_wait3A_212, %mul3A_211] : memref<2x344064xi32, #tpu.memory_space<hbm>> -> memref<1x128xi32, #tpu.memory_space<hbm>>
      %dma_wait3A_214 = tpu.memref_squeeze %dma_wait3A_213 : memref<1x128xi32, #tpu.memory_space<hbm>> -> memref<128xi32, #tpu.memory_space<hbm>>
      %dma_wait3A_215 = tpu.memref_slice %arg2[%dma_wait3A_212, %mul3A_211] : memref<2x344064xi32, #tpu.memory_space<hbm>> -> memref<1x128xi32, #tpu.memory_space<hbm>>
      %dma_wait3A_216 = tpu.memref_squeeze %dma_wait3A_215 : memref<1x128xi32, #tpu.memory_space<hbm>> -> memref<128xi32, #tpu.memory_space<hbm>>
      tpu.wait_dma2 semaphore(%arg21 : memref<!tpu.dma_semaphore, #tpu.memory_space<semaphore_mem>>) src(%dma_wait3A_216 : memref<128xi32, #tpu.memory_space<hbm>>) dst(%arg10 : memref<128xi32, #tpu.memory_space<vmem>>)
      %dma_start3A_217 = arith.constant 0 : i32
      %dma_start3A_218 = arith.constant 0 : i32
      %dma_start3A_219 = tpu.memref_slice %arg16[%dma_start3A_217, %dma_start3A_218] : memref<10112x128xf32, #tpu.memory_space<vmem_shared>> -> memref<10112x128xf32, #tpu.memory_space<vmem_shared>>
      tpu.enqueue_indirect_dma source(%arg14 : memref<128x128xf32, #tpu.memory_space<vmem>>) target(%dma_start3A_219 : memref<10112x128xf32, #tpu.memory_space<vmem_shared>>) offsets(%arg10 : memref<128xi32, #tpu.memory_space<vmem>>) semaphore(%arg28 : memref<!tpu.dma_semaphore, #tpu.memory_space<semaphore_mem>>) {add = true}
      %add3A_220 = arith.constant 3 : i32
      %add3A_221 = arith.addi %add3A_177, %add3A_220 : i32
      %mul3A_222 = arith.constant 32 : i32
      %mul3A_223 = arith.muli %mul3A_222, %add3A_221 : i32
      %add3A_224 = arith.addi %add3A, %mul3A_223 : i32
      %mul3A_225 = arith.constant 128 : i32
      %mul3A_226 = arith.muli %add3A_224, %mul3A_225 : i32
      %dma_start3A_227 = arith.constant 0 : i32
      %dma_start3A_228 = tpu.memref_slice %arg2[%dma_start3A_227, %mul3A_226] : memref<2x344064xi32, #tpu.memory_space<hbm>> -> memref<1x128xi32, #tpu.memory_space<hbm>>
      %dma_start3A_229 = tpu.memref_squeeze %dma_start3A_228 : memref<1x128xi32, #tpu.memory_space<hbm>> -> memref<128xi32, #tpu.memory_space<hbm>>
      %dma_start3A_230 = tpu.memref_slice %arg2[%dma_start3A_227, %mul3A_226] : memref<2x344064xi32, #tpu.memory_space<hbm>> -> memref<1x128xi32, #tpu.memory_space<hbm>>
      %dma_start3A_231 = tpu.memref_squeeze %dma_start3A_230 : memref<1x128xi32, #tpu.memory_space<hbm>> -> memref<128xi32, #tpu.memory_space<hbm>>
      tpu.enqueue_dma source(%dma_start3A_231 : memref<128xi32, #tpu.memory_space<hbm>>) target(%arg7 : memref<128xi32, #tpu.memory_space<vmem>>) target_semaphore(%arg18 : memref<!tpu.dma_semaphore, #tpu.memory_space<semaphore_mem>>)
      %mul3A_232 = arith.constant 3 : i32
      %mul3A_233 = arith.muli %mul3A_232, %scan3A_115 : i32
      %add3A_234 = arith.constant 2 : i32
      %add3A_235 = arith.addi %mul3A_233, %add3A_234 : i32
      %dma_wait3A_236 = arith.constant 0 : i32
      %dma_wait3A_237 = arith.constant 0 : i32
      %dma_wait3A_238 = tpu.memref_slice %arg16[%dma_wait3A_236, %dma_wait3A_237] : memref<10112x128xf32, #tpu.memory_space<vmem_shared>> -> memref<10112x128xf32, #tpu.memory_space<vmem_shared>>
      tpu.wait_indirect_dma semaphore(%arg28 : memref<!tpu.dma_semaphore, #tpu.memory_space<semaphore_mem>>) src(%arg14 : memref<128x128xf32, #tpu.memory_space<vmem>>) dst(%dma_wait3A_238 : memref<10112x128xf32, #tpu.memory_space<vmem_shared>>)
      %add3A_239 = arith.constant 2 : i32
      %add3A_240 = arith.addi %add3A_235, %add3A_239 : i32
      %mul3A_241 = arith.constant 32 : i32
      %mul3A_242 = arith.muli %mul3A_241, %add3A_240 : i32
      %add3A_243 = arith.addi %add3A, %mul3A_242 : i32
      %mul3A_244 = arith.constant 128 : i32
      %mul3A_245 = arith.muli %add3A_243, %mul3A_244 : i32
      %dma_start3A_246 = arith.constant 1 : i32
      %dma_start3A_247 = tpu.memref_slice %arg2[%dma_start3A_246, %mul3A_245] : memref<2x344064xi32, #tpu.memory_space<hbm>> -> memref<1x128xi32, #tpu.memory_space<hbm>>
      %dma_start3A_248 = tpu.memref_squeeze %dma_start3A_247 : memref<1x128xi32, #tpu.memory_space<hbm>> -> memref<128xi32, #tpu.memory_space<hbm>>
      %dma_start3A_249 = tpu.memref_slice %arg2[%dma_start3A_246, %mul3A_245] : memref<2x344064xi32, #tpu.memory_space<hbm>> -> memref<1x128xi32, #tpu.memory_space<hbm>>
      %dma_start3A_250 = tpu.memref_squeeze %dma_start3A_249 : memref<1x128xi32, #tpu.memory_space<hbm>> -> memref<128xi32, #tpu.memory_space<hbm>>
      tpu.enqueue_dma source(%dma_start3A_250 : memref<128xi32, #tpu.memory_space<hbm>>) target(%arg10 : memref<128xi32, #tpu.memory_space<vmem>>) target_semaphore(%arg21 : memref<!tpu.dma_semaphore, #tpu.memory_space<semaphore_mem>>)
      %add3A_251 = arith.constant 0 : i32
      %add3A_252 = arith.addi %add3A, %add3A_251 : i32
      %mul3A_253 = arith.constant 128 : i32
      %mul3A_254 = arith.muli %add3A_252, %mul3A_253 : i32
      %dma_wait3A_255 = arith.constant 0 : i32
      %dma_wait3A_256 = tpu.memref_slice %arg2[%dma_wait3A_255, %mul3A_254] : memref<2x344064xi32, #tpu.memory_space<hbm>> -> memref<1x128xi32, #tpu.memory_space<hbm>>
      %dma_wait3A_257 = tpu.memref_squeeze %dma_wait3A_256 : memref<1x128xi32, #tpu.memory_space<hbm>> -> memref<128xi32, #tpu.memory_space<hbm>>
      %dma_wait3A_258 = tpu.memref_slice %arg2[%dma_wait3A_255, %mul3A_254] : memref<2x344064xi32, #tpu.memory_space<hbm>> -> memref<1x128xi32, #tpu.memory_space<hbm>>
      %dma_wait3A_259 = tpu.memref_squeeze %dma_wait3A_258 : memref<1x128xi32, #tpu.memory_space<hbm>> -> memref<128xi32, #tpu.memory_space<hbm>>
      tpu.wait_dma2 semaphore(%arg18 : memref<!tpu.dma_semaphore, #tpu.memory_space<semaphore_mem>>) src(%dma_wait3A_259 : memref<128xi32, #tpu.memory_space<hbm>>) dst(%arg7 : memref<128xi32, #tpu.memory_space<vmem>>)
      %dma_start3A_260 = arith.constant 0 : i32
      %dma_start3A_261 = arith.constant 0 : i32
      %dma_start3A_262 = tpu.memref_slice %arg3[%dma_start3A_260, %dma_start3A_261] : memref<10112x128xf32, #tpu.memory_space<hbm>> -> memref<10112x128xf32, #tpu.memory_space<hbm>>
      tpu.enqueue_indirect_dma source(%dma_start3A_262 : memref<10112x128xf32, #tpu.memory_space<hbm>>) target(%arg14 : memref<128x128xf32, #tpu.memory_space<vmem>>) offsets(%arg7 : memref<128xi32, #tpu.memory_space<vmem>>) semaphore(%arg25 : memref<!tpu.dma_semaphore, #tpu.memory_space<semaphore_mem>>)
      %dma_wait3A_263 = arith.constant 0 : i32
      %dma_wait3A_264 = arith.constant 0 : i32
      %dma_wait3A_265 = tpu.memref_slice %arg3[%dma_wait3A_263, %dma_wait3A_264] : memref<10112x128xf32, #tpu.memory_space<hbm>> -> memref<10112x128xf32, #tpu.memory_space<hbm>>
      tpu.wait_indirect_dma semaphore(%arg26 : memref<!tpu.dma_semaphore, #tpu.memory_space<semaphore_mem>>) src(%dma_wait3A_265 : memref<10112x128xf32, #tpu.memory_space<hbm>>) dst(%arg15 : memref<128x128xf32, #tpu.memory_space<vmem>>)
      %add3A_266 = arith.constant 0 : i32
      %add3A_267 = arith.addi %add3A, %add3A_266 : i32
      %mul3A_268 = arith.constant 128 : i32
      %mul3A_269 = arith.muli %add3A_267, %mul3A_268 : i32
      %dma_wait3A_270 = arith.constant 1 : i32
      %dma_wait3A_271 = tpu.memref_slice %arg2[%dma_wait3A_270, %mul3A_269] : memref<2x344064xi32, #tpu.memory_space<hbm>> -> memref<1x128xi32, #tpu.memory_space<hbm>>
      %dma_wait3A_272 = tpu.memref_squeeze %dma_wait3A_271 : memref<1x128xi32, #tpu.memory_space<hbm>> -> memref<128xi32, #tpu.memory_space<hbm>>
      %dma_wait3A_273 = tpu.memref_slice %arg2[%dma_wait3A_270, %mul3A_269] : memref<2x344064xi32, #tpu.memory_space<hbm>> -> memref<1x128xi32, #tpu.memory_space<hbm>>
      %dma_wait3A_274 = tpu.memref_squeeze %dma_wait3A_273 : memref<1x128xi32, #tpu.memory_space<hbm>> -> memref<128xi32, #tpu.memory_space<hbm>>
      tpu.wait_dma2 semaphore(%arg22 : memref<!tpu.dma_semaphore, #tpu.memory_space<semaphore_mem>>) src(%dma_wait3A_274 : memref<128xi32, #tpu.memory_space<hbm>>) dst(%arg11 : memref<128xi32, #tpu.memory_space<vmem>>)
      %dma_start3A_275 = arith.constant 0 : i32
      %dma_start3A_276 = arith.constant 0 : i32
      %dma_start3A_277 = tpu.memref_slice %arg16[%dma_start3A_275, %dma_start3A_276] : memref<10112x128xf32, #tpu.memory_space<vmem_shared>> -> memref<10112x128xf32, #tpu.memory_space<vmem_shared>>
      tpu.enqueue_indirect_dma source(%arg15 : memref<128x128xf32, #tpu.memory_space<vmem>>) target(%dma_start3A_277 : memref<10112x128xf32, #tpu.memory_space<vmem_shared>>) offsets(%arg11 : memref<128xi32, #tpu.memory_space<vmem>>) semaphore(%arg29 : memref<!tpu.dma_semaphore, #tpu.memory_space<semaphore_mem>>) {add = true}
      %add3A_278 = arith.constant 3 : i32
      %add3A_279 = arith.addi %add3A_235, %add3A_278 : i32
      %mul3A_280 = arith.constant 32 : i32
      %mul3A_281 = arith.muli %mul3A_280, %add3A_279 : i32
      %add3A_282 = arith.addi %add3A, %mul3A_281 : i32
      %mul3A_283 = arith.constant 128 : i32
      %mul3A_284 = arith.muli %add3A_282, %mul3A_283 : i32
      %dma_start3A_285 = arith.constant 0 : i32
      %dma_start3A_286 = tpu.memref_slice %arg2[%dma_start3A_285, %mul3A_284] : memref<2x344064xi32, #tpu.memory_space<hbm>> -> memref<1x128xi32, #tpu.memory_space<hbm>>
      %dma_start3A_287 = tpu.memref_squeeze %dma_start3A_286 : memref<1x128xi32, #tpu.memory_space<hbm>> -> memref<128xi32, #tpu.memory_space<hbm>>
      %dma_start3A_288 = tpu.memref_slice %arg2[%dma_start3A_285, %mul3A_284] : memref<2x344064xi32, #tpu.memory_space<hbm>> -> memref<1x128xi32, #tpu.memory_space<hbm>>
      %dma_start3A_289 = tpu.memref_squeeze %dma_start3A_288 : memref<1x128xi32, #tpu.memory_space<hbm>> -> memref<128xi32, #tpu.memory_space<hbm>>
      tpu.enqueue_dma source(%dma_start3A_289 : memref<128xi32, #tpu.memory_space<hbm>>) target(%arg8 : memref<128xi32, #tpu.memory_space<vmem>>) target_semaphore(%arg19 : memref<!tpu.dma_semaphore, #tpu.memory_space<semaphore_mem>>)
    }
    %scan3A_77 = arith.constant 27 : i32
    %dma_wait3A_78 = arith.constant 0 : i32
    %dma_wait3A_79 = arith.constant 0 : i32
    %dma_wait3A_80 = tpu.memref_slice %arg3[%dma_wait3A_78, %dma_wait3A_79] : memref<10112x128xf32, #tpu.memory_space<hbm>> -> memref<10112x128xf32, #tpu.memory_space<hbm>>
    tpu.wait_indirect_dma semaphore(%arg24 : memref<!tpu.dma_semaphore, #tpu.memory_space<semaphore_mem>>) src(%dma_wait3A_80 : memref<10112x128xf32, #tpu.memory_space<hbm>>) dst(%arg13 : memref<128x128xf32, #tpu.memory_space<vmem>>)
    %dma_wait3A_81 = arith.constant 0 : i32
    %dma_wait3A_82 = arith.constant 0 : i32
    %dma_wait3A_83 = tpu.memref_slice %arg3[%dma_wait3A_81, %dma_wait3A_82] : memref<10112x128xf32, #tpu.memory_space<hbm>> -> memref<10112x128xf32, #tpu.memory_space<hbm>>
    tpu.wait_indirect_dma semaphore(%arg25 : memref<!tpu.dma_semaphore, #tpu.memory_space<semaphore_mem>>) src(%dma_wait3A_83 : memref<10112x128xf32, #tpu.memory_space<hbm>>) dst(%arg14 : memref<128x128xf32, #tpu.memory_space<vmem>>)
    %dma_wait3A_84 = arith.constant 0 : i32
    %dma_wait3A_85 = arith.constant 0 : i32
    %dma_wait3A_86 = tpu.memref_slice %arg16[%dma_wait3A_84, %dma_wait3A_85] : memref<10112x128xf32, #tpu.memory_space<vmem_shared>> -> memref<10112x128xf32, #tpu.memory_space<vmem_shared>>
    tpu.wait_indirect_dma semaphore(%arg29 : memref<!tpu.dma_semaphore, #tpu.memory_space<semaphore_mem>>) src(%arg15 : memref<128x128xf32, #tpu.memory_space<vmem>>) dst(%dma_wait3A_86 : memref<10112x128xf32, #tpu.memory_space<vmem_shared>>)
    %add3A_87 = arith.constant 0 : i32
    %add3A_88 = arith.addi %add3A, %add3A_87 : i32
    %mul3A_89 = arith.constant 128 : i32
    %mul3A_90 = arith.muli %add3A_88, %mul3A_89 : i32
    %dma_wait3A_91 = arith.constant 0 : i32
    %dma_wait3A_92 = tpu.memref_slice %arg2[%dma_wait3A_91, %mul3A_90] : memref<2x344064xi32, #tpu.memory_space<hbm>> -> memref<1x128xi32, #tpu.memory_space<hbm>>
    %dma_wait3A_93 = tpu.memref_squeeze %dma_wait3A_92 : memref<1x128xi32, #tpu.memory_space<hbm>> -> memref<128xi32, #tpu.memory_space<hbm>>
    %dma_wait3A_94 = tpu.memref_slice %arg2[%dma_wait3A_91, %mul3A_90] : memref<2x344064xi32, #tpu.memory_space<hbm>> -> memref<1x128xi32, #tpu.memory_space<hbm>>
    %dma_wait3A_95 = tpu.memref_squeeze %dma_wait3A_94 : memref<1x128xi32, #tpu.memory_space<hbm>> -> memref<128xi32, #tpu.memory_space<hbm>>
    tpu.wait_dma2 semaphore(%arg19 : memref<!tpu.dma_semaphore, #tpu.memory_space<semaphore_mem>>) src(%dma_wait3A_95 : memref<128xi32, #tpu.memory_space<hbm>>) dst(%arg8 : memref<128xi32, #tpu.memory_space<vmem>>)
    %add3A_96 = arith.constant 0 : i32
    %add3A_97 = arith.addi %add3A, %add3A_96 : i32
    %mul3A_98 = arith.constant 128 : i32
    %mul3A_99 = arith.muli %add3A_97, %mul3A_98 : i32
    %dma_wait3A_100 = arith.constant 1 : i32
    %dma_wait3A_101 = tpu.memref_slice %arg2[%dma_wait3A_100, %mul3A_99] : memref<2x344064xi32, #tpu.memory_space<hbm>> -> memref<1x128xi32, #tpu.memory_space<hbm>>
    %dma_wait3A_102 = tpu.memref_squeeze %dma_wait3A_101 : memref<1x128xi32, #tpu.memory_space<hbm>> -> memref<128xi32, #tpu.memory_space<hbm>>
    %dma_wait3A_103 = tpu.memref_slice %arg2[%dma_wait3A_100, %mul3A_99] : memref<2x344064xi32, #tpu.memory_space<hbm>> -> memref<1x128xi32, #tpu.memory_space<hbm>>
    %dma_wait3A_104 = tpu.memref_squeeze %dma_wait3A_103 : memref<1x128xi32, #tpu.memory_space<hbm>> -> memref<128xi32, #tpu.memory_space<hbm>>
    tpu.wait_dma2 semaphore(%arg20 : memref<!tpu.dma_semaphore, #tpu.memory_space<semaphore_mem>>) src(%dma_wait3A_104 : memref<128xi32, #tpu.memory_space<hbm>>) dst(%arg9 : memref<128xi32, #tpu.memory_space<vmem>>)
    %add3A_105 = arith.constant 0 : i32
    %add3A_106 = arith.addi %add3A, %add3A_105 : i32
    %mul3A_107 = arith.constant 128 : i32
    %mul3A_108 = arith.muli %add3A_106, %mul3A_107 : i32
    %dma_wait3A_109 = arith.constant 1 : i32
    %dma_wait3A_110 = tpu.memref_slice %arg2[%dma_wait3A_109, %mul3A_108] : memref<2x344064xi32, #tpu.memory_space<hbm>> -> memref<1x128xi32, #tpu.memory_space<hbm>>
    %dma_wait3A_111 = tpu.memref_squeeze %dma_wait3A_110 : memref<1x128xi32, #tpu.memory_space<hbm>> -> memref<128xi32, #tpu.memory_space<hbm>>
    %dma_wait3A_112 = tpu.memref_slice %arg2[%dma_wait3A_109, %mul3A_108] : memref<2x344064xi32, #tpu.memory_space<hbm>> -> memref<1x128xi32, #tpu.memory_space<hbm>>
    %dma_wait3A_113 = tpu.memref_squeeze %dma_wait3A_112 : memref<1x128xi32, #tpu.memory_space<hbm>> -> memref<128xi32, #tpu.memory_space<hbm>>
    tpu.wait_dma2 semaphore(%arg21 : memref<!tpu.dma_semaphore, #tpu.memory_space<semaphore_mem>>) src(%dma_wait3A_113 : memref<128xi32, #tpu.memory_space<hbm>>) dst(%arg10 : memref<128xi32, #tpu.memory_space<vmem>>)
    %barrier3A_114 = arith.constant 0 : index
    tpu.barrier barrier_id(%barrier3A_114)
    "tpu.region"() ({
      %run_scoped3A_115 = tpu.sem_alloc : memref<!tpu.dma_semaphore, #tpu.memory_space<semaphore_mem>>
      %dma_start3A_116 = arith.constant 0 : i32
      %dma_start3A_117 = tpu.memref_slice %arg5[%arg0, %mul3A_2, %dma_start3A_116] : memref<2x10112x128xf32, #tpu.memory_space<hbm>> -> memref<1x632x128xf32, #tpu.memory_space<hbm>>
      %dma_start3A_118 = tpu.memref_squeeze %dma_start3A_117 : memref<1x632x128xf32, #tpu.memory_space<hbm>> -> memref<632x128xf32, #tpu.memory_space<hbm>>
      %dma_start3A_119 = arith.constant 0 : i32
      %dma_start3A_120 = tpu.memref_slice %arg16[%mul3A_2, %dma_start3A_119] : memref<10112x128xf32, #tpu.memory_space<vmem_shared>> -> memref<632x128xf32, #tpu.memory_space<vmem_shared>>
      tpu.enqueue_dma source(%dma_start3A_120 : memref<632x128xf32, #tpu.memory_space<vmem_shared>>) target(%dma_start3A_118 : memref<632x128xf32, #tpu.memory_space<hbm>>) target_semaphore(%run_scoped3A_115 : memref<!tpu.dma_semaphore, #tpu.memory_space<semaphore_mem>>)
      %dma_wait3A_121 = arith.constant 0 : i32
      %dma_wait3A_122 = tpu.memref_slice %arg5[%arg0, %mul3A_2, %dma_wait3A_121] : memref<2x10112x128xf32, #tpu.memory_space<hbm>> -> memref<1x632x128xf32, #tpu.memory_space<hbm>>
      %dma_wait3A_123 = tpu.memref_squeeze %dma_wait3A_122 : memref<1x632x128xf32, #tpu.memory_space<hbm>> -> memref<632x128xf32, #tpu.memory_space<hbm>>
      %dma_wait3A_124 = arith.constant 0 : i32
      %dma_wait3A_125 = tpu.memref_slice %arg16[%mul3A_2, %dma_wait3A_124] : memref<10112x128xf32, #tpu.memory_space<vmem_shared>> -> memref<632x128xf32, #tpu.memory_space<vmem_shared>>
      tpu.wait_dma2 semaphore(%run_scoped3A_115 : memref<!tpu.dma_semaphore, #tpu.memory_space<semaphore_mem>>) src(%dma_wait3A_125 : memref<632x128xf32, #tpu.memory_space<vmem_shared>>) dst(%dma_wait3A_123 : memref<632x128xf32, #tpu.memory_space<hbm>>)
      tpu.yield
    }) : () -> ()
    return
  }
}

#map = affine_map<(d0, d1) -> (0, 0)>
#map1 = affine_map<(d0, d1) -> (0, 0, 0)>
module attributes {stable_mosaic.version = 14 : i64} {
  func.func @_sc_segment_sum_body(%arg0: i32, %arg1: i32, %arg2: memref<2x344064xi32, #tpu.memory_space<hbm>>, %arg3: memref<10000x128xf32, #tpu.memory_space<hbm>>, %arg4: memref<10112x128xf32, #tpu.memory_space<hbm>>, %arg5: memref<2x10112x128xf32, #tpu.memory_space<hbm>>, %arg6: memref<128xi32, #tpu.memory_space<vmem>>, %arg7: memref<128xi32, #tpu.memory_space<vmem>>, %arg8: memref<128xi32, #tpu.memory_space<vmem>>, %arg9: memref<128xi32, #tpu.memory_space<vmem>>, %arg10: memref<128xi32, #tpu.memory_space<vmem>>, %arg11: memref<128xi32, #tpu.memory_space<vmem>>, %arg12: memref<128xi32, #tpu.memory_space<vmem>>, %arg13: memref<128x128xf32, #tpu.memory_space<vmem>>, %arg14: memref<128x128xf32, #tpu.memory_space<vmem>>, %arg15: memref<128x128xf32, #tpu.memory_space<vmem>>, %arg16: memref<10112x128xf32, #tpu.memory_space<vmem_shared>>, %arg17: memref<!tpu.dma_semaphore, #tpu.memory_space<semaphore_mem>>, %arg18: memref<!tpu.dma_semaphore, #tpu.memory_space<semaphore_mem>>, %arg19: memref<!tpu.dma_semaphore, #tpu.memory_space<semaphore_mem>>, %arg20: memref<!tpu.dma_semaphore, #tpu.memory_space<semaphore_mem>>, %arg21: memref<!tpu.dma_semaphore, #tpu.memory_space<semaphore_mem>>, %arg22: memref<!tpu.dma_semaphore, #tpu.memory_space<semaphore_mem>>, %arg23: memref<!tpu.dma_semaphore, #tpu.memory_space<semaphore_mem>>, %arg24: memref<!tpu.dma_semaphore, #tpu.memory_space<semaphore_mem>>, %arg25: memref<!tpu.dma_semaphore, #tpu.memory_space<semaphore_mem>>, %arg26: memref<!tpu.dma_semaphore, #tpu.memory_space<semaphore_mem>>, %arg27: memref<!tpu.dma_semaphore, #tpu.memory_space<semaphore_mem>>, %arg28: memref<!tpu.dma_semaphore, #tpu.memory_space<semaphore_mem>>, %arg29: memref<!tpu.dma_semaphore, #tpu.memory_space<semaphore_mem>>) attributes {dimension_semantics = [#tpu.dimension_semantics<core_parallel>, #tpu.dimension_semantics<subcore_parallel>], iteration_bounds = array<i64: 2, 16>, scalar_prefetch = 0 : i64, scratch_operands = 24 : i64, tpu.core_type = #tpu.core_type<sc_vector_subcore>, window_params = [{transform_indices = #map}, {transform_indices = #map}, {transform_indices = #map}, {transform_indices = #map1}]} {
    %mul3A = arith.constant 2 : i32
    %mul3A_0 = arith.muli %arg1, %mul3A : i32
    %add3A = arith.addi %mul3A_0, %arg0 : i32
    %mul3A_1 = arith.constant 632 : i32
    %mul3A_2 = arith.muli %arg1, %mul3A_1 : i32
    %add3A_3 = arith.constant 0 : i32
    %add3A_4 = arith.addi %add3A, %add3A_3 : i32
    %mul3A_5 = arith.constant 128 : i32
    %mul3A_6 = arith.muli %add3A_4, %mul3A_5 : i32
    %dma_start3A = arith.constant 0 : i32
    %dma_start3A_7 = tpu.memref_slice %arg2[%dma_start3A, %mul3A_6] : memref<2x344064xi32, #tpu.memory_space<hbm>> -> memref<1x128xi32, #tpu.memory_space<hbm>>
    %dma_start3A_8 = tpu.memref_squeeze %dma_start3A_7 : memref<1x128xi32, #tpu.memory_space<hbm>> -> memref<128xi32, #tpu.memory_space<hbm>>
    %dma_start3A_9 = tpu.memref_slice %arg2[%dma_start3A, %mul3A_6] : memref<2x344064xi32, #tpu.memory_space<hbm>> -> memref<1x128xi32, #tpu.memory_space<hbm>>
    %dma_start3A_10 = tpu.memref_squeeze %dma_start3A_9 : memref<1x128xi32, #tpu.memory_space<hbm>> -> memref<128xi32, #tpu.memory_space<hbm>>
    tpu.enqueue_dma source(%dma_start3A_10 : memref<128xi32, #tpu.memory_space<hbm>>) target(%arg6 : memref<128xi32, #tpu.memory_space<vmem>>) target_semaphore(%arg17 : memref<!tpu.dma_semaphore, #tpu.memory_space<semaphore_mem>>)
    %add3A_11 = arith.constant 32 : i32
    %add3A_12 = arith.addi %add3A, %add3A_11 : i32
    %mul3A_13 = arith.constant 128 : i32
    %mul3A_14 = arith.muli %add3A_12, %mul3A_13 : i32
    %dma_start3A_15 = arith.constant 0 : i32
    %dma_start3A_16 = tpu.memref_slice %arg2[%dma_start3A_15, %mul3A_14] : memref<2x344064xi32, #tpu.memory_space<hbm>> -> memref<1x128xi32, #tpu.memory_space<hbm>>
    %dma_start3A_17 = tpu.memref_squeeze %dma_start3A_16 : memref<1x128xi32, #tpu.memory_space<hbm>> -> memref<128xi32, #tpu.memory_space<hbm>>
    %dma_start3A_18 = tpu.memref_slice %arg2[%dma_start3A_15, %mul3A_14] : memref<2x344064xi32, #tpu.memory_space<hbm>> -> memref<1x128xi32, #tpu.memory_space<hbm>>
    %dma_start3A_19 = tpu.memref_squeeze %dma_start3A_18 : memref<1x128xi32, #tpu.memory_space<hbm>> -> memref<128xi32, #tpu.memory_space<hbm>>
    tpu.enqueue_dma source(%dma_start3A_19 : memref<128xi32, #tpu.memory_space<hbm>>) target(%arg7 : memref<128xi32, #tpu.memory_space<vmem>>) target_semaphore(%arg18 : memref<!tpu.dma_semaphore, #tpu.memory_space<semaphore_mem>>)
    %add3A_20 = arith.constant 64 : i32
    %add3A_21 = arith.addi %add3A, %add3A_20 : i32
    %mul3A_22 = arith.constant 128 : i32
    %mul3A_23 = arith.muli %add3A_21, %mul3A_22 : i32
    %dma_start3A_24 = arith.constant 0 : i32
    %dma_start3A_25 = tpu.memref_slice %arg2[%dma_start3A_24, %mul3A_23] : memref<2x344064xi32, #tpu.memory_space<hbm>> -> memref<1x128xi32, #tpu.memory_space<hbm>>
    %dma_start3A_26 = tpu.memref_squeeze %dma_start3A_25 : memref<1x128xi32, #tpu.memory_space<hbm>> -> memref<128xi32, #tpu.memory_space<hbm>>
    %dma_start3A_27 = tpu.memref_slice %arg2[%dma_start3A_24, %mul3A_23] : memref<2x344064xi32, #tpu.memory_space<hbm>> -> memref<1x128xi32, #tpu.memory_space<hbm>>
    %dma_start3A_28 = tpu.memref_squeeze %dma_start3A_27 : memref<1x128xi32, #tpu.memory_space<hbm>> -> memref<128xi32, #tpu.memory_space<hbm>>
    tpu.enqueue_dma source(%dma_start3A_28 : memref<128xi32, #tpu.memory_space<hbm>>) target(%arg8 : memref<128xi32, #tpu.memory_space<vmem>>) target_semaphore(%arg19 : memref<!tpu.dma_semaphore, #tpu.memory_space<semaphore_mem>>)
    %add3A_29 = arith.constant 0 : i32
    %add3A_30 = arith.addi %add3A, %add3A_29 : i32
    %mul3A_31 = arith.constant 128 : i32
    %mul3A_32 = arith.muli %add3A_30, %mul3A_31 : i32
    %dma_start3A_33 = arith.constant 1 : i32
    %dma_start3A_34 = tpu.memref_slice %arg2[%dma_start3A_33, %mul3A_32] : memref<2x344064xi32, #tpu.memory_space<hbm>> -> memref<1x128xi32, #tpu.memory_space<hbm>>
    %dma_start3A_35 = tpu.memref_squeeze %dma_start3A_34 : memref<1x128xi32, #tpu.memory_space<hbm>> -> memref<128xi32, #tpu.memory_space<hbm>>
    %dma_start3A_36 = tpu.memref_slice %arg2[%dma_start3A_33, %mul3A_32] : memref<2x344064xi32, #tpu.memory_space<hbm>> -> memref<1x128xi32, #tpu.memory_space<hbm>>
    %dma_start3A_37 = tpu.memref_squeeze %dma_start3A_36 : memref<1x128xi32, #tpu.memory_space<hbm>> -> memref<128xi32, #tpu.memory_space<hbm>>
    tpu.enqueue_dma source(%dma_start3A_37 : memref<128xi32, #tpu.memory_space<hbm>>) target(%arg9 : memref<128xi32, #tpu.memory_space<vmem>>) target_semaphore(%arg20 : memref<!tpu.dma_semaphore, #tpu.memory_space<semaphore_mem>>)
    %add3A_38 = arith.constant 32 : i32
    %add3A_39 = arith.addi %add3A, %add3A_38 : i32
    %mul3A_40 = arith.constant 128 : i32
    %mul3A_41 = arith.muli %add3A_39, %mul3A_40 : i32
    %dma_start3A_42 = arith.constant 1 : i32
    %dma_start3A_43 = tpu.memref_slice %arg2[%dma_start3A_42, %mul3A_41] : memref<2x344064xi32, #tpu.memory_space<hbm>> -> memref<1x128xi32, #tpu.memory_space<hbm>>
    %dma_start3A_44 = tpu.memref_squeeze %dma_start3A_43 : memref<1x128xi32, #tpu.memory_space<hbm>> -> memref<128xi32, #tpu.memory_space<hbm>>
    %dma_start3A_45 = tpu.memref_slice %arg2[%dma_start3A_42, %mul3A_41] : memref<2x344064xi32, #tpu.memory_space<hbm>> -> memref<1x128xi32, #tpu.memory_space<hbm>>
    %dma_start3A_46 = tpu.memref_squeeze %dma_start3A_45 : memref<1x128xi32, #tpu.memory_space<hbm>> -> memref<128xi32, #tpu.memory_space<hbm>>
    tpu.enqueue_dma source(%dma_start3A_46 : memref<128xi32, #tpu.memory_space<hbm>>) target(%arg10 : memref<128xi32, #tpu.memory_space<vmem>>) target_semaphore(%arg21 : memref<!tpu.dma_semaphore, #tpu.memory_space<semaphore_mem>>)
    %add3A_47 = arith.constant 0 : i32
    %add3A_48 = arith.addi %add3A, %add3A_47 : i32
    %mul3A_49 = arith.constant 128 : i32
    %mul3A_50 = arith.muli %add3A_48, %mul3A_49 : i32
    %dma_wait3A = arith.constant 0 : i32
    %dma_wait3A_51 = tpu.memref_slice %arg2[%dma_wait3A, %mul3A_50] : memref<2x344064xi32, #tpu.memory_space<hbm>> -> memref<1x128xi32, #tpu.memory_space<hbm>>
    %dma_wait3A_52 = tpu.memref_squeeze %dma_wait3A_51 : memref<1x128xi32, #tpu.memory_space<hbm>> -> memref<128xi32, #tpu.memory_space<hbm>>
    %dma_wait3A_53 = tpu.memref_slice %arg2[%dma_wait3A, %mul3A_50] : memref<2x344064xi32, #tpu.memory_space<hbm>> -> memref<1x128xi32, #tpu.memory_space<hbm>>
    %dma_wait3A_54 = tpu.memref_squeeze %dma_wait3A_53 : memref<1x128xi32, #tpu.memory_space<hbm>> -> memref<128xi32, #tpu.memory_space<hbm>>
    tpu.wait_dma2 semaphore(%arg17 : memref<!tpu.dma_semaphore, #tpu.memory_space<semaphore_mem>>) src(%dma_wait3A_54 : memref<128xi32, #tpu.memory_space<hbm>>) dst(%arg6 : memref<128xi32, #tpu.memory_space<vmem>>)
    %dma_start3A_55 = arith.constant 0 : i32
    %dma_start3A_56 = arith.constant 0 : i32
    %dma_start3A_57 = tpu.memref_slice %arg3[%dma_start3A_55, %dma_start3A_56] : memref<10000x128xf32, #tpu.memory_space<hbm>> -> memref<10000x128xf32, #tpu.memory_space<hbm>>
    tpu.enqueue_indirect_dma source(%dma_start3A_57 : memref<10000x128xf32, #tpu.memory_space<hbm>>) target(%arg13 : memref<128x128xf32, #tpu.memory_space<vmem>>) offsets(%arg6 : memref<128xi32, #tpu.memory_space<vmem>>) semaphore(%arg24 : memref<!tpu.dma_semaphore, #tpu.memory_space<semaphore_mem>>)
    %add3A_58 = arith.constant 0 : i32
    %add3A_59 = arith.addi %add3A, %add3A_58 : i32
    %mul3A_60 = arith.constant 128 : i32
    %mul3A_61 = arith.muli %add3A_59, %mul3A_60 : i32
    %dma_wait3A_62 = arith.constant 0 : i32
    %dma_wait3A_63 = tpu.memref_slice %arg2[%dma_wait3A_62, %mul3A_61] : memref<2x344064xi32, #tpu.memory_space<hbm>> -> memref<1x128xi32, #tpu.memory_space<hbm>>
    %dma_wait3A_64 = tpu.memref_squeeze %dma_wait3A_63 : memref<1x128xi32, #tpu.memory_space<hbm>> -> memref<128xi32, #tpu.memory_space<hbm>>
    %dma_wait3A_65 = tpu.memref_slice %arg2[%dma_wait3A_62, %mul3A_61] : memref<2x344064xi32, #tpu.memory_space<hbm>> -> memref<1x128xi32, #tpu.memory_space<hbm>>
    %dma_wait3A_66 = tpu.memref_squeeze %dma_wait3A_65 : memref<1x128xi32, #tpu.memory_space<hbm>> -> memref<128xi32, #tpu.memory_space<hbm>>
    tpu.wait_dma2 semaphore(%arg18 : memref<!tpu.dma_semaphore, #tpu.memory_space<semaphore_mem>>) src(%dma_wait3A_66 : memref<128xi32, #tpu.memory_space<hbm>>) dst(%arg7 : memref<128xi32, #tpu.memory_space<vmem>>)
    %dma_start3A_67 = arith.constant 0 : i32
    %dma_start3A_68 = arith.constant 0 : i32
    %dma_start3A_69 = tpu.memref_slice %arg3[%dma_start3A_67, %dma_start3A_68] : memref<10000x128xf32, #tpu.memory_space<hbm>> -> memref<10000x128xf32, #tpu.memory_space<hbm>>
    tpu.enqueue_indirect_dma source(%dma_start3A_69 : memref<10000x128xf32, #tpu.memory_space<hbm>>) target(%arg14 : memref<128x128xf32, #tpu.memory_space<vmem>>) offsets(%arg7 : memref<128xi32, #tpu.memory_space<vmem>>) semaphore(%arg25 : memref<!tpu.dma_semaphore, #tpu.memory_space<semaphore_mem>>)
    %run_scoped3A = arith.constant 1 : i32
    "tpu.region"() ({
      %run_scoped3A_115 = tpu.sem_alloc : memref<!tpu.dma_semaphore, #tpu.memory_space<semaphore_mem>>
      %dma_start3A_116 = arith.constant 320000 : i32
      %dma_start3A_117 = tpu.memref_slice %arg2[%run_scoped3A, %dma_start3A_116] : memref<2x344064xi32, #tpu.memory_space<hbm>> -> memref<1x128xi32, #tpu.memory_space<hbm>>
      %dma_start3A_118 = tpu.memref_squeeze %dma_start3A_117 : memref<1x128xi32, #tpu.memory_space<hbm>> -> memref<128xi32, #tpu.memory_space<hbm>>
      %dma_start3A_119 = arith.constant 320000 : i32
      %dma_start3A_120 = tpu.memref_slice %arg2[%run_scoped3A, %dma_start3A_119] : memref<2x344064xi32, #tpu.memory_space<hbm>> -> memref<1x128xi32, #tpu.memory_space<hbm>>
      %dma_start3A_121 = tpu.memref_squeeze %dma_start3A_120 : memref<1x128xi32, #tpu.memory_space<hbm>> -> memref<128xi32, #tpu.memory_space<hbm>>
      tpu.enqueue_dma source(%dma_start3A_121 : memref<128xi32, #tpu.memory_space<hbm>>) target(%arg12 : memref<128xi32, #tpu.memory_space<vmem>>) target_semaphore(%run_scoped3A_115 : memref<!tpu.dma_semaphore, #tpu.memory_space<semaphore_mem>>)
      %dma_wait3A_122 = arith.constant 320000 : i32
      %dma_wait3A_123 = tpu.memref_slice %arg2[%run_scoped3A, %dma_wait3A_122] : memref<2x344064xi32, #tpu.memory_space<hbm>> -> memref<1x128xi32, #tpu.memory_space<hbm>>
      %dma_wait3A_124 = tpu.memref_squeeze %dma_wait3A_123 : memref<1x128xi32, #tpu.memory_space<hbm>> -> memref<128xi32, #tpu.memory_space<hbm>>
      %dma_wait3A_125 = arith.constant 320000 : i32
      %dma_wait3A_126 = tpu.memref_slice %arg2[%run_scoped3A, %dma_wait3A_125] : memref<2x344064xi32, #tpu.memory_space<hbm>> -> memref<1x128xi32, #tpu.memory_space<hbm>>
      %dma_wait3A_127 = tpu.memref_squeeze %dma_wait3A_126 : memref<1x128xi32, #tpu.memory_space<hbm>> -> memref<128xi32, #tpu.memory_space<hbm>>
      tpu.wait_dma2 semaphore(%run_scoped3A_115 : memref<!tpu.dma_semaphore, #tpu.memory_space<semaphore_mem>>) src(%dma_wait3A_127 : memref<128xi32, #tpu.memory_space<hbm>>) dst(%arg12 : memref<128xi32, #tpu.memory_space<vmem>>)
      tpu.yield
    }) : () -> ()
    %dma_start3A_70 = arith.constant 0 : i32
    %dma_start3A_71 = arith.constant 0 : i32
    %dma_start3A_72 = tpu.memref_slice %arg16[%dma_start3A_70, %dma_start3A_71] : memref<10112x128xf32, #tpu.memory_space<vmem_shared>> -> memref<10112x128xf32, #tpu.memory_space<vmem_shared>>
    tpu.enqueue_indirect_dma source(%arg15 : memref<128x128xf32, #tpu.memory_space<vmem>>) target(%dma_start3A_72 : memref<10112x128xf32, #tpu.memory_space<vmem_shared>>) offsets(%arg12 : memref<128xi32, #tpu.memory_space<vmem>>) semaphore(%arg29 : memref<!tpu.dma_semaphore, #tpu.memory_space<semaphore_mem>>) {add = true}
    "tpu.region"() ({
      %run_scoped3A_115 = tpu.sem_alloc : memref<!tpu.dma_semaphore, #tpu.memory_space<semaphore_mem>>
      %dma_start3A_116 = arith.constant 0 : i32
      %dma_start3A_117 = tpu.memref_slice %arg16[%mul3A_2, %dma_start3A_116] : memref<10112x128xf32, #tpu.memory_space<vmem_shared>> -> memref<632x128xf32, #tpu.memory_space<vmem_shared>>
      %dma_start3A_118 = arith.constant 0 : i32
      %dma_start3A_119 = tpu.memref_slice %arg4[%mul3A_2, %dma_start3A_118] : memref<10112x128xf32, #tpu.memory_space<hbm>> -> memref<632x128xf32, #tpu.memory_space<hbm>>
      tpu.enqueue_dma source(%dma_start3A_119 : memref<632x128xf32, #tpu.memory_space<hbm>>) target(%dma_start3A_117 : memref<632x128xf32, #tpu.memory_space<vmem_shared>>) target_semaphore(%run_scoped3A_115 : memref<!tpu.dma_semaphore, #tpu.memory_space<semaphore_mem>>)
      %dma_wait3A_120 = arith.constant 0 : i32
      %dma_wait3A_121 = tpu.memref_slice %arg16[%mul3A_2, %dma_wait3A_120] : memref<10112x128xf32, #tpu.memory_space<vmem_shared>> -> memref<632x128xf32, #tpu.memory_space<vmem_shared>>
      %dma_wait3A_122 = arith.constant 0 : i32
      %dma_wait3A_123 = tpu.memref_slice %arg4[%mul3A_2, %dma_wait3A_122] : memref<10112x128xf32, #tpu.memory_space<hbm>> -> memref<632x128xf32, #tpu.memory_space<hbm>>
      tpu.wait_dma2 semaphore(%run_scoped3A_115 : memref<!tpu.dma_semaphore, #tpu.memory_space<semaphore_mem>>) src(%dma_wait3A_123 : memref<632x128xf32, #tpu.memory_space<hbm>>) dst(%dma_wait3A_121 : memref<632x128xf32, #tpu.memory_space<vmem_shared>>)
      tpu.yield
    }) : () -> ()
    %barrier3A = arith.constant 0 : index
    tpu.barrier barrier_id(%barrier3A)
    %scan3A = arith.constant 0 : i32
    %scan3A_73 = arith.constant 0 : i32
    %scan3A_74 = arith.constant 27 : i32
    %scan3A_75 = arith.addi %scan3A_73, %scan3A_74 : i32
    %scan3A_76 = arith.constant 1 : i32
    scf.for %scan3A_115 = %scan3A_73 to %scan3A_75 step %scan3A_76  : i32 {
      %mul3A_116 = arith.constant 3 : i32
      %mul3A_117 = arith.muli %mul3A_116, %scan3A_115 : i32
      %add3A_118 = arith.constant 0 : i32
      %add3A_119 = arith.addi %mul3A_117, %add3A_118 : i32
      %dma_wait3A_120 = arith.constant 0 : i32
      %dma_wait3A_121 = arith.constant 0 : i32
      %dma_wait3A_122 = tpu.memref_slice %arg16[%dma_wait3A_120, %dma_wait3A_121] : memref<10112x128xf32, #tpu.memory_space<vmem_shared>> -> memref<10112x128xf32, #tpu.memory_space<vmem_shared>>
      tpu.wait_indirect_dma semaphore(%arg29 : memref<!tpu.dma_semaphore, #tpu.memory_space<semaphore_mem>>) src(%arg15 : memref<128x128xf32, #tpu.memory_space<vmem>>) dst(%dma_wait3A_122 : memref<10112x128xf32, #tpu.memory_space<vmem_shared>>)
      %add3A_123 = arith.constant 2 : i32
      %add3A_124 = arith.addi %add3A_119, %add3A_123 : i32
      %mul3A_125 = arith.constant 32 : i32
      %mul3A_126 = arith.muli %mul3A_125, %add3A_124 : i32
      %add3A_127 = arith.addi %add3A, %mul3A_126 : i32
      %mul3A_128 = arith.constant 128 : i32
      %mul3A_129 = arith.muli %add3A_127, %mul3A_128 : i32
      %dma_start3A_130 = arith.constant 1 : i32
      %dma_start3A_131 = tpu.memref_slice %arg2[%dma_start3A_130, %mul3A_129] : memref<2x344064xi32, #tpu.memory_space<hbm>> -> memref<1x128xi32, #tpu.memory_space<hbm>>
      %dma_start3A_132 = tpu.memref_squeeze %dma_start3A_131 : memref<1x128xi32, #tpu.memory_space<hbm>> -> memref<128xi32, #tpu.memory_space<hbm>>
      %dma_start3A_133 = tpu.memref_slice %arg2[%dma_start3A_130, %mul3A_129] : memref<2x344064xi32, #tpu.memory_space<hbm>> -> memref<1x128xi32, #tpu.memory_space<hbm>>
      %dma_start3A_134 = tpu.memref_squeeze %dma_start3A_133 : memref<1x128xi32, #tpu.memory_space<hbm>> -> memref<128xi32, #tpu.memory_space<hbm>>
      tpu.enqueue_dma source(%dma_start3A_134 : memref<128xi32, #tpu.memory_space<hbm>>) target(%arg11 : memref<128xi32, #tpu.memory_space<vmem>>) target_semaphore(%arg22 : memref<!tpu.dma_semaphore, #tpu.memory_space<semaphore_mem>>)
      %add3A_135 = arith.constant 0 : i32
      %add3A_136 = arith.addi %add3A, %add3A_135 : i32
      %mul3A_137 = arith.constant 128 : i32
      %mul3A_138 = arith.muli %add3A_136, %mul3A_137 : i32
      %dma_wait3A_139 = arith.constant 0 : i32
      %dma_wait3A_140 = tpu.memref_slice %arg2[%dma_wait3A_139, %mul3A_138] : memref<2x344064xi32, #tpu.memory_space<hbm>> -> memref<1x128xi32, #tpu.memory_space<hbm>>
      %dma_wait3A_141 = tpu.memref_squeeze %dma_wait3A_140 : memref<1x128xi32, #tpu.memory_space<hbm>> -> memref<128xi32, #tpu.memory_space<hbm>>
      %dma_wait3A_142 = tpu.memref_slice %arg2[%dma_wait3A_139, %mul3A_138] : memref<2x344064xi32, #tpu.memory_space<hbm>> -> memref<1x128xi32, #tpu.memory_space<hbm>>
      %dma_wait3A_143 = tpu.memref_squeeze %dma_wait3A_142 : memref<1x128xi32, #tpu.memory_space<hbm>> -> memref<128xi32, #tpu.memory_space<hbm>>
      tpu.wait_dma2 semaphore(%arg19 : memref<!tpu.dma_semaphore, #tpu.memory_space<semaphore_mem>>) src(%dma_wait3A_143 : memref<128xi32, #tpu.memory_space<hbm>>) dst(%arg8 : memref<128xi32, #tpu.memory_space<vmem>>)
      %dma_start3A_144 = arith.constant 0 : i32
      %dma_start3A_145 = arith.constant 0 : i32
      %dma_start3A_146 = tpu.memref_slice %arg3[%dma_start3A_144, %dma_start3A_145] : memref<10000x128xf32, #tpu.memory_space<hbm>> -> memref<10000x128xf32, #tpu.memory_space<hbm>>
      tpu.enqueue_indirect_dma source(%dma_start3A_146 : memref<10000x128xf32, #tpu.memory_space<hbm>>) target(%arg15 : memref<128x128xf32, #tpu.memory_space<vmem>>) offsets(%arg8 : memref<128xi32, #tpu.memory_space<vmem>>) semaphore(%arg26 : memref<!tpu.dma_semaphore, #tpu.memory_space<semaphore_mem>>)
      %dma_wait3A_147 = arith.constant 0 : i32
      %dma_wait3A_148 = arith.constant 0 : i32
      %dma_wait3A_149 = tpu.memref_slice %arg3[%dma_wait3A_147, %dma_wait3A_148] : memref<10000x128xf32, #tpu.memory_space<hbm>> -> memref<10000x128xf32, #tpu.memory_space<hbm>>
      tpu.wait_indirect_dma semaphore(%arg24 : memref<!tpu.dma_semaphore, #tpu.memory_space<semaphore_mem>>) src(%dma_wait3A_149 : memref<10000x128xf32, #tpu.memory_space<hbm>>) dst(%arg13 : memref<128x128xf32, #tpu.memory_space<vmem>>)
      %add3A_150 = arith.constant 0 : i32
      %add3A_151 = arith.addi %add3A, %add3A_150 : i32
      %mul3A_152 = arith.constant 128 : i32
      %mul3A_153 = arith.muli %add3A_151, %mul3A_152 : i32
      %dma_wait3A_154 = arith.constant 1 : i32
      %dma_wait3A_155 = tpu.memref_slice %arg2[%dma_wait3A_154, %mul3A_153] : memref<2x344064xi32, #tpu.memory_space<hbm>> -> memref<1x128xi32, #tpu.memory_space<hbm>>
      %dma_wait3A_156 = tpu.memref_squeeze %dma_wait3A_155 : memref<1x128xi32, #tpu.memory_space<hbm>> -> memref<128xi32, #tpu.memory_space<hbm>>
      %dma_wait3A_157 = tpu.memref_slice %arg2[%dma_wait3A_154, %mul3A_153] : memref<2x344064xi32, #tpu.memory_space<hbm>> -> memref<1x128xi32, #tpu.memory_space<hbm>>
      %dma_wait3A_158 = tpu.memref_squeeze %dma_wait3A_157 : memref<1x128xi32, #tpu.memory_space<hbm>> -> memref<128xi32, #tpu.memory_space<hbm>>
      tpu.wait_dma2 semaphore(%arg20 : memref<!tpu.dma_semaphore, #tpu.memory_space<semaphore_mem>>) src(%dma_wait3A_158 : memref<128xi32, #tpu.memory_space<hbm>>) dst(%arg9 : memref<128xi32, #tpu.memory_space<vmem>>)
      %dma_start3A_159 = arith.constant 0 : i32
      %dma_start3A_160 = arith.constant 0 : i32
      %dma_start3A_161 = tpu.memref_slice %arg16[%dma_start3A_159, %dma_start3A_160] : memref<10112x128xf32, #tpu.memory_space<vmem_shared>> -> memref<10112x128xf32, #tpu.memory_space<vmem_shared>>
      tpu.enqueue_indirect_dma source(%arg13 : memref<128x128xf32, #tpu.memory_space<vmem>>) target(%dma_start3A_161 : memref<10112x128xf32, #tpu.memory_space<vmem_shared>>) offsets(%arg9 : memref<128xi32, #tpu.memory_space<vmem>>) semaphore(%arg27 : memref<!tpu.dma_semaphore, #tpu.memory_space<semaphore_mem>>) {add = true}
      %add3A_162 = arith.constant 3 : i32
      %add3A_163 = arith.addi %add3A_119, %add3A_162 : i32
      %mul3A_164 = arith.constant 32 : i32
      %mul3A_165 = arith.muli %mul3A_164, %add3A_163 : i32
      %add3A_166 = arith.addi %add3A, %mul3A_165 : i32
      %mul3A_167 = arith.constant 128 : i32
      %mul3A_168 = arith.muli %add3A_166, %mul3A_167 : i32
      %dma_start3A_169 = arith.constant 0 : i32
      %dma_start3A_170 = tpu.memref_slice %arg2[%dma_start3A_169, %mul3A_168] : memref<2x344064xi32, #tpu.memory_space<hbm>> -> memref<1x128xi32, #tpu.memory_space<hbm>>
      %dma_start3A_171 = tpu.memref_squeeze %dma_start3A_170 : memref<1x128xi32, #tpu.memory_space<hbm>> -> memref<128xi32, #tpu.memory_space<hbm>>
      %dma_start3A_172 = tpu.memref_slice %arg2[%dma_start3A_169, %mul3A_168] : memref<2x344064xi32, #tpu.memory_space<hbm>> -> memref<1x128xi32, #tpu.memory_space<hbm>>
      %dma_start3A_173 = tpu.memref_squeeze %dma_start3A_172 : memref<1x128xi32, #tpu.memory_space<hbm>> -> memref<128xi32, #tpu.memory_space<hbm>>
      tpu.enqueue_dma source(%dma_start3A_173 : memref<128xi32, #tpu.memory_space<hbm>>) target(%arg6 : memref<128xi32, #tpu.memory_space<vmem>>) target_semaphore(%arg17 : memref<!tpu.dma_semaphore, #tpu.memory_space<semaphore_mem>>)
      %mul3A_174 = arith.constant 3 : i32
      %mul3A_175 = arith.muli %mul3A_174, %scan3A_115 : i32
      %add3A_176 = arith.constant 1 : i32
      %add3A_177 = arith.addi %mul3A_175, %add3A_176 : i32
      %dma_wait3A_178 = arith.constant 0 : i32
      %dma_wait3A_179 = arith.constant 0 : i32
      %dma_wait3A_180 = tpu.memref_slice %arg16[%dma_wait3A_178, %dma_wait3A_179] : memref<10112x128xf32, #tpu.memory_space<vmem_shared>> -> memref<10112x128xf32, #tpu.memory_space<vmem_shared>>
      tpu.wait_indirect_dma semaphore(%arg27 : memref<!tpu.dma_semaphore, #tpu.memory_space<semaphore_mem>>) src(%arg13 : memref<128x128xf32, #tpu.memory_space<vmem>>) dst(%dma_wait3A_180 : memref<10112x128xf32, #tpu.memory_space<vmem_shared>>)
      %add3A_181 = arith.constant 2 : i32
      %add3A_182 = arith.addi %add3A_177, %add3A_181 : i32
      %mul3A_183 = arith.constant 32 : i32
      %mul3A_184 = arith.muli %mul3A_183, %add3A_182 : i32
      %add3A_185 = arith.addi %add3A, %mul3A_184 : i32
      %mul3A_186 = arith.constant 128 : i32
      %mul3A_187 = arith.muli %add3A_185, %mul3A_186 : i32
      %dma_start3A_188 = arith.constant 1 : i32
      %dma_start3A_189 = tpu.memref_slice %arg2[%dma_start3A_188, %mul3A_187] : memref<2x344064xi32, #tpu.memory_space<hbm>> -> memref<1x128xi32, #tpu.memory_space<hbm>>
      %dma_start3A_190 = tpu.memref_squeeze %dma_start3A_189 : memref<1x128xi32, #tpu.memory_space<hbm>> -> memref<128xi32, #tpu.memory_space<hbm>>
      %dma_start3A_191 = tpu.memref_slice %arg2[%dma_start3A_188, %mul3A_187] : memref<2x344064xi32, #tpu.memory_space<hbm>> -> memref<1x128xi32, #tpu.memory_space<hbm>>
      %dma_start3A_192 = tpu.memref_squeeze %dma_start3A_191 : memref<1x128xi32, #tpu.memory_space<hbm>> -> memref<128xi32, #tpu.memory_space<hbm>>
      tpu.enqueue_dma source(%dma_start3A_192 : memref<128xi32, #tpu.memory_space<hbm>>) target(%arg9 : memref<128xi32, #tpu.memory_space<vmem>>) target_semaphore(%arg20 : memref<!tpu.dma_semaphore, #tpu.memory_space<semaphore_mem>>)
      %add3A_193 = arith.constant 0 : i32
      %add3A_194 = arith.addi %add3A, %add3A_193 : i32
      %mul3A_195 = arith.constant 128 : i32
      %mul3A_196 = arith.muli %add3A_194, %mul3A_195 : i32
      %dma_wait3A_197 = arith.constant 0 : i32
      %dma_wait3A_198 = tpu.memref_slice %arg2[%dma_wait3A_197, %mul3A_196] : memref<2x344064xi32, #tpu.memory_space<hbm>> -> memref<1x128xi32, #tpu.memory_space<hbm>>
      %dma_wait3A_199 = tpu.memref_squeeze %dma_wait3A_198 : memref<1x128xi32, #tpu.memory_space<hbm>> -> memref<128xi32, #tpu.memory_space<hbm>>
      %dma_wait3A_200 = tpu.memref_slice %arg2[%dma_wait3A_197, %mul3A_196] : memref<2x344064xi32, #tpu.memory_space<hbm>> -> memref<1x128xi32, #tpu.memory_space<hbm>>
      %dma_wait3A_201 = tpu.memref_squeeze %dma_wait3A_200 : memref<1x128xi32, #tpu.memory_space<hbm>> -> memref<128xi32, #tpu.memory_space<hbm>>
      tpu.wait_dma2 semaphore(%arg17 : memref<!tpu.dma_semaphore, #tpu.memory_space<semaphore_mem>>) src(%dma_wait3A_201 : memref<128xi32, #tpu.memory_space<hbm>>) dst(%arg6 : memref<128xi32, #tpu.memory_space<vmem>>)
      %dma_start3A_202 = arith.constant 0 : i32
      %dma_start3A_203 = arith.constant 0 : i32
      %dma_start3A_204 = tpu.memref_slice %arg3[%dma_start3A_202, %dma_start3A_203] : memref<10000x128xf32, #tpu.memory_space<hbm>> -> memref<10000x128xf32, #tpu.memory_space<hbm>>
      tpu.enqueue_indirect_dma source(%dma_start3A_204 : memref<10000x128xf32, #tpu.memory_space<hbm>>) target(%arg13 : memref<128x128xf32, #tpu.memory_space<vmem>>) offsets(%arg6 : memref<128xi32, #tpu.memory_space<vmem>>) semaphore(%arg24 : memref<!tpu.dma_semaphore, #tpu.memory_space<semaphore_mem>>)
      %dma_wait3A_205 = arith.constant 0 : i32
      %dma_wait3A_206 = arith.constant 0 : i32
      %dma_wait3A_207 = tpu.memref_slice %arg3[%dma_wait3A_205, %dma_wait3A_206] : memref<10000x128xf32, #tpu.memory_space<hbm>> -> memref<10000x128xf32, #tpu.memory_space<hbm>>
      tpu.wait_indirect_dma semaphore(%arg25 : memref<!tpu.dma_semaphore, #tpu.memory_space<semaphore_mem>>) src(%dma_wait3A_207 : memref<10000x128xf32, #tpu.memory_space<hbm>>) dst(%arg14 : memref<128x128xf32, #tpu.memory_space<vmem>>)
      %add3A_208 = arith.constant 0 : i32
      %add3A_209 = arith.addi %add3A, %add3A_208 : i32
      %mul3A_210 = arith.constant 128 : i32
      %mul3A_211 = arith.muli %add3A_209, %mul3A_210 : i32
      %dma_wait3A_212 = arith.constant 1 : i32
      %dma_wait3A_213 = tpu.memref_slice %arg2[%dma_wait3A_212, %mul3A_211] : memref<2x344064xi32, #tpu.memory_space<hbm>> -> memref<1x128xi32, #tpu.memory_space<hbm>>
      %dma_wait3A_214 = tpu.memref_squeeze %dma_wait3A_213 : memref<1x128xi32, #tpu.memory_space<hbm>> -> memref<128xi32, #tpu.memory_space<hbm>>
      %dma_wait3A_215 = tpu.memref_slice %arg2[%dma_wait3A_212, %mul3A_211] : memref<2x344064xi32, #tpu.memory_space<hbm>> -> memref<1x128xi32, #tpu.memory_space<hbm>>
      %dma_wait3A_216 = tpu.memref_squeeze %dma_wait3A_215 : memref<1x128xi32, #tpu.memory_space<hbm>> -> memref<128xi32, #tpu.memory_space<hbm>>
      tpu.wait_dma2 semaphore(%arg21 : memref<!tpu.dma_semaphore, #tpu.memory_space<semaphore_mem>>) src(%dma_wait3A_216 : memref<128xi32, #tpu.memory_space<hbm>>) dst(%arg10 : memref<128xi32, #tpu.memory_space<vmem>>)
      %dma_start3A_217 = arith.constant 0 : i32
      %dma_start3A_218 = arith.constant 0 : i32
      %dma_start3A_219 = tpu.memref_slice %arg16[%dma_start3A_217, %dma_start3A_218] : memref<10112x128xf32, #tpu.memory_space<vmem_shared>> -> memref<10112x128xf32, #tpu.memory_space<vmem_shared>>
      tpu.enqueue_indirect_dma source(%arg14 : memref<128x128xf32, #tpu.memory_space<vmem>>) target(%dma_start3A_219 : memref<10112x128xf32, #tpu.memory_space<vmem_shared>>) offsets(%arg10 : memref<128xi32, #tpu.memory_space<vmem>>) semaphore(%arg28 : memref<!tpu.dma_semaphore, #tpu.memory_space<semaphore_mem>>) {add = true}
      %add3A_220 = arith.constant 3 : i32
      %add3A_221 = arith.addi %add3A_177, %add3A_220 : i32
      %mul3A_222 = arith.constant 32 : i32
      %mul3A_223 = arith.muli %mul3A_222, %add3A_221 : i32
      %add3A_224 = arith.addi %add3A, %mul3A_223 : i32
      %mul3A_225 = arith.constant 128 : i32
      %mul3A_226 = arith.muli %add3A_224, %mul3A_225 : i32
      %dma_start3A_227 = arith.constant 0 : i32
      %dma_start3A_228 = tpu.memref_slice %arg2[%dma_start3A_227, %mul3A_226] : memref<2x344064xi32, #tpu.memory_space<hbm>> -> memref<1x128xi32, #tpu.memory_space<hbm>>
      %dma_start3A_229 = tpu.memref_squeeze %dma_start3A_228 : memref<1x128xi32, #tpu.memory_space<hbm>> -> memref<128xi32, #tpu.memory_space<hbm>>
      %dma_start3A_230 = tpu.memref_slice %arg2[%dma_start3A_227, %mul3A_226] : memref<2x344064xi32, #tpu.memory_space<hbm>> -> memref<1x128xi32, #tpu.memory_space<hbm>>
      %dma_start3A_231 = tpu.memref_squeeze %dma_start3A_230 : memref<1x128xi32, #tpu.memory_space<hbm>> -> memref<128xi32, #tpu.memory_space<hbm>>
      tpu.enqueue_dma source(%dma_start3A_231 : memref<128xi32, #tpu.memory_space<hbm>>) target(%arg7 : memref<128xi32, #tpu.memory_space<vmem>>) target_semaphore(%arg18 : memref<!tpu.dma_semaphore, #tpu.memory_space<semaphore_mem>>)
      %mul3A_232 = arith.constant 3 : i32
      %mul3A_233 = arith.muli %mul3A_232, %scan3A_115 : i32
      %add3A_234 = arith.constant 2 : i32
      %add3A_235 = arith.addi %mul3A_233, %add3A_234 : i32
      %dma_wait3A_236 = arith.constant 0 : i32
      %dma_wait3A_237 = arith.constant 0 : i32
      %dma_wait3A_238 = tpu.memref_slice %arg16[%dma_wait3A_236, %dma_wait3A_237] : memref<10112x128xf32, #tpu.memory_space<vmem_shared>> -> memref<10112x128xf32, #tpu.memory_space<vmem_shared>>
      tpu.wait_indirect_dma semaphore(%arg28 : memref<!tpu.dma_semaphore, #tpu.memory_space<semaphore_mem>>) src(%arg14 : memref<128x128xf32, #tpu.memory_space<vmem>>) dst(%dma_wait3A_238 : memref<10112x128xf32, #tpu.memory_space<vmem_shared>>)
      %add3A_239 = arith.constant 2 : i32
      %add3A_240 = arith.addi %add3A_235, %add3A_239 : i32
      %mul3A_241 = arith.constant 32 : i32
      %mul3A_242 = arith.muli %mul3A_241, %add3A_240 : i32
      %add3A_243 = arith.addi %add3A, %mul3A_242 : i32
      %mul3A_244 = arith.constant 128 : i32
      %mul3A_245 = arith.muli %add3A_243, %mul3A_244 : i32
      %dma_start3A_246 = arith.constant 1 : i32
      %dma_start3A_247 = tpu.memref_slice %arg2[%dma_start3A_246, %mul3A_245] : memref<2x344064xi32, #tpu.memory_space<hbm>> -> memref<1x128xi32, #tpu.memory_space<hbm>>
      %dma_start3A_248 = tpu.memref_squeeze %dma_start3A_247 : memref<1x128xi32, #tpu.memory_space<hbm>> -> memref<128xi32, #tpu.memory_space<hbm>>
      %dma_start3A_249 = tpu.memref_slice %arg2[%dma_start3A_246, %mul3A_245] : memref<2x344064xi32, #tpu.memory_space<hbm>> -> memref<1x128xi32, #tpu.memory_space<hbm>>
      %dma_start3A_250 = tpu.memref_squeeze %dma_start3A_249 : memref<1x128xi32, #tpu.memory_space<hbm>> -> memref<128xi32, #tpu.memory_space<hbm>>
      tpu.enqueue_dma source(%dma_start3A_250 : memref<128xi32, #tpu.memory_space<hbm>>) target(%arg10 : memref<128xi32, #tpu.memory_space<vmem>>) target_semaphore(%arg21 : memref<!tpu.dma_semaphore, #tpu.memory_space<semaphore_mem>>)
      %add3A_251 = arith.constant 0 : i32
      %add3A_252 = arith.addi %add3A, %add3A_251 : i32
      %mul3A_253 = arith.constant 128 : i32
      %mul3A_254 = arith.muli %add3A_252, %mul3A_253 : i32
      %dma_wait3A_255 = arith.constant 0 : i32
      %dma_wait3A_256 = tpu.memref_slice %arg2[%dma_wait3A_255, %mul3A_254] : memref<2x344064xi32, #tpu.memory_space<hbm>> -> memref<1x128xi32, #tpu.memory_space<hbm>>
      %dma_wait3A_257 = tpu.memref_squeeze %dma_wait3A_256 : memref<1x128xi32, #tpu.memory_space<hbm>> -> memref<128xi32, #tpu.memory_space<hbm>>
      %dma_wait3A_258 = tpu.memref_slice %arg2[%dma_wait3A_255, %mul3A_254] : memref<2x344064xi32, #tpu.memory_space<hbm>> -> memref<1x128xi32, #tpu.memory_space<hbm>>
      %dma_wait3A_259 = tpu.memref_squeeze %dma_wait3A_258 : memref<1x128xi32, #tpu.memory_space<hbm>> -> memref<128xi32, #tpu.memory_space<hbm>>
      tpu.wait_dma2 semaphore(%arg18 : memref<!tpu.dma_semaphore, #tpu.memory_space<semaphore_mem>>) src(%dma_wait3A_259 : memref<128xi32, #tpu.memory_space<hbm>>) dst(%arg7 : memref<128xi32, #tpu.memory_space<vmem>>)
      %dma_start3A_260 = arith.constant 0 : i32
      %dma_start3A_261 = arith.constant 0 : i32
      %dma_start3A_262 = tpu.memref_slice %arg3[%dma_start3A_260, %dma_start3A_261] : memref<10000x128xf32, #tpu.memory_space<hbm>> -> memref<10000x128xf32, #tpu.memory_space<hbm>>
      tpu.enqueue_indirect_dma source(%dma_start3A_262 : memref<10000x128xf32, #tpu.memory_space<hbm>>) target(%arg14 : memref<128x128xf32, #tpu.memory_space<vmem>>) offsets(%arg7 : memref<128xi32, #tpu.memory_space<vmem>>) semaphore(%arg25 : memref<!tpu.dma_semaphore, #tpu.memory_space<semaphore_mem>>)
      %dma_wait3A_263 = arith.constant 0 : i32
      %dma_wait3A_264 = arith.constant 0 : i32
      %dma_wait3A_265 = tpu.memref_slice %arg3[%dma_wait3A_263, %dma_wait3A_264] : memref<10000x128xf32, #tpu.memory_space<hbm>> -> memref<10000x128xf32, #tpu.memory_space<hbm>>
      tpu.wait_indirect_dma semaphore(%arg26 : memref<!tpu.dma_semaphore, #tpu.memory_space<semaphore_mem>>) src(%dma_wait3A_265 : memref<10000x128xf32, #tpu.memory_space<hbm>>) dst(%arg15 : memref<128x128xf32, #tpu.memory_space<vmem>>)
      %add3A_266 = arith.constant 0 : i32
      %add3A_267 = arith.addi %add3A, %add3A_266 : i32
      %mul3A_268 = arith.constant 128 : i32
      %mul3A_269 = arith.muli %add3A_267, %mul3A_268 : i32
      %dma_wait3A_270 = arith.constant 1 : i32
      %dma_wait3A_271 = tpu.memref_slice %arg2[%dma_wait3A_270, %mul3A_269] : memref<2x344064xi32, #tpu.memory_space<hbm>> -> memref<1x128xi32, #tpu.memory_space<hbm>>
      %dma_wait3A_272 = tpu.memref_squeeze %dma_wait3A_271 : memref<1x128xi32, #tpu.memory_space<hbm>> -> memref<128xi32, #tpu.memory_space<hbm>>
      %dma_wait3A_273 = tpu.memref_slice %arg2[%dma_wait3A_270, %mul3A_269] : memref<2x344064xi32, #tpu.memory_space<hbm>> -> memref<1x128xi32, #tpu.memory_space<hbm>>
      %dma_wait3A_274 = tpu.memref_squeeze %dma_wait3A_273 : memref<1x128xi32, #tpu.memory_space<hbm>> -> memref<128xi32, #tpu.memory_space<hbm>>
      tpu.wait_dma2 semaphore(%arg22 : memref<!tpu.dma_semaphore, #tpu.memory_space<semaphore_mem>>) src(%dma_wait3A_274 : memref<128xi32, #tpu.memory_space<hbm>>) dst(%arg11 : memref<128xi32, #tpu.memory_space<vmem>>)
      %dma_start3A_275 = arith.constant 0 : i32
      %dma_start3A_276 = arith.constant 0 : i32
      %dma_start3A_277 = tpu.memref_slice %arg16[%dma_start3A_275, %dma_start3A_276] : memref<10112x128xf32, #tpu.memory_space<vmem_shared>> -> memref<10112x128xf32, #tpu.memory_space<vmem_shared>>
      tpu.enqueue_indirect_dma source(%arg15 : memref<128x128xf32, #tpu.memory_space<vmem>>) target(%dma_start3A_277 : memref<10112x128xf32, #tpu.memory_space<vmem_shared>>) offsets(%arg11 : memref<128xi32, #tpu.memory_space<vmem>>) semaphore(%arg29 : memref<!tpu.dma_semaphore, #tpu.memory_space<semaphore_mem>>) {add = true}
      %add3A_278 = arith.constant 3 : i32
      %add3A_279 = arith.addi %add3A_235, %add3A_278 : i32
      %mul3A_280 = arith.constant 32 : i32
      %mul3A_281 = arith.muli %mul3A_280, %add3A_279 : i32
      %add3A_282 = arith.addi %add3A, %mul3A_281 : i32
      %mul3A_283 = arith.constant 128 : i32
      %mul3A_284 = arith.muli %add3A_282, %mul3A_283 : i32
      %dma_start3A_285 = arith.constant 0 : i32
      %dma_start3A_286 = tpu.memref_slice %arg2[%dma_start3A_285, %mul3A_284] : memref<2x344064xi32, #tpu.memory_space<hbm>> -> memref<1x128xi32, #tpu.memory_space<hbm>>
      %dma_start3A_287 = tpu.memref_squeeze %dma_start3A_286 : memref<1x128xi32, #tpu.memory_space<hbm>> -> memref<128xi32, #tpu.memory_space<hbm>>
      %dma_start3A_288 = tpu.memref_slice %arg2[%dma_start3A_285, %mul3A_284] : memref<2x344064xi32, #tpu.memory_space<hbm>> -> memref<1x128xi32, #tpu.memory_space<hbm>>
      %dma_start3A_289 = tpu.memref_squeeze %dma_start3A_288 : memref<1x128xi32, #tpu.memory_space<hbm>> -> memref<128xi32, #tpu.memory_space<hbm>>
      tpu.enqueue_dma source(%dma_start3A_289 : memref<128xi32, #tpu.memory_space<hbm>>) target(%arg8 : memref<128xi32, #tpu.memory_space<vmem>>) target_semaphore(%arg19 : memref<!tpu.dma_semaphore, #tpu.memory_space<semaphore_mem>>)
    }
    %scan3A_77 = arith.constant 27 : i32
    %dma_wait3A_78 = arith.constant 0 : i32
    %dma_wait3A_79 = arith.constant 0 : i32
    %dma_wait3A_80 = tpu.memref_slice %arg3[%dma_wait3A_78, %dma_wait3A_79] : memref<10000x128xf32, #tpu.memory_space<hbm>> -> memref<10000x128xf32, #tpu.memory_space<hbm>>
    tpu.wait_indirect_dma semaphore(%arg24 : memref<!tpu.dma_semaphore, #tpu.memory_space<semaphore_mem>>) src(%dma_wait3A_80 : memref<10000x128xf32, #tpu.memory_space<hbm>>) dst(%arg13 : memref<128x128xf32, #tpu.memory_space<vmem>>)
    %dma_wait3A_81 = arith.constant 0 : i32
    %dma_wait3A_82 = arith.constant 0 : i32
    %dma_wait3A_83 = tpu.memref_slice %arg3[%dma_wait3A_81, %dma_wait3A_82] : memref<10000x128xf32, #tpu.memory_space<hbm>> -> memref<10000x128xf32, #tpu.memory_space<hbm>>
    tpu.wait_indirect_dma semaphore(%arg25 : memref<!tpu.dma_semaphore, #tpu.memory_space<semaphore_mem>>) src(%dma_wait3A_83 : memref<10000x128xf32, #tpu.memory_space<hbm>>) dst(%arg14 : memref<128x128xf32, #tpu.memory_space<vmem>>)
    %dma_wait3A_84 = arith.constant 0 : i32
    %dma_wait3A_85 = arith.constant 0 : i32
    %dma_wait3A_86 = tpu.memref_slice %arg16[%dma_wait3A_84, %dma_wait3A_85] : memref<10112x128xf32, #tpu.memory_space<vmem_shared>> -> memref<10112x128xf32, #tpu.memory_space<vmem_shared>>
    tpu.wait_indirect_dma semaphore(%arg29 : memref<!tpu.dma_semaphore, #tpu.memory_space<semaphore_mem>>) src(%arg15 : memref<128x128xf32, #tpu.memory_space<vmem>>) dst(%dma_wait3A_86 : memref<10112x128xf32, #tpu.memory_space<vmem_shared>>)
    %add3A_87 = arith.constant 0 : i32
    %add3A_88 = arith.addi %add3A, %add3A_87 : i32
    %mul3A_89 = arith.constant 128 : i32
    %mul3A_90 = arith.muli %add3A_88, %mul3A_89 : i32
    %dma_wait3A_91 = arith.constant 0 : i32
    %dma_wait3A_92 = tpu.memref_slice %arg2[%dma_wait3A_91, %mul3A_90] : memref<2x344064xi32, #tpu.memory_space<hbm>> -> memref<1x128xi32, #tpu.memory_space<hbm>>
    %dma_wait3A_93 = tpu.memref_squeeze %dma_wait3A_92 : memref<1x128xi32, #tpu.memory_space<hbm>> -> memref<128xi32, #tpu.memory_space<hbm>>
    %dma_wait3A_94 = tpu.memref_slice %arg2[%dma_wait3A_91, %mul3A_90] : memref<2x344064xi32, #tpu.memory_space<hbm>> -> memref<1x128xi32, #tpu.memory_space<hbm>>
    %dma_wait3A_95 = tpu.memref_squeeze %dma_wait3A_94 : memref<1x128xi32, #tpu.memory_space<hbm>> -> memref<128xi32, #tpu.memory_space<hbm>>
    tpu.wait_dma2 semaphore(%arg19 : memref<!tpu.dma_semaphore, #tpu.memory_space<semaphore_mem>>) src(%dma_wait3A_95 : memref<128xi32, #tpu.memory_space<hbm>>) dst(%arg8 : memref<128xi32, #tpu.memory_space<vmem>>)
    %add3A_96 = arith.constant 0 : i32
    %add3A_97 = arith.addi %add3A, %add3A_96 : i32
    %mul3A_98 = arith.constant 128 : i32
    %mul3A_99 = arith.muli %add3A_97, %mul3A_98 : i32
    %dma_wait3A_100 = arith.constant 1 : i32
    %dma_wait3A_101 = tpu.memref_slice %arg2[%dma_wait3A_100, %mul3A_99] : memref<2x344064xi32, #tpu.memory_space<hbm>> -> memref<1x128xi32, #tpu.memory_space<hbm>>
    %dma_wait3A_102 = tpu.memref_squeeze %dma_wait3A_101 : memref<1x128xi32, #tpu.memory_space<hbm>> -> memref<128xi32, #tpu.memory_space<hbm>>
    %dma_wait3A_103 = tpu.memref_slice %arg2[%dma_wait3A_100, %mul3A_99] : memref<2x344064xi32, #tpu.memory_space<hbm>> -> memref<1x128xi32, #tpu.memory_space<hbm>>
    %dma_wait3A_104 = tpu.memref_squeeze %dma_wait3A_103 : memref<1x128xi32, #tpu.memory_space<hbm>> -> memref<128xi32, #tpu.memory_space<hbm>>
    tpu.wait_dma2 semaphore(%arg20 : memref<!tpu.dma_semaphore, #tpu.memory_space<semaphore_mem>>) src(%dma_wait3A_104 : memref<128xi32, #tpu.memory_space<hbm>>) dst(%arg9 : memref<128xi32, #tpu.memory_space<vmem>>)
    %add3A_105 = arith.constant 0 : i32
    %add3A_106 = arith.addi %add3A, %add3A_105 : i32
    %mul3A_107 = arith.constant 128 : i32
    %mul3A_108 = arith.muli %add3A_106, %mul3A_107 : i32
    %dma_wait3A_109 = arith.constant 1 : i32
    %dma_wait3A_110 = tpu.memref_slice %arg2[%dma_wait3A_109, %mul3A_108] : memref<2x344064xi32, #tpu.memory_space<hbm>> -> memref<1x128xi32, #tpu.memory_space<hbm>>
    %dma_wait3A_111 = tpu.memref_squeeze %dma_wait3A_110 : memref<1x128xi32, #tpu.memory_space<hbm>> -> memref<128xi32, #tpu.memory_space<hbm>>
    %dma_wait3A_112 = tpu.memref_slice %arg2[%dma_wait3A_109, %mul3A_108] : memref<2x344064xi32, #tpu.memory_space<hbm>> -> memref<1x128xi32, #tpu.memory_space<hbm>>
    %dma_wait3A_113 = tpu.memref_squeeze %dma_wait3A_112 : memref<1x128xi32, #tpu.memory_space<hbm>> -> memref<128xi32, #tpu.memory_space<hbm>>
    tpu.wait_dma2 semaphore(%arg21 : memref<!tpu.dma_semaphore, #tpu.memory_space<semaphore_mem>>) src(%dma_wait3A_113 : memref<128xi32, #tpu.memory_space<hbm>>) dst(%arg10 : memref<128xi32, #tpu.memory_space<vmem>>)
    %barrier3A_114 = arith.constant 0 : index
    tpu.barrier barrier_id(%barrier3A_114)
    "tpu.region"() ({
      %run_scoped3A_115 = tpu.sem_alloc : memref<!tpu.dma_semaphore, #tpu.memory_space<semaphore_mem>>
      %dma_start3A_116 = arith.constant 0 : i32
      %dma_start3A_117 = tpu.memref_slice %arg5[%arg0, %mul3A_2, %dma_start3A_116] : memref<2x10112x128xf32, #tpu.memory_space<hbm>> -> memref<1x632x128xf32, #tpu.memory_space<hbm>>
      %dma_start3A_118 = tpu.memref_squeeze %dma_start3A_117 : memref<1x632x128xf32, #tpu.memory_space<hbm>> -> memref<632x128xf32, #tpu.memory_space<hbm>>
      %dma_start3A_119 = arith.constant 0 : i32
      %dma_start3A_120 = tpu.memref_slice %arg16[%mul3A_2, %dma_start3A_119] : memref<10112x128xf32, #tpu.memory_space<vmem_shared>> -> memref<632x128xf32, #tpu.memory_space<vmem_shared>>
      tpu.enqueue_dma source(%dma_start3A_120 : memref<632x128xf32, #tpu.memory_space<vmem_shared>>) target(%dma_start3A_118 : memref<632x128xf32, #tpu.memory_space<hbm>>) target_semaphore(%run_scoped3A_115 : memref<!tpu.dma_semaphore, #tpu.memory_space<semaphore_mem>>)
      %dma_wait3A_121 = arith.constant 0 : i32
      %dma_wait3A_122 = tpu.memref_slice %arg5[%arg0, %mul3A_2, %dma_wait3A_121] : memref<2x10112x128xf32, #tpu.memory_space<hbm>> -> memref<1x632x128xf32, #tpu.memory_space<hbm>>
      %dma_wait3A_123 = tpu.memref_squeeze %dma_wait3A_122 : memref<1x632x128xf32, #tpu.memory_space<hbm>> -> memref<632x128xf32, #tpu.memory_space<hbm>>
      %dma_wait3A_124 = arith.constant 0 : i32
      %dma_wait3A_125 = tpu.memref_slice %arg16[%mul3A_2, %dma_wait3A_124] : memref<10112x128xf32, #tpu.memory_space<vmem_shared>> -> memref<632x128xf32, #tpu.memory_space<vmem_shared>>
      tpu.wait_dma2 semaphore(%run_scoped3A_115 : memref<!tpu.dma_semaphore, #tpu.memory_space<semaphore_mem>>) src(%dma_wait3A_125 : memref<632x128xf32, #tpu.memory_space<vmem_shared>>) dst(%dma_wait3A_123 : memref<632x128xf32, #tpu.memory_space<hbm>>)
      tpu.yield
    }) : () -> ()
    return
  }
}

module attributes {stable_mosaic.version = 14 : i64} {
  func.func @body(%arg0: memref<10000x128xf32, #tpu.memory_space<vmem>>, %arg1: memref<2x10112x128xf32, #tpu.memory_space<vmem>>, %arg2: memref<128x128xf32, #tpu.memory_space<vmem>>, %arg3: memref<128xf32, #tpu.memory_space<vmem>>, %arg4: memref<128xf32, #tpu.memory_space<vmem>>, %arg5: memref<128xf32, #tpu.memory_space<vmem>>, %arg6: memref<128x128xf32, #tpu.memory_space<vmem>>, %arg7: memref<128xf32, #tpu.memory_space<vmem>>, %arg8: memref<128xf32, #tpu.memory_space<vmem>>, %arg9: memref<128xf32, #tpu.memory_space<vmem>>, %arg10: memref<10112x128xf32, #tpu.memory_space<vmem>>) attributes {dimension_semantics = [], scalar_prefetch = 0 : i64, scratch_operands = 0 : i64, tpu.core_type = #tpu.core_type<tc>} {
    %iota3A = tpu.iota {dimensions = array<i32: 0>} : vector<10112x1xi32>
    %lt3A = arith.constant 10000 : i32
    %lt3A_0 = vector.broadcast %lt3A : i32 to vector<10112x1xi32>
    %lt3A_1 = arith.cmpi slt, %iota3A, %lt3A_0 : vector<10112x1xi32>
    %get3A = arith.constant 0 : index
    %get3A_2 = arith.constant 0 : index
    %get3A_3 = vector.load %arg0[%get3A, %get3A_2] : memref<10000x128xf32, #tpu.memory_space<vmem>>, vector<10000x128xf32>
    %broadcast_in_dim3A = arith.constant 0.000000e+00 : f32
    %broadcast_in_dim3A_4 = vector.broadcast %broadcast_in_dim3A : f32 to vector<112x128xf32>
    %concatenate3A = tpu.concatenate %get3A_3, %broadcast_in_dim3A_4 in 0 : vector<10000x128xf32>, vector<112x128xf32> -> vector<10112x128xf32>
    %get3A_5 = arith.constant 0 : index
    %get3A_6 = arith.constant 0 : index
    %get3A_7 = arith.constant 0 : index
    %get3A_8 = vector.load %arg1[%get3A_5, %get3A_6, %get3A_7] : memref<2x10112x128xf32, #tpu.memory_space<vmem>>, vector<1x10112x128xf32>
    %get3A_9 = vector.shape_cast %get3A_8 : vector<1x10112x128xf32> to vector<10112x128xf32>
    %add3A = arith.addf %concatenate3A, %get3A_9 : vector<10112x128xf32>
    %get3A_10 = arith.constant 1 : index
    %get3A_11 = arith.constant 0 : index
    %get3A_12 = arith.constant 0 : index
    %get3A_13 = vector.load %arg1[%get3A_10, %get3A_11, %get3A_12] : memref<2x10112x128xf32, #tpu.memory_space<vmem>>, vector<1x10112x128xf32>
    %get3A_14 = vector.shape_cast %get3A_13 : vector<1x10112x128xf32> to vector<10112x128xf32>
    %add3A_15 = arith.addf %add3A, %get3A_14 : vector<10112x128xf32>
    %jit3A = arith.constant 0.000000e+00 : f32
    %broadcast_in_dim3A_16 = vector.shape_cast %lt3A_1 : vector<10112x1xi1> to vector<10112x1xi1>
    %broadcast_in_dim3A_17 = vector.broadcast %broadcast_in_dim3A_16 : vector<10112x1xi1> to vector<10112x128xi1>
    %broadcast_in_dim3A_18 = vector.broadcast %jit3A : f32 to vector<10112x128xf32>
    %select_n3A = arith.select %broadcast_in_dim3A_17, %add3A_15, %broadcast_in_dim3A_18 : vector<10112x128xi1>, vector<10112x128xf32>
    %get3A_19 = arith.constant 0 : index
    %get3A_20 = arith.constant 0 : index
    %get3A_21 = vector.load %arg2[%get3A_19, %get3A_20] : memref<128x128xf32, #tpu.memory_space<vmem>>, vector<128x128xf32>
    %dot_general3A = arith.constant dense<0.000000e+00> : vector<10112x128xf32>
    %dot_general3A_22 = tpu.matmul %select_n3A, %get3A_21, %dot_general3A {dimension_numbers = #tpu.dot_dimension_numbers<[1], [0], [0], [1], [0, 0, 1, 1], [], []>, transpose_lhs_hint = false} : vector<10112x128xf32>, vector<128x128xf32>, vector<10112x128xf32> -> vector<10112x128xf32>
    %get3A_23 = arith.constant 0 : index
    %get3A_24 = vector.load %arg3[%get3A_23] : memref<128xf32, #tpu.memory_space<vmem>>, vector<128xf32>
    %broadcast_in_dim3A_25 = vector.shape_cast %get3A_24 : vector<128xf32> to vector<1x128xf32>
    %add3A_26 = vector.broadcast %broadcast_in_dim3A_25 : vector<1x128xf32> to vector<10112x128xf32>
    %add3A_27 = arith.addf %dot_general3A_22, %add3A_26 : vector<10112x128xf32>
    %get3A_28 = arith.constant 0 : index
    %get3A_29 = vector.load %arg4[%get3A_28] : memref<128xf32, #tpu.memory_space<vmem>>, vector<128xf32>
    %get3A_30 = arith.constant 0 : index
    %get3A_31 = vector.load %arg5[%get3A_30] : memref<128xf32, #tpu.memory_space<vmem>>, vector<128xf32>
    %jit3A_32 = arith.constant 0.000000e+00 : f32
    %broadcast_in_dim3A_33 = vector.shape_cast %lt3A_1 : vector<10112x1xi1> to vector<10112x1xi1>
    %broadcast_in_dim3A_34 = vector.broadcast %broadcast_in_dim3A_33 : vector<10112x1xi1> to vector<10112x128xi1>
    %broadcast_in_dim3A_35 = vector.broadcast %jit3A_32 : f32 to vector<10112x128xf32>
    %select_n3A_36 = arith.select %broadcast_in_dim3A_34, %add3A_27, %broadcast_in_dim3A_35 : vector<10112x128xi1>, vector<10112x128xf32>
    %reduce_sum3A = arith.constant dense<0.000000e+00> : vector<128xf32>
    %reduce_sum3A_37 = vector.multi_reduction <add>, %select_n3A_36, %reduce_sum3A [0] : vector<10112x128xf32> to vector<128xf32>
    %broadcast_in_dim3A_38 = vector.shape_cast %reduce_sum3A_37 : vector<128xf32> to vector<1x128xf32>
    %mul3A = arith.constant 9.99999974E-5 : f32
    %mul3A_39 = vector.broadcast %mul3A : f32 to vector<1x128xf32>
    %mul3A_40 = arith.mulf %broadcast_in_dim3A_38, %mul3A_39 : vector<1x128xf32>
    %mul3A_41 = arith.mulf %select_n3A_36, %select_n3A_36 : vector<10112x128xf32>
    %reduce_sum3A_42 = arith.constant dense<0.000000e+00> : vector<128xf32>
    %reduce_sum3A_43 = vector.multi_reduction <add>, %mul3A_41, %reduce_sum3A_42 [0] : vector<10112x128xf32> to vector<128xf32>
    %broadcast_in_dim3A_44 = vector.shape_cast %reduce_sum3A_43 : vector<128xf32> to vector<1x128xf32>
    %mul3A_45 = arith.constant 9.99999974E-5 : f32
    %mul3A_46 = vector.broadcast %mul3A_45 : f32 to vector<1x128xf32>
    %mul3A_47 = arith.mulf %broadcast_in_dim3A_44, %mul3A_46 : vector<1x128xf32>
    %mul3A_48 = arith.mulf %mul3A_40, %mul3A_40 : vector<1x128xf32>
    %sub3A = arith.subf %mul3A_47, %mul3A_48 : vector<1x128xf32>
    %sub3A_49 = vector.broadcast %mul3A_40 : vector<1x128xf32> to vector<10112x128xf32>
    %sub3A_50 = arith.subf %add3A_27, %sub3A_49 : vector<10112x128xf32>
    %add3A_51 = arith.constant 9.99999974E-6 : f32
    %add3A_52 = vector.broadcast %add3A_51 : f32 to vector<1x128xf32>
    %add3A_53 = arith.addf %sub3A, %add3A_52 : vector<1x128xf32>
    %rsqrt3A = math.rsqrt %add3A_53 : vector<1x128xf32>
    %mul3A_54 = vector.broadcast %rsqrt3A : vector<1x128xf32> to vector<10112x128xf32>
    %mul3A_55 = arith.mulf %sub3A_50, %mul3A_54 : vector<10112x128xf32>
    %broadcast_in_dim3A_56 = vector.shape_cast %get3A_29 : vector<128xf32> to vector<1x128xf32>
    %mul3A_57 = vector.broadcast %broadcast_in_dim3A_56 : vector<1x128xf32> to vector<10112x128xf32>
    %mul3A_58 = arith.mulf %mul3A_55, %mul3A_57 : vector<10112x128xf32>
    %broadcast_in_dim3A_59 = vector.shape_cast %get3A_31 : vector<128xf32> to vector<1x128xf32>
    %add3A_60 = vector.broadcast %broadcast_in_dim3A_59 : vector<1x128xf32> to vector<10112x128xf32>
    %add3A_61 = arith.addf %mul3A_58, %add3A_60 : vector<10112x128xf32>
    %max3A = arith.constant 0.000000e+00 : f32
    %max3A_62 = vector.broadcast %max3A : f32 to vector<10112x128xf32>
    %max3A_63 = arith.maximumf %add3A_61, %max3A_62 : vector<10112x128xf32>
    %get3A_64 = arith.constant 0 : index
    %get3A_65 = arith.constant 0 : index
    %get3A_66 = vector.load %arg6[%get3A_64, %get3A_65] : memref<128x128xf32, #tpu.memory_space<vmem>>, vector<128x128xf32>
    %dot_general3A_67 = arith.constant dense<0.000000e+00> : vector<10112x128xf32>
    %dot_general3A_68 = tpu.matmul %max3A_63, %get3A_66, %dot_general3A_67 {dimension_numbers = #tpu.dot_dimension_numbers<[1], [0], [0], [1], [0, 0, 1, 1], [], []>, transpose_lhs_hint = false} : vector<10112x128xf32>, vector<128x128xf32>, vector<10112x128xf32> -> vector<10112x128xf32>
    %get3A_69 = arith.constant 0 : index
    %get3A_70 = vector.load %arg7[%get3A_69] : memref<128xf32, #tpu.memory_space<vmem>>, vector<128xf32>
    %broadcast_in_dim3A_71 = vector.shape_cast %get3A_70 : vector<128xf32> to vector<1x128xf32>
    %add3A_72 = vector.broadcast %broadcast_in_dim3A_71 : vector<1x128xf32> to vector<10112x128xf32>
    %add3A_73 = arith.addf %dot_general3A_68, %add3A_72 : vector<10112x128xf32>
    %get3A_74 = arith.constant 0 : index
    %get3A_75 = vector.load %arg8[%get3A_74] : memref<128xf32, #tpu.memory_space<vmem>>, vector<128xf32>
    %get3A_76 = arith.constant 0 : index
    %get3A_77 = vector.load %arg9[%get3A_76] : memref<128xf32, #tpu.memory_space<vmem>>, vector<128xf32>
    %jit3A_78 = arith.constant 0.000000e+00 : f32
    %broadcast_in_dim3A_79 = vector.shape_cast %lt3A_1 : vector<10112x1xi1> to vector<10112x1xi1>
    %broadcast_in_dim3A_80 = vector.broadcast %broadcast_in_dim3A_79 : vector<10112x1xi1> to vector<10112x128xi1>
    %broadcast_in_dim3A_81 = vector.broadcast %jit3A_78 : f32 to vector<10112x128xf32>
    %select_n3A_82 = arith.select %broadcast_in_dim3A_80, %add3A_73, %broadcast_in_dim3A_81 : vector<10112x128xi1>, vector<10112x128xf32>
    %reduce_sum3A_83 = arith.constant dense<0.000000e+00> : vector<128xf32>
    %reduce_sum3A_84 = vector.multi_reduction <add>, %select_n3A_82, %reduce_sum3A_83 [0] : vector<10112x128xf32> to vector<128xf32>
    %broadcast_in_dim3A_85 = vector.shape_cast %reduce_sum3A_84 : vector<128xf32> to vector<1x128xf32>
    %mul3A_86 = arith.constant 9.99999974E-5 : f32
    %mul3A_87 = vector.broadcast %mul3A_86 : f32 to vector<1x128xf32>
    %mul3A_88 = arith.mulf %broadcast_in_dim3A_85, %mul3A_87 : vector<1x128xf32>
    %mul3A_89 = arith.mulf %select_n3A_82, %select_n3A_82 : vector<10112x128xf32>
    %reduce_sum3A_90 = arith.constant dense<0.000000e+00> : vector<128xf32>
    %reduce_sum3A_91 = vector.multi_reduction <add>, %mul3A_89, %reduce_sum3A_90 [0] : vector<10112x128xf32> to vector<128xf32>
    %broadcast_in_dim3A_92 = vector.shape_cast %reduce_sum3A_91 : vector<128xf32> to vector<1x128xf32>
    %mul3A_93 = arith.constant 9.99999974E-5 : f32
    %mul3A_94 = vector.broadcast %mul3A_93 : f32 to vector<1x128xf32>
    %mul3A_95 = arith.mulf %broadcast_in_dim3A_92, %mul3A_94 : vector<1x128xf32>
    %mul3A_96 = arith.mulf %mul3A_88, %mul3A_88 : vector<1x128xf32>
    %sub3A_97 = arith.subf %mul3A_95, %mul3A_96 : vector<1x128xf32>
    %sub3A_98 = vector.broadcast %mul3A_88 : vector<1x128xf32> to vector<10112x128xf32>
    %sub3A_99 = arith.subf %add3A_73, %sub3A_98 : vector<10112x128xf32>
    %add3A_100 = arith.constant 9.99999974E-6 : f32
    %add3A_101 = vector.broadcast %add3A_100 : f32 to vector<1x128xf32>
    %add3A_102 = arith.addf %sub3A_97, %add3A_101 : vector<1x128xf32>
    %rsqrt3A_103 = math.rsqrt %add3A_102 : vector<1x128xf32>
    %mul3A_104 = vector.broadcast %rsqrt3A_103 : vector<1x128xf32> to vector<10112x128xf32>
    %mul3A_105 = arith.mulf %sub3A_99, %mul3A_104 : vector<10112x128xf32>
    %broadcast_in_dim3A_106 = vector.shape_cast %get3A_75 : vector<128xf32> to vector<1x128xf32>
    %mul3A_107 = vector.broadcast %broadcast_in_dim3A_106 : vector<1x128xf32> to vector<10112x128xf32>
    %mul3A_108 = arith.mulf %mul3A_105, %mul3A_107 : vector<10112x128xf32>
    %broadcast_in_dim3A_109 = vector.shape_cast %get3A_77 : vector<128xf32> to vector<1x128xf32>
    %add3A_110 = vector.broadcast %broadcast_in_dim3A_109 : vector<1x128xf32> to vector<10112x128xf32>
    %add3A_111 = arith.addf %mul3A_108, %add3A_110 : vector<10112x128xf32>
    %max3A_112 = arith.constant 0.000000e+00 : f32
    %max3A_113 = vector.broadcast %max3A_112 : f32 to vector<10112x128xf32>
    %max3A_114 = arith.maximumf %add3A_111, %max3A_113 : vector<10112x128xf32>
    %jit3A_115 = arith.constant 0.000000e+00 : f32
    %broadcast_in_dim3A_116 = vector.shape_cast %lt3A_1 : vector<10112x1xi1> to vector<10112x1xi1>
    %broadcast_in_dim3A_117 = vector.broadcast %broadcast_in_dim3A_116 : vector<10112x1xi1> to vector<10112x128xi1>
    %broadcast_in_dim3A_118 = vector.broadcast %jit3A_115 : f32 to vector<10112x128xf32>
    %select_n3A_119 = arith.select %broadcast_in_dim3A_117, %max3A_114, %broadcast_in_dim3A_118 : vector<10112x128xi1>, vector<10112x128xf32>
    %swap3A = arith.constant 0 : index
    %swap3A_120 = arith.constant 0 : index
    %swap3A_121 = vector.load %arg10[%swap3A, %swap3A_120] : memref<10112x128xf32, #tpu.memory_space<vmem>>, vector<10112x128xf32>
    tpu.vector_store %arg10[%swap3A, %swap3A_120], %select_n3A_119 {strides = array<i32>} : memref<10112x128xf32, #tpu.memory_space<vmem>>, vector<10112x128xf32>,
    return
  }
}

module attributes {stable_mosaic.version = 14 : i64} {
  func.func @body(%arg0: memref<10112x128xf32, #tpu.memory_space<vmem>>, %arg1: memref<2x10112x128xf32, #tpu.memory_space<vmem>>, %arg2: memref<128x128xf32, #tpu.memory_space<vmem>>, %arg3: memref<128xf32, #tpu.memory_space<vmem>>, %arg4: memref<128xf32, #tpu.memory_space<vmem>>, %arg5: memref<128xf32, #tpu.memory_space<vmem>>, %arg6: memref<128x128xf32, #tpu.memory_space<vmem>>, %arg7: memref<128xf32, #tpu.memory_space<vmem>>, %arg8: memref<128xf32, #tpu.memory_space<vmem>>, %arg9: memref<128xf32, #tpu.memory_space<vmem>>, %arg10: memref<10112x128xf32, #tpu.memory_space<vmem>>) attributes {dimension_semantics = [], scalar_prefetch = 0 : i64, scratch_operands = 0 : i64, tpu.core_type = #tpu.core_type<tc>} {
    %iota3A = tpu.iota {dimensions = array<i32: 0>} : vector<10112x1xi32>
    %lt3A = arith.constant 10000 : i32
    %lt3A_0 = vector.broadcast %lt3A : i32 to vector<10112x1xi32>
    %lt3A_1 = arith.cmpi slt, %iota3A, %lt3A_0 : vector<10112x1xi32>
    %get3A = arith.constant 0 : index
    %get3A_2 = arith.constant 0 : index
    %get3A_3 = vector.load %arg0[%get3A, %get3A_2] : memref<10112x128xf32, #tpu.memory_space<vmem>>, vector<10112x128xf32>
    %get3A_4 = arith.constant 0 : index
    %get3A_5 = arith.constant 0 : index
    %get3A_6 = arith.constant 0 : index
    %get3A_7 = vector.load %arg1[%get3A_4, %get3A_5, %get3A_6] : memref<2x10112x128xf32, #tpu.memory_space<vmem>>, vector<1x10112x128xf32>
    %get3A_8 = vector.shape_cast %get3A_7 : vector<1x10112x128xf32> to vector<10112x128xf32>
    %add3A = arith.addf %get3A_3, %get3A_8 : vector<10112x128xf32>
    %get3A_9 = arith.constant 1 : index
    %get3A_10 = arith.constant 0 : index
    %get3A_11 = arith.constant 0 : index
    %get3A_12 = vector.load %arg1[%get3A_9, %get3A_10, %get3A_11] : memref<2x10112x128xf32, #tpu.memory_space<vmem>>, vector<1x10112x128xf32>
    %get3A_13 = vector.shape_cast %get3A_12 : vector<1x10112x128xf32> to vector<10112x128xf32>
    %add3A_14 = arith.addf %add3A, %get3A_13 : vector<10112x128xf32>
    %jit3A = arith.constant 0.000000e+00 : f32
    %broadcast_in_dim3A = vector.shape_cast %lt3A_1 : vector<10112x1xi1> to vector<10112x1xi1>
    %broadcast_in_dim3A_15 = vector.broadcast %broadcast_in_dim3A : vector<10112x1xi1> to vector<10112x128xi1>
    %broadcast_in_dim3A_16 = vector.broadcast %jit3A : f32 to vector<10112x128xf32>
    %select_n3A = arith.select %broadcast_in_dim3A_15, %add3A_14, %broadcast_in_dim3A_16 : vector<10112x128xi1>, vector<10112x128xf32>
    %get3A_17 = arith.constant 0 : index
    %get3A_18 = arith.constant 0 : index
    %get3A_19 = vector.load %arg2[%get3A_17, %get3A_18] : memref<128x128xf32, #tpu.memory_space<vmem>>, vector<128x128xf32>
    %dot_general3A = arith.constant dense<0.000000e+00> : vector<10112x128xf32>
    %dot_general3A_20 = tpu.matmul %select_n3A, %get3A_19, %dot_general3A {dimension_numbers = #tpu.dot_dimension_numbers<[1], [0], [0], [1], [0, 0, 1, 1], [], []>, transpose_lhs_hint = false} : vector<10112x128xf32>, vector<128x128xf32>, vector<10112x128xf32> -> vector<10112x128xf32>
    %get3A_21 = arith.constant 0 : index
    %get3A_22 = vector.load %arg3[%get3A_21] : memref<128xf32, #tpu.memory_space<vmem>>, vector<128xf32>
    %broadcast_in_dim3A_23 = vector.shape_cast %get3A_22 : vector<128xf32> to vector<1x128xf32>
    %add3A_24 = vector.broadcast %broadcast_in_dim3A_23 : vector<1x128xf32> to vector<10112x128xf32>
    %add3A_25 = arith.addf %dot_general3A_20, %add3A_24 : vector<10112x128xf32>
    %get3A_26 = arith.constant 0 : index
    %get3A_27 = vector.load %arg4[%get3A_26] : memref<128xf32, #tpu.memory_space<vmem>>, vector<128xf32>
    %get3A_28 = arith.constant 0 : index
    %get3A_29 = vector.load %arg5[%get3A_28] : memref<128xf32, #tpu.memory_space<vmem>>, vector<128xf32>
    %jit3A_30 = arith.constant 0.000000e+00 : f32
    %broadcast_in_dim3A_31 = vector.shape_cast %lt3A_1 : vector<10112x1xi1> to vector<10112x1xi1>
    %broadcast_in_dim3A_32 = vector.broadcast %broadcast_in_dim3A_31 : vector<10112x1xi1> to vector<10112x128xi1>
    %broadcast_in_dim3A_33 = vector.broadcast %jit3A_30 : f32 to vector<10112x128xf32>
    %select_n3A_34 = arith.select %broadcast_in_dim3A_32, %add3A_25, %broadcast_in_dim3A_33 : vector<10112x128xi1>, vector<10112x128xf32>
    %reduce_sum3A = arith.constant dense<0.000000e+00> : vector<128xf32>
    %reduce_sum3A_35 = vector.multi_reduction <add>, %select_n3A_34, %reduce_sum3A [0] : vector<10112x128xf32> to vector<128xf32>
    %broadcast_in_dim3A_36 = vector.shape_cast %reduce_sum3A_35 : vector<128xf32> to vector<1x128xf32>
    %mul3A = arith.constant 9.99999974E-5 : f32
    %mul3A_37 = vector.broadcast %mul3A : f32 to vector<1x128xf32>
    %mul3A_38 = arith.mulf %broadcast_in_dim3A_36, %mul3A_37 : vector<1x128xf32>
    %mul3A_39 = arith.mulf %select_n3A_34, %select_n3A_34 : vector<10112x128xf32>
    %reduce_sum3A_40 = arith.constant dense<0.000000e+00> : vector<128xf32>
    %reduce_sum3A_41 = vector.multi_reduction <add>, %mul3A_39, %reduce_sum3A_40 [0] : vector<10112x128xf32> to vector<128xf32>
    %broadcast_in_dim3A_42 = vector.shape_cast %reduce_sum3A_41 : vector<128xf32> to vector<1x128xf32>
    %mul3A_43 = arith.constant 9.99999974E-5 : f32
    %mul3A_44 = vector.broadcast %mul3A_43 : f32 to vector<1x128xf32>
    %mul3A_45 = arith.mulf %broadcast_in_dim3A_42, %mul3A_44 : vector<1x128xf32>
    %mul3A_46 = arith.mulf %mul3A_38, %mul3A_38 : vector<1x128xf32>
    %sub3A = arith.subf %mul3A_45, %mul3A_46 : vector<1x128xf32>
    %sub3A_47 = vector.broadcast %mul3A_38 : vector<1x128xf32> to vector<10112x128xf32>
    %sub3A_48 = arith.subf %add3A_25, %sub3A_47 : vector<10112x128xf32>
    %add3A_49 = arith.constant 9.99999974E-6 : f32
    %add3A_50 = vector.broadcast %add3A_49 : f32 to vector<1x128xf32>
    %add3A_51 = arith.addf %sub3A, %add3A_50 : vector<1x128xf32>
    %rsqrt3A = math.rsqrt %add3A_51 : vector<1x128xf32>
    %mul3A_52 = vector.broadcast %rsqrt3A : vector<1x128xf32> to vector<10112x128xf32>
    %mul3A_53 = arith.mulf %sub3A_48, %mul3A_52 : vector<10112x128xf32>
    %broadcast_in_dim3A_54 = vector.shape_cast %get3A_27 : vector<128xf32> to vector<1x128xf32>
    %mul3A_55 = vector.broadcast %broadcast_in_dim3A_54 : vector<1x128xf32> to vector<10112x128xf32>
    %mul3A_56 = arith.mulf %mul3A_53, %mul3A_55 : vector<10112x128xf32>
    %broadcast_in_dim3A_57 = vector.shape_cast %get3A_29 : vector<128xf32> to vector<1x128xf32>
    %add3A_58 = vector.broadcast %broadcast_in_dim3A_57 : vector<1x128xf32> to vector<10112x128xf32>
    %add3A_59 = arith.addf %mul3A_56, %add3A_58 : vector<10112x128xf32>
    %max3A = arith.constant 0.000000e+00 : f32
    %max3A_60 = vector.broadcast %max3A : f32 to vector<10112x128xf32>
    %max3A_61 = arith.maximumf %add3A_59, %max3A_60 : vector<10112x128xf32>
    %get3A_62 = arith.constant 0 : index
    %get3A_63 = arith.constant 0 : index
    %get3A_64 = vector.load %arg6[%get3A_62, %get3A_63] : memref<128x128xf32, #tpu.memory_space<vmem>>, vector<128x128xf32>
    %dot_general3A_65 = arith.constant dense<0.000000e+00> : vector<10112x128xf32>
    %dot_general3A_66 = tpu.matmul %max3A_61, %get3A_64, %dot_general3A_65 {dimension_numbers = #tpu.dot_dimension_numbers<[1], [0], [0], [1], [0, 0, 1, 1], [], []>, transpose_lhs_hint = false} : vector<10112x128xf32>, vector<128x128xf32>, vector<10112x128xf32> -> vector<10112x128xf32>
    %get3A_67 = arith.constant 0 : index
    %get3A_68 = vector.load %arg7[%get3A_67] : memref<128xf32, #tpu.memory_space<vmem>>, vector<128xf32>
    %broadcast_in_dim3A_69 = vector.shape_cast %get3A_68 : vector<128xf32> to vector<1x128xf32>
    %add3A_70 = vector.broadcast %broadcast_in_dim3A_69 : vector<1x128xf32> to vector<10112x128xf32>
    %add3A_71 = arith.addf %dot_general3A_66, %add3A_70 : vector<10112x128xf32>
    %get3A_72 = arith.constant 0 : index
    %get3A_73 = vector.load %arg8[%get3A_72] : memref<128xf32, #tpu.memory_space<vmem>>, vector<128xf32>
    %get3A_74 = arith.constant 0 : index
    %get3A_75 = vector.load %arg9[%get3A_74] : memref<128xf32, #tpu.memory_space<vmem>>, vector<128xf32>
    %jit3A_76 = arith.constant 0.000000e+00 : f32
    %broadcast_in_dim3A_77 = vector.shape_cast %lt3A_1 : vector<10112x1xi1> to vector<10112x1xi1>
    %broadcast_in_dim3A_78 = vector.broadcast %broadcast_in_dim3A_77 : vector<10112x1xi1> to vector<10112x128xi1>
    %broadcast_in_dim3A_79 = vector.broadcast %jit3A_76 : f32 to vector<10112x128xf32>
    %select_n3A_80 = arith.select %broadcast_in_dim3A_78, %add3A_71, %broadcast_in_dim3A_79 : vector<10112x128xi1>, vector<10112x128xf32>
    %reduce_sum3A_81 = arith.constant dense<0.000000e+00> : vector<128xf32>
    %reduce_sum3A_82 = vector.multi_reduction <add>, %select_n3A_80, %reduce_sum3A_81 [0] : vector<10112x128xf32> to vector<128xf32>
    %broadcast_in_dim3A_83 = vector.shape_cast %reduce_sum3A_82 : vector<128xf32> to vector<1x128xf32>
    %mul3A_84 = arith.constant 9.99999974E-5 : f32
    %mul3A_85 = vector.broadcast %mul3A_84 : f32 to vector<1x128xf32>
    %mul3A_86 = arith.mulf %broadcast_in_dim3A_83, %mul3A_85 : vector<1x128xf32>
    %mul3A_87 = arith.mulf %select_n3A_80, %select_n3A_80 : vector<10112x128xf32>
    %reduce_sum3A_88 = arith.constant dense<0.000000e+00> : vector<128xf32>
    %reduce_sum3A_89 = vector.multi_reduction <add>, %mul3A_87, %reduce_sum3A_88 [0] : vector<10112x128xf32> to vector<128xf32>
    %broadcast_in_dim3A_90 = vector.shape_cast %reduce_sum3A_89 : vector<128xf32> to vector<1x128xf32>
    %mul3A_91 = arith.constant 9.99999974E-5 : f32
    %mul3A_92 = vector.broadcast %mul3A_91 : f32 to vector<1x128xf32>
    %mul3A_93 = arith.mulf %broadcast_in_dim3A_90, %mul3A_92 : vector<1x128xf32>
    %mul3A_94 = arith.mulf %mul3A_86, %mul3A_86 : vector<1x128xf32>
    %sub3A_95 = arith.subf %mul3A_93, %mul3A_94 : vector<1x128xf32>
    %sub3A_96 = vector.broadcast %mul3A_86 : vector<1x128xf32> to vector<10112x128xf32>
    %sub3A_97 = arith.subf %add3A_71, %sub3A_96 : vector<10112x128xf32>
    %add3A_98 = arith.constant 9.99999974E-6 : f32
    %add3A_99 = vector.broadcast %add3A_98 : f32 to vector<1x128xf32>
    %add3A_100 = arith.addf %sub3A_95, %add3A_99 : vector<1x128xf32>
    %rsqrt3A_101 = math.rsqrt %add3A_100 : vector<1x128xf32>
    %mul3A_102 = vector.broadcast %rsqrt3A_101 : vector<1x128xf32> to vector<10112x128xf32>
    %mul3A_103 = arith.mulf %sub3A_97, %mul3A_102 : vector<10112x128xf32>
    %broadcast_in_dim3A_104 = vector.shape_cast %get3A_73 : vector<128xf32> to vector<1x128xf32>
    %mul3A_105 = vector.broadcast %broadcast_in_dim3A_104 : vector<1x128xf32> to vector<10112x128xf32>
    %mul3A_106 = arith.mulf %mul3A_103, %mul3A_105 : vector<10112x128xf32>
    %broadcast_in_dim3A_107 = vector.shape_cast %get3A_75 : vector<128xf32> to vector<1x128xf32>
    %add3A_108 = vector.broadcast %broadcast_in_dim3A_107 : vector<1x128xf32> to vector<10112x128xf32>
    %add3A_109 = arith.addf %mul3A_106, %add3A_108 : vector<10112x128xf32>
    %max3A_110 = arith.constant 0.000000e+00 : f32
    %max3A_111 = vector.broadcast %max3A_110 : f32 to vector<10112x128xf32>
    %max3A_112 = arith.maximumf %add3A_109, %max3A_111 : vector<10112x128xf32>
    %jit3A_113 = arith.constant 0.000000e+00 : f32
    %broadcast_in_dim3A_114 = vector.shape_cast %lt3A_1 : vector<10112x1xi1> to vector<10112x1xi1>
    %broadcast_in_dim3A_115 = vector.broadcast %broadcast_in_dim3A_114 : vector<10112x1xi1> to vector<10112x128xi1>
    %broadcast_in_dim3A_116 = vector.broadcast %jit3A_113 : f32 to vector<10112x128xf32>
    %select_n3A_117 = arith.select %broadcast_in_dim3A_115, %max3A_112, %broadcast_in_dim3A_116 : vector<10112x128xi1>, vector<10112x128xf32>
    %swap3A = arith.constant 0 : index
    %swap3A_118 = arith.constant 0 : index
    %swap3A_119 = vector.load %arg10[%swap3A, %swap3A_118] : memref<10112x128xf32, #tpu.memory_space<vmem>>, vector<10112x128xf32>
    tpu.vector_store %arg10[%swap3A, %swap3A_118], %select_n3A_117 {strides = array<i32>} : memref<10112x128xf32, #tpu.memory_space<vmem>>, vector<10112x128xf32>,
    return
  }
}

module attributes {stable_mosaic.version = 14 : i64} {
  func.func @body(%arg0: memref<10112x128xf32, #tpu.memory_space<vmem>>, %arg1: memref<2x10112x128xf32, #tpu.memory_space<vmem>>, %arg2: memref<128x128xf32, #tpu.memory_space<vmem>>, %arg3: memref<128xf32, #tpu.memory_space<vmem>>, %arg4: memref<128xf32, #tpu.memory_space<vmem>>, %arg5: memref<128xf32, #tpu.memory_space<vmem>>, %arg6: memref<128x128xf32, #tpu.memory_space<vmem>>, %arg7: memref<128xf32, #tpu.memory_space<vmem>>, %arg8: memref<10000x128xf32, #tpu.memory_space<vmem>>) attributes {dimension_semantics = [], scalar_prefetch = 0 : i64, scratch_operands = 0 : i64, tpu.core_type = #tpu.core_type<tc>} {
    %iota3A = tpu.iota {dimensions = array<i32: 0>} : vector<10112x1xi32>
    %lt3A = arith.constant 10000 : i32
    %lt3A_0 = vector.broadcast %lt3A : i32 to vector<10112x1xi32>
    %lt3A_1 = arith.cmpi slt, %iota3A, %lt3A_0 : vector<10112x1xi32>
    %get3A = arith.constant 0 : index
    %get3A_2 = arith.constant 0 : index
    %get3A_3 = vector.load %arg0[%get3A, %get3A_2] : memref<10112x128xf32, #tpu.memory_space<vmem>>, vector<10112x128xf32>
    %get3A_4 = arith.constant 0 : index
    %get3A_5 = arith.constant 0 : index
    %get3A_6 = arith.constant 0 : index
    %get3A_7 = vector.load %arg1[%get3A_4, %get3A_5, %get3A_6] : memref<2x10112x128xf32, #tpu.memory_space<vmem>>, vector<1x10112x128xf32>
    %get3A_8 = vector.shape_cast %get3A_7 : vector<1x10112x128xf32> to vector<10112x128xf32>
    %add3A = arith.addf %get3A_3, %get3A_8 : vector<10112x128xf32>
    %get3A_9 = arith.constant 1 : index
    %get3A_10 = arith.constant 0 : index
    %get3A_11 = arith.constant 0 : index
    %get3A_12 = vector.load %arg1[%get3A_9, %get3A_10, %get3A_11] : memref<2x10112x128xf32, #tpu.memory_space<vmem>>, vector<1x10112x128xf32>
    %get3A_13 = vector.shape_cast %get3A_12 : vector<1x10112x128xf32> to vector<10112x128xf32>
    %add3A_14 = arith.addf %add3A, %get3A_13 : vector<10112x128xf32>
    %jit3A = arith.constant 0.000000e+00 : f32
    %broadcast_in_dim3A = vector.shape_cast %lt3A_1 : vector<10112x1xi1> to vector<10112x1xi1>
    %broadcast_in_dim3A_15 = vector.broadcast %broadcast_in_dim3A : vector<10112x1xi1> to vector<10112x128xi1>
    %broadcast_in_dim3A_16 = vector.broadcast %jit3A : f32 to vector<10112x128xf32>
    %select_n3A = arith.select %broadcast_in_dim3A_15, %add3A_14, %broadcast_in_dim3A_16 : vector<10112x128xi1>, vector<10112x128xf32>
    %get3A_17 = arith.constant 0 : index
    %get3A_18 = arith.constant 0 : index
    %get3A_19 = vector.load %arg2[%get3A_17, %get3A_18] : memref<128x128xf32, #tpu.memory_space<vmem>>, vector<128x128xf32>
    %dot_general3A = arith.constant dense<0.000000e+00> : vector<10112x128xf32>
    %dot_general3A_20 = tpu.matmul %select_n3A, %get3A_19, %dot_general3A {dimension_numbers = #tpu.dot_dimension_numbers<[1], [0], [0], [1], [0, 0, 1, 1], [], []>, transpose_lhs_hint = false} : vector<10112x128xf32>, vector<128x128xf32>, vector<10112x128xf32> -> vector<10112x128xf32>
    %get3A_21 = arith.constant 0 : index
    %get3A_22 = vector.load %arg3[%get3A_21] : memref<128xf32, #tpu.memory_space<vmem>>, vector<128xf32>
    %broadcast_in_dim3A_23 = vector.shape_cast %get3A_22 : vector<128xf32> to vector<1x128xf32>
    %add3A_24 = vector.broadcast %broadcast_in_dim3A_23 : vector<1x128xf32> to vector<10112x128xf32>
    %add3A_25 = arith.addf %dot_general3A_20, %add3A_24 : vector<10112x128xf32>
    %get3A_26 = arith.constant 0 : index
    %get3A_27 = vector.load %arg4[%get3A_26] : memref<128xf32, #tpu.memory_space<vmem>>, vector<128xf32>
    %get3A_28 = arith.constant 0 : index
    %get3A_29 = vector.load %arg5[%get3A_28] : memref<128xf32, #tpu.memory_space<vmem>>, vector<128xf32>
    %jit3A_30 = arith.constant 0.000000e+00 : f32
    %broadcast_in_dim3A_31 = vector.shape_cast %lt3A_1 : vector<10112x1xi1> to vector<10112x1xi1>
    %broadcast_in_dim3A_32 = vector.broadcast %broadcast_in_dim3A_31 : vector<10112x1xi1> to vector<10112x128xi1>
    %broadcast_in_dim3A_33 = vector.broadcast %jit3A_30 : f32 to vector<10112x128xf32>
    %select_n3A_34 = arith.select %broadcast_in_dim3A_32, %add3A_25, %broadcast_in_dim3A_33 : vector<10112x128xi1>, vector<10112x128xf32>
    %reduce_sum3A = arith.constant dense<0.000000e+00> : vector<128xf32>
    %reduce_sum3A_35 = vector.multi_reduction <add>, %select_n3A_34, %reduce_sum3A [0] : vector<10112x128xf32> to vector<128xf32>
    %broadcast_in_dim3A_36 = vector.shape_cast %reduce_sum3A_35 : vector<128xf32> to vector<1x128xf32>
    %mul3A = arith.constant 9.99999974E-5 : f32
    %mul3A_37 = vector.broadcast %mul3A : f32 to vector<1x128xf32>
    %mul3A_38 = arith.mulf %broadcast_in_dim3A_36, %mul3A_37 : vector<1x128xf32>
    %mul3A_39 = arith.mulf %select_n3A_34, %select_n3A_34 : vector<10112x128xf32>
    %reduce_sum3A_40 = arith.constant dense<0.000000e+00> : vector<128xf32>
    %reduce_sum3A_41 = vector.multi_reduction <add>, %mul3A_39, %reduce_sum3A_40 [0] : vector<10112x128xf32> to vector<128xf32>
    %broadcast_in_dim3A_42 = vector.shape_cast %reduce_sum3A_41 : vector<128xf32> to vector<1x128xf32>
    %mul3A_43 = arith.constant 9.99999974E-5 : f32
    %mul3A_44 = vector.broadcast %mul3A_43 : f32 to vector<1x128xf32>
    %mul3A_45 = arith.mulf %broadcast_in_dim3A_42, %mul3A_44 : vector<1x128xf32>
    %mul3A_46 = arith.mulf %mul3A_38, %mul3A_38 : vector<1x128xf32>
    %sub3A = arith.subf %mul3A_45, %mul3A_46 : vector<1x128xf32>
    %sub3A_47 = vector.broadcast %mul3A_38 : vector<1x128xf32> to vector<10112x128xf32>
    %sub3A_48 = arith.subf %add3A_25, %sub3A_47 : vector<10112x128xf32>
    %add3A_49 = arith.constant 9.99999974E-6 : f32
    %add3A_50 = vector.broadcast %add3A_49 : f32 to vector<1x128xf32>
    %add3A_51 = arith.addf %sub3A, %add3A_50 : vector<1x128xf32>
    %rsqrt3A = math.rsqrt %add3A_51 : vector<1x128xf32>
    %mul3A_52 = vector.broadcast %rsqrt3A : vector<1x128xf32> to vector<10112x128xf32>
    %mul3A_53 = arith.mulf %sub3A_48, %mul3A_52 : vector<10112x128xf32>
    %broadcast_in_dim3A_54 = vector.shape_cast %get3A_27 : vector<128xf32> to vector<1x128xf32>
    %mul3A_55 = vector.broadcast %broadcast_in_dim3A_54 : vector<1x128xf32> to vector<10112x128xf32>
    %mul3A_56 = arith.mulf %mul3A_53, %mul3A_55 : vector<10112x128xf32>
    %broadcast_in_dim3A_57 = vector.shape_cast %get3A_29 : vector<128xf32> to vector<1x128xf32>
    %add3A_58 = vector.broadcast %broadcast_in_dim3A_57 : vector<1x128xf32> to vector<10112x128xf32>
    %add3A_59 = arith.addf %mul3A_56, %add3A_58 : vector<10112x128xf32>
    %max3A = arith.constant 0.000000e+00 : f32
    %max3A_60 = vector.broadcast %max3A : f32 to vector<10112x128xf32>
    %max3A_61 = arith.maximumf %add3A_59, %max3A_60 : vector<10112x128xf32>
    %get3A_62 = arith.constant 0 : index
    %get3A_63 = arith.constant 0 : index
    %get3A_64 = vector.load %arg6[%get3A_62, %get3A_63] : memref<128x128xf32, #tpu.memory_space<vmem>>, vector<128x128xf32>
    %dot_general3A_65 = arith.constant dense<0.000000e+00> : vector<10112x128xf32>
    %dot_general3A_66 = tpu.matmul %max3A_61, %get3A_64, %dot_general3A_65 {dimension_numbers = #tpu.dot_dimension_numbers<[1], [0], [0], [1], [0, 0, 1, 1], [], []>, transpose_lhs_hint = false} : vector<10112x128xf32>, vector<128x128xf32>, vector<10112x128xf32> -> vector<10112x128xf32>
    %get3A_67 = arith.constant 0 : index
    %get3A_68 = vector.load %arg7[%get3A_67] : memref<128xf32, #tpu.memory_space<vmem>>, vector<128xf32>
    %broadcast_in_dim3A_69 = vector.shape_cast %get3A_68 : vector<128xf32> to vector<1x128xf32>
    %add3A_70 = vector.broadcast %broadcast_in_dim3A_69 : vector<1x128xf32> to vector<10112x128xf32>
    %add3A_71 = arith.addf %dot_general3A_66, %add3A_70 : vector<10112x128xf32>
    %slice3A = vector.extract_strided_slice %add3A_71 {offsets = [0, 0], sizes = [10000, 128], strides = [1, 1]} : vector<10112x128xf32> to vector<10000x128xf32>
    %swap3A = arith.constant 0 : index
    %swap3A_72 = arith.constant 0 : index
    %swap3A_73 = vector.load %arg8[%swap3A, %swap3A_72] : memref<10000x128xf32, #tpu.memory_space<vmem>>, vector<10000x128xf32>
    tpu.vector_store %arg8[%swap3A, %swap3A_72], %slice3A {strides = array<i32>} : memref<10000x128xf32, #tpu.memory_space<vmem>>, vector<10000x128xf32>,
    return
  }
}

</mosaic_0001>

<sc_bundles>
// kernel: kernel.11.cloned.1.call-start
scs
__scs_entry_jumppad:
0x0: {  	(pc) =	sbr.rel $0x88, $3  }
0x1: {  	(tag) =	ssettag $0x0;
	lr =	simm.s32 $0x1  }
0x2: {  	[smem:$0x3F89] =	sst lr;
	_ =	strace $0xD0000000  }
0x3: {  	_ = 	snop  }
0x4: {  	_ = 	snop  }
0x5: {  	_ = 	snop  }
0x6: {  	_ = 	snop  }
0x7: {  	_ = 	snop  }
__scs_overlays_trampoline_lowered:
0x8: {  	[smem:$0x3F98] =	sst s0  }
0x9: {  	[smem:$0x3F99] =	sst s1  }
0xa: {  	[smem:$0x3F9A] =	sst s2  }
0xb: {  	[smem:$0x3F9B] =	sst s3  }
0xc: {  	[smem:$0x3F9C] =	sst s4  }
0xd: {  	[smem:$0x3F9D] =	sst s5  }
0xe: {  	[smem:$0x3F9E] =	sst s6  }
0xf: {  	[smem:$0x3F9F] =	sst s7  }
0x10: {  	[smem:$0x3FA0] =	sst s8  }
0x11: {  	[smem:$0x3FA1] =	sst s9;
	s0 =	simm.s32 @!p0 $0x0  }
0x12: {  	s1 =	sld [smem:$0x3F87];
	s0 =	simm.s32 @p0 $0x1  }
0x13: {  	[smem:$0x3FA2] =	sst s0;
	s0 =	simm.s32 @!p1 $0x0  }
0x14: {  	s2 =	sld [smem:$0x3F86];
	s0 =	simm.s32 @p1 $0x1  }
0x15: {  	[smem:$0x3FA3] =	sst s0;
	s0 =	simm.s32 @!p2 $0x0  }
0x16: {  	s3 =	sld [smem:$0x3FDB];
	s0 =	simm.s32 @p2 $0x1  }
0x17: {  	s4 =	simm.s32 $0x1BF5;
	[smem:$0x3FA5] =	sst s0  }
0x18: {  	s0 =	sld [smem:$0x3F88];
	_ =	swait.ge [sflag:s4], $0x0  }
0x19: {  	s7 =	sld [smem:$0x3F89]  }
0x1a: {  	s8 =	sadd.s32 $0xFFFFE003, lr  }
0x1b: {  	s9 =	sadd.s32 $0xFFFFFEF7, lr;
	s5 =	simm.s32 $0xFFFFFFFF;
	p2 =	slt.u32 s8, $0xFFFFF086  }
0x1c: {  	p1 =	slt.u32 s9, $0xF7A;
	s5 =	simm.s32 @!p2 $0x0  }
0x1d: {  	s5 =	simm.s32 @p1 $0x1;
	p0 =	seq.s32 s7, s2  }
0x1e: {  	s7 =	smul.u32 @!p0 $0xF7A, s2;
	p2 =	seq.s32 @!p0 s5, $0x0  }
0x1f: {  	s9 =	smul.u32 $0xF7A, s1;
	s8 =	simm.s32 @!p0 $0x1BF5;
	p2 =	por !p2, p0  }
0x20: {  	[sflag:s8] =	ssyncset.s32 @!p0 $0xFFFFF086;
	s6 =	sadd.s32 @!p0 s3, s7;
	s7 =	simm.s32 @!p0 $0x108  }
0x21: {  	s3 =	sadd.s32 s3, s9;
	s6 =	sadd.s32 @!p0 $0x88, s6;
	s7 =	simm.s32 @p2 $0x1082  }
0x22: {  	[simem:s7], [sflag:s8] =	dma.local @!p0 [hbm:s6], $0xF7A  }
0x23: {  	s9 =	sor.u32 $0xD0000000, s2;
	s6 =	simm.s32 $0x108;
	_ =	swait.ge @!p0 [sflag:s8], $0x0  }
0x24: {  	s3 =	sadd.s32 $0x88, s3;
	s6 =	simm.s32 @!p1 $0x1082;
	[sflag:s4] =	ssyncset.s32 $0xFFFFF086  }
0x25: {  	[simem:s6], [sflag:s4] =	dma.local [hbm:s3], $0xF7A  }
0x26: {  	[smem:$0x3F89] =	sst s1;
	(tag) =	ssettag s2;
	_ =	strace s9  }
0x27: {  	s1 =	sld [smem:$0x3F99]  }
0x28: {  	s2 =	sld [smem:$0x3F9A]  }
0x29: {  	s4 =	sld [smem:$0x3F9C]  }
0x2a: {  	p0 =	seq.s32 s5, $0x0;
	s5 =	sld [smem:$0x3F9D]  }
0x2b: {  	s6 =	sld [smem:$0x3F9E]  }
0x2c: {  	s7 =	sld [smem:$0x3F9F]  }
0x2d: {  	s3 =	simm.s32 $0x108;
	s8 =	sld [smem:$0x3FA0]  }
0x2e: {  	s3 =	simm.s32 @!p0 $0x1082;
	s9 =	sld [smem:$0x3FA1]  }
0x2f: {  	lr =	sadd.s32 s0, s3;
	s0 =	sld [smem:$0x3F98]  }
0x30: {  	s3 =	sld [smem:$0x3F9B]  }
0x31: {  	[smem:$0x3FA4] =	sst s10  }
0x32: {  	s10 =	sld [smem:$0x3FA2];
	_ =	sdelay $0x3  }
0x33: {  	p0 =	seq.s32 s10, $0x1;
	s10 =	sld [smem:$0x3FA4];
	_ =	sdelay $0x3  }
0x34: {  	[smem:$0x3FA4] =	sst s10  }
0x35: {  	s10 =	sld [smem:$0x3FA3];
	_ =	sdelay $0x3  }
0x36: {  	p1 =	seq.s32 s10, $0x1;
	s10 =	sld [smem:$0x3FA4];
	_ =	sdelay $0x3  }
0x37: {  	[smem:$0x3FA4] =	sst s10  }
0x38: {  	s10 =	sld [smem:$0x3FA5]  }
0x39: {  	_ = 	snop;
	(pc) =	sbr.ind lr, $3  }
0x3a: {  	_ = 	snop  }
0x3b: {  	_ = 	snop  }
0x3c: {  	p2 =	seq.s32 s10, $0x1;
	s10 =	sld [smem:$0x3FA4]  }
0x3d: {  	_ =	shalt  }
0x3e: {  	_ =	shalt  }
0x3f: {  	_ =	shalt  }
0x40: {  	_ =	shalt  }
0x41: {  	_ =	shalt  }
0x42: {  	_ =	shalt  }
0x43: {  	_ =	shalt  }
0x44: {  	_ =	shalt  }
0x45: {  	_ =	shalt  }
0x46: {  	_ =	shalt  }
0x47: {  	_ =	shalt  }
0x48: {  	_ =	shalt  }
0x49: {  	_ =	shalt  }
0x4a: {  	_ =	shalt  }
0x4b: {  	_ =	shalt  }
0x4c: {  	_ =	shalt  }
0x4d: {  	_ =	shalt  }
0x4e: {  	_ =	shalt  }
0x4f: {  	_ =	shalt  }
0x50: {  	_ =	shalt  }
0x51: {  	_ =	shalt  }
0x52: {  	_ =	shalt  }
0x53: {  	_ =	shalt  }
0x54: {  	_ =	shalt  }
0x55: {  	_ =	shalt  }
0x56: {  	_ =	shalt  }
0x57: {  	_ =	shalt  }
0x58: {  	_ =	shalt  }
0x59: {  	_ =	shalt  }
0x5a: {  	_ =	shalt  }
0x5b: {  	_ =	shalt  }
0x5c: {  	_ =	shalt  }
0x5d: {  	_ =	shalt  }
0x5e: {  	_ =	shalt  }
0x5f: {  	_ =	shalt  }
0x60: {  	_ =	shalt  }
0x61: {  	_ =	shalt  }
0x62: {  	_ =	shalt  }
0x63: {  	_ =	shalt  }
0x64: {  	_ =	shalt  }
0x65: {  	_ =	shalt  }
0x66: {  	_ =	shalt  }
0x67: {  	_ =	shalt  }
0x68: {  	_ =	shalt  }
0x69: {  	_ =	shalt  }
0x6a: {  	_ =	shalt  }
0x6b: {  	_ =	shalt  }
0x6c: {  	_ =	shalt  }
0x6d: {  	_ =	shalt  }
0x6e: {  	_ =	shalt  }
0x6f: {  	_ =	shalt  }
0x70: {  	_ =	shalt  }
0x71: {  	_ =	shalt  }
0x72: {  	_ =	shalt  }
0x73: {  	_ =	shalt  }
0x74: {  	_ =	shalt  }
0x75: {  	_ =	shalt  }
0x76: {  	_ =	shalt  }
0x77: {  	_ =	shalt  }
0x78: {  	_ =	shalt  }
0x79: {  	_ =	shalt  }
0x7a: {  	_ =	shalt  }
0x7b: {  	_ =	shalt  }
0x7c: {  	_ =	shalt  }
0x7d: {  	_ =	shalt  }
0x7e: {  	_ =	shalt  }
0x7f: {  	_ =	shalt  }
0x80: {  	_ =	shalt  }
0x81: {  	_ =	shalt  }
0x82: {  	_ =	shalt  }
0x83: {  	_ =	shalt  }
0x84: {  	_ =	shalt  }
0x85: {  	_ =	shalt  }
0x86: {  	_ =	shalt  }
0x87: {  	_ =	shalt  }
.Lfunc_end0:
.L_simem_size_0:
called_computation.1_lowered:
.L_overlay_start_0:
0x88: {  	s2 =	sld [smem:$0x3FD9]  }
0x89: {  	s3 =	sld [smem:$0x3FFE];
	_ =	sdelay $0x1  }
0x8a: {  	s1 =	srdreg.scid  }
0x8b: {  	s0 =	sand.u32 $0x1, s1  }
0x8c: {  	s17 =	sshll.u32 s0, $0xA;
	s2 =	sadd.s32 s3, s2  }
0x8d: {  	s2 =	sadd.s32 s2, s17  }
0x8e: {  	[smem:$0x3FB0] =	sst s2  }
0x8f: {  	_ = 	snop  }
0x90: {  	s2 =	sld [smem:$0x3FD0];
	(tm) =	ssettm $0x1  }
0x91: {  	s18 =	sld [smem:$0x3FFB];
	_ =	sdelay $0x3  }
0x92: {  	_ =	strace s18  }
0x93: {  	s3 =	sld [smem:$0x3FFC];
	_ =	sdelay $0x3  }
0x94: {  	_ =	strace s3  }
0x95: {  	s3 =	sld [smem:$0x3FFD];
	_ =	sdelay $0x3  }
0x96: {  	_ =	strace s3  }
0x97: {  	_ =	strace $0x8FFFFFFF  }
0x98: {  	s19 =	sld [smem:$0x3FDB];
	_ =	sdelay $0x1  }
0x99: {  	s4 =	simm.s32 $_scs_section_size  }
0x9a: {  	s5 =	simm.s32 $_size__tile_overlayer_lowered;
	s6 =	simm.s32 $_tile_overlayer_lowered  }
0x9b: {  	s22 =	simm.s32 $0x1BFF;
	s21 =	sshll.u32 s6, $0x1;
	s3 =	sadd.s32 s4, s19  }
0x9c: {  	s7 =	simm.s32 $0x0;
	s20 =	sshll.u32 s5, $0x1;
	s5 =	sadd.s32 s21, s3  }
0x9d: {  	[timem:s7], [sflag:s22] =	dma.local [hbm:s5], s20  }
0x9e: {  	_ =	swait.ge [sflag:s22], s20  }
0x9f: {  	s4 =	ssub.s32 $0x0, s20;
	[sflag:s22] =	ssyncset.done $0x0  }
0xa0: {  	[sflag:s22] =	ssyncadd.s32 s4;
	_ =	sdelay $0x1  }
0xa1: {  	s23 =	simm.s32 $0x1B8B  }
0xa2: {  	_ =	swait.ge [sflag:s23], $0x1  }
0xa3: {  	[sflag:s23] =	ssyncset.done $0x0  }
0xa4: {  	s25 =	simm.s32 $0x1B8E;
	s24 =	sld [smem:$0x3FFE];
	[sflag:s23] =	ssyncadd.s32 $0xFFFFFFFF  }
0xa5: {  	s26 =	simm.s32 $execute0_lowered;
	[smem:$0x3FD2] =	sst s25  }
0xa6: {  	s5 =	sshll.u32 s26, $0x1;
	_ =	strace $0x80000049;
	[dreg:$0x1] =	wrdreg $0xFFFFFFFF  }
0xa7: {  	s28 =	simm.s32 $_size_execute0_lowered;
	s3 =	sadd.s32 s3, s5;
	[dreg:$0x0] =	wrdreg $0x0  }
0xa8: {  	s5 =	sshll.u32 s28, $0x1;
	[dreg:$0x2] =	wrdreg s3  }
0xa9: {  	[dreg:$0x3] =	wrdreg s5  }
0xaa: {  	[dreg:$0x4] =	wrdreg $0xC0  }
0xab: {  	_ =	task [dreg:s7], $0x5FFFF  }
0xac: {  	[dreg:$0x1] =	wrdreg $0xFFFFFFFF  }
0xad: {  	[dreg:$0x0] =	wrdreg $0x60  }
0xae: {  	[dreg:$0x2] =	wrdreg s2  }
0xaf: {  	[dreg:$0x3] =	wrdreg s24  }
0xb0: {  	[dreg:$0x4] =	wrdreg $0xC3800  }
0xb1: {  	[dreg:$0x5] =	wrdreg $0x9  }
0xb2: {  	_ =	task.clear_ibuf [dreg:s7], $0x6FFFF;
	_ =	strace $0x90000049  }
0xb3: {  	s29 =	simm.s32 $0x9;
	_ =	strace $0x8000004B  }
0xb4: {  	_ =	swait.ge [sflag:s29], $0x1  }
0xb5: {  	[sflag:s29] =	ssyncadd.s32 $0xFFFFFFFF  }
0xb6: {  	_ =	strace $0x9000004B  }
0xb7: {  	_ =	sfence  }
0xb8: {  	s30 =	sld [smem:$0x0];
	_ =	sdelay $0x2  }
0xb9: {  	s31 =	sshll.u32 s1, $0xD;
	s1 =	sshrl.u32 s1, $0x2  }
0xba: {  	s3 =	sand.u32 $0x4000, s31;
	s1 =	sadd.s32 s1, s30  }
0xbb: {  	s0 =	sor.u32 s3, s0;
	s1 =	sshll.u32 s1, $0x11  }
0xbc: {  	s0 =	sor.u32 s1, s0  }
0xbd: {  	s0 =	sadd.s32 $0x8F2B, s0  }
0xbe: {  	[sflag:s0] =	ssyncadd.remote.s32 $0x1  }
0xbf: {  	_ =	sfence.sel $0xFFFF  }
0xc0: {  	[dreg:$0x0] =	wrdreg $0xFFFFFFFF;
	(pc) =	sbr.abs _section_cstart, $3  }
0xc1: {  	[dreg:$0x1] =	wrdreg $0xFFFFFFFF  }
0xc2: {  	_ =	task.clear_ibuf [dreg:s7], $0x2FFFF;
	_ =	strace $0x9FFFFFFF  }
0xc3: {  	(tm) =	ssettm $0x7FFFFFFF  }
tec
execute0_lowered:
.L_overlay_start_1:
0x0: {  	(tag) =	ssettag $0x1  }
0x1: {  	s0 =	rddreg [dreg:$0x0]  }
0x2: {  	s1 =	rddreg [dreg:$0x1]  }
0x3: {  	s10 =	stileid.u32;
	s3 =	srdreg.scid  }
0x4: {  	s2 =	rddreg [dreg:$0x2];
	s16 =	simm.s32 $0x80;
	s17 =	simm.s32 $0x100  }
0x5: {  	s18 =	simm.s32 $0x180;
	s28 =	simm.s32 $0xC;
	s29 =	simm.s32 $0x280  }
0x6: {  	s30 =	simm.s32 $0x3;
	s31 =	simm.s32 $0x7;
	s12 =	simm.s32 $0x0  }
0x7: {  	s4 =	smul.u32 $0x13C00, s10;
	s5 =	sand.u32 $0x1, s3;
	s3 =	simm.s32 $0x0  }
0x8: {  	s11 =	sshll.u32 s10, $0x6;
	s20 =	smul.u32 $0x4F000, s10;
	s25 =	sadd.s32 $0x13890, s0  }
0x9: {  	s10 =	simm.s32 $0x9;
	s6 =	smul.u32 $0x13C000, s5;
	[smem:$0x7FF] =	sst s3  }
0xa: {  	s8 =	ssub.s32 $0x2, s5;
	s5 =	sshll.u32 s5, $0x5;
	_ =	strace $0x8000004A  }
0xb: {  	s7 =	sshrl.u32 s4, $0x3;
	s19 =	sshrl.u32 s8, $0x1;
	[dreg:$0xa] =	wrdreg s25  }
0xc: {  	s9 =	sor.u32 s5, s11;
	[dreg:$0x5] =	wrdreg s11;
	s6 =	sadd.s32 s4, s6  }
0xd: {  	s4 =	sadd.s32 $0x2C600, s1;
	s7 =	sadd.s32 s7, s1;
	s8 =	ssub.s32 s8, s19  }
0xe: {  	s6 =	sshrl.u32 s6, $0x3;
	s7 =	sadd.s32 $0x4E00, s7;
	s26 =	smax.u32 s8, $0x1  }
0xf: {  	s1 =	sadd.s32 s6, s1;
	s6 =	sadd.s32 s0, s9;
	[dreg:$0xc] =	wrdreg s7  }
0x10: {  	s25 =	simm.s32 $0xD;
	[dreg:$0xe] =	wrdreg s26;
	s21 =	sadd.s32 $0x400, s6  }
0x11: {  	s19 =	simm.s32 $0x200;
	s22 =	sadd.s32 $0x800, s6;
	[dreg:$0x6] =	wrdreg s21  }
0x12: {  	s8 =	simm.s32 $0x5;
	s23 =	sadd.s32 $0x10, s6;
	[dreg:$0x7] =	wrdreg s22  }
0x13: {  	s9 =	sshrl.u32 s20, $0x2;
	s24 =	sadd.s32 $0x410, s6;
	[dreg:$0x8] =	wrdreg s23  }
0x14: {  	s0 =	sadd.s32 s11, s0;
	s9 =	sadd.s32 s9, s2;
	[dreg:$0x9] =	wrdreg s24  }
0x15: {  	s20 =	simm.s32 $0x1;
	s1 =	sadd.s32 $0x53E00, s1;
	[dreg:$0xb] =	wrdreg s9  }
0x16: {  	s26 =	simm.s32 $0x8380;
	s0 =	sadd.s32 s5, s0;
	[dreg:$0xd] =	wrdreg s1  }
0x17: {  	s7 =	simm.s32 $0x8;
	s11 =	simm.s32 $0x6;
	[dreg:$0x4] =	wrdreg s0  }
0x18: {  	s21 =	simm.s32 $0x380;
	s22 =	simm.s32 $0x2;
	s23 =	simm.s32 $0x4380  }
0x19: {  	s1 =	simm.s32 $0x4;
	s0 =	simm.s32 $0xA;
	s9 =	simm.s32 $0xB  }
.LBB2_1:
0x1a: {  	[tilespmem:s3], [sflag:$0x1] =	stream.linear.gather [hbm4b:s6+s3], $0x80, $0x38;
	[tilespmem:$0x1FF80] =	vst v63  }
0x1b: {  	s5 =	rddreg [dreg:$0x6]  }
0x1c: {  	[tilespmem:s16], [sflag:$0x2] =	stream.linear.gather [hbm4b:s5+s3], $0x80, $0x38;
	[tilespmem:$0x1FF80] =	vst v63  }
0x1d: {  	s13 =	rddreg [dreg:$0x7]  }
0x1e: {  	[tilespmem:s17], [sflag:$0x3] =	stream.linear.gather [hbm4b:s13+s3], $0x80, $0x38;
	[tilespmem:$0x1FF80] =	vst v63  }
0x1f: {  	s14 =	rddreg [dreg:$0x8]  }
0x20: {  	[tilespmem:s18], [sflag:$0x4] =	stream.linear.gather [hbm4b:s14+s3], $0x80, $0x38;
	[tilespmem:$0x1FF80] =	vst v63  }
0x21: {  	s15 =	rddreg [dreg:$0x9]  }
0x22: {  	[tilespmem:s19], [sflag:$0x5] =	stream.linear.gather [hbm4b:s15+s3], $0x80, $0x38;
	[tilespmem:$0x1FF80] =	vst v63  }
0x23: {  	_ =	swait.ge [sflag:s20], $0x80  }
0x24: {  	[sflag:s20] =	ssyncset.done $0x0  }
0x25: {  	[sflag:s20] =	ssyncadd.s32 $0xFFFFFF80  }
0x26: {  	[tilespmem:s21], [sflag:$0x7] =	stream.indirect.gather [hbm4b:s4+s16], $0x80, s3, s16, $0xb8;
	[tilespmem:$0x1FF80] =	vst v63  }
0x27: {  	_ =	swait.ge [sflag:s22], $0x80  }
0x28: {  	[sflag:s22] =	ssyncset.done $0x0  }
0x29: {  	[sflag:s22] =	ssyncadd.s32 $0xFFFFFF80  }
0x2a: {  	[tilespmem:s23], [sflag:$0x8] =	stream.indirect.gather [hbm4b:s4+s16], $0x80, s16, s16, $0xb8;
	[tilespmem:$0x1FF80] =	vst v63  }
0x2b: {  	s13 =	simm.s32 $0x300;
	s24 =	rddreg [dreg:$0xa]  }
0x2c: {  	[tilespmem:s13], [sflag:$0xD] =	stream.linear.gather [hbm4b:s24+s3], $0x80, $0x38;
	[tilespmem:$0x1FF80] =	vst v63  }
0x2d: {  	_ =	swait.ge [sflag:s25], $0x80  }
0x2e: {  	[sflag:s25] =	ssyncset.done $0x0  }
0x2f: {  	s14 =	rddreg [dreg:$0xb];
	[sflag:s25] =	ssyncadd.s32 $0xFFFFFF80  }
0x30: {  	[spmem:s2] =	stream.indirect.scatter.add.f32 [tilespmem:s26], [sflag:$0xC], $0x80, s13, s16, $0xb8;
	[tilespmem:$0x1FF80] =	vst v63  }
0x31: {  	s13 =	rddreg [dreg:$0x5]  }
0x32: {  	s5 =	sshrl.u32 s14, $0x3;
	s14 =	rddreg [dreg:$0xc];
	s13 =	sor.u32 $0x1C0D, s13  }
0x33: {  	[spmem:s5], [sflag:s13] =	dma.local [hbm:s14], $0x2780  }
0x34: {  	_ =	swait.ge [sflag:s25], $0x2780  }
0x35: {  	[sflag:s25] =	ssyncset.done $0x0  }
0x36: {  	[sflag:s25] =	ssyncadd.s32 $0xFFFFD880  }
0x37: {  	[bflag:$0x0] =	sbarrier.arrive $0xFFFF  }
0x38: {  	_ =	swait.ge [sflag:s28], $0x4000  }
0x39: {  	s15 =	rddreg [dreg:$0x4]  }
0x3a: {  	[sflag:s28] =	ssyncset.done $0x0;
	s15 =	sadd.s32 $0x0, s15  }
0x3b: {  	[sflag:s28] =	ssyncadd.s32 $0xFFFFC000;
	s14 =	sadd.s32 $0x810, s15  }
0x3c: {  	[tilespmem:s29], [sflag:$0x6] =	stream.linear.gather [hbm4b:s14+s3], $0x80, $0x38;
	[tilespmem:$0x1FF80] =	vst v63  }
0x3d: {  	_ =	swait.ge [sflag:s30], $0x80  }
0x3e: {  	[sflag:s30] =	ssyncset.done $0x0  }
0x3f: {  	[sflag:s30] =	ssyncadd.s32 $0xFFFFFF80  }
0x40: {  	[tilespmem:s26], [sflag:$0x9] =	stream.indirect.gather [hbm4b:s4+s16], $0x80, s17, s16, $0xb8;
	[tilespmem:$0x1FF80] =	vst v63  }
0x41: {  	_ =	swait.ge [sflag:s31], $0x4000  }
0x42: {  	[sflag:s31] =	ssyncset.done $0x0  }
0x43: {  	[sflag:s31] =	ssyncadd.s32 $0xFFFFC000  }
0x44: {  	_ =	swait.ge [sflag:s1], $0x80  }
0x45: {  	[sflag:s1] =	ssyncset.done $0x0  }
0x46: {  	[sflag:s1] =	ssyncadd.s32 $0xFFFFFF80  }
0x47: {  	[spmem:s2] =	stream.indirect.scatter.add.f32 [tilespmem:s21], [sflag:$0xA], $0x80, s18, s16, $0xb8;
	[tilespmem:$0x1FF80] =	vst v63  }
0x48: {  	s24 =	sadd.s32 $0xC00, s15  }
0x49: {  	[tilespmem:s3], [sflag:$0x1] =	stream.linear.gather [hbm4b:s24+s3], $0x80, $0x38;
	[tilespmem:$0x1FF80] =	vst v63  }
0x4a: {  	_ =	swait.ge [sflag:s0], $0x4000  }
0x4b: {  	[sflag:s0] =	ssyncset.done $0x0  }
0x4c: {  	s24 =	sadd.s32 $0xC10, s15;
	[sflag:s0] =	ssyncadd.s32 $0xFFFFC000  }
0x4d: {  	[tilespmem:s18], [sflag:$0x4] =	stream.linear.gather [hbm4b:s24+s3], $0x80, $0x38;
	[tilespmem:$0x1FF80] =	vst v63  }
0x4e: {  	_ =	swait.ge [sflag:s20], $0x80  }
0x4f: {  	[sflag:s20] =	ssyncset.done $0x0  }
0x50: {  	[sflag:s20] =	ssyncadd.s32 $0xFFFFFF80  }
0x51: {  	[tilespmem:s21], [sflag:$0x7] =	stream.indirect.gather [hbm4b:s4+s16], $0x80, s3, s16, $0xb8;
	[tilespmem:$0x1FF80] =	vst v63  }
0x52: {  	_ =	swait.ge [sflag:s7], $0x4000  }
0x53: {  	[sflag:s7] =	ssyncset.done $0x0  }
0x54: {  	[sflag:s7] =	ssyncadd.s32 $0xFFFFC000  }
0x55: {  	_ =	swait.ge [sflag:s8], $0x80  }
0x56: {  	[sflag:s8] =	ssyncset.done $0x0  }
0x57: {  	[sflag:s8] =	ssyncadd.s32 $0xFFFFFF80  }
0x58: {  	[spmem:s2] =	stream.indirect.scatter.add.f32 [tilespmem:s23], [sflag:$0xB], $0x80, s19, s16, $0xb8;
	[tilespmem:$0x1FF80] =	vst v63  }
0x59: {  	s24 =	sadd.s32 $0x1000, s15  }
0x5a: {  	[tilespmem:s16], [sflag:$0x2] =	stream.linear.gather [hbm4b:s24+s3], $0x80, $0x38;
	[tilespmem:$0x1FF80] =	vst v63  }
0x5b: {  	_ =	swait.ge [sflag:s9], $0x4000  }
0x5c: {  	[sflag:s9] =	ssyncset.done $0x0  }
0x5d: {  	s24 =	sadd.s32 $0x1010, s15;
	[sflag:s9] =	ssyncadd.s32 $0xFFFFC000  }
0x5e: {  	[tilespmem:s19], [sflag:$0x5] =	stream.linear.gather [hbm4b:s24+s3], $0x80, $0x38;
	[tilespmem:$0x1FF80] =	vst v63  }
0x5f: {  	_ =	swait.ge [sflag:s22], $0x80  }
0x60: {  	[sflag:s22] =	ssyncset.done $0x0  }
0x61: {  	[sflag:s22] =	ssyncadd.s32 $0xFFFFFF80  }
0x62: {  	[tilespmem:s23], [sflag:$0x8] =	stream.indirect.gather [hbm4b:s4+s16], $0x80, s16, s16, $0xb8;
	[tilespmem:$0x1FF80] =	vst v63  }
0x63: {  	_ =	swait.ge [sflag:s10], $0x4000  }
0x64: {  	[sflag:s10] =	ssyncset.done $0x0  }
0x65: {  	[sflag:s10] =	ssyncadd.s32 $0xFFFFC000  }
0x66: {  	_ =	swait.ge [sflag:s11], $0x80  }
0x67: {  	[sflag:s11] =	ssyncset.done $0x0  }
0x68: {  	s14 =	simm.s32 $0xC00;
	s15 =	sadd.s32 $0x1400, s15;
	[sflag:s11] =	ssyncadd.s32 $0xFFFFFF80  }
0x69: {  	[spmem:s2] =	stream.indirect.scatter.add.f32 [tilespmem:s26], [sflag:$0xC], $0x80, s29, s16, $0xb8;
	[tilespmem:$0x1FF80] =	vst v63  }
.LBB2_2:
0x6a: {  	[tilespmem:s17], [sflag:$0x3] =	stream.linear.gather [hbm4b:s15+s3], $0x80, $0x38;
	[tilespmem:$0x1FF80] =	vst v63  }
0x6b: {  	_ =	swait.ge [sflag:s28], $0x4000  }
0x6c: {  	s15 =	smov.u32 s14;
	s24 =	rddreg [dreg:$0x4]  }
0x6d: {  	[sflag:s28] =	ssyncset.done $0x0;
	s15 =	sadd.s32 s15, s24  }
0x6e: {  	[sflag:s28] =	ssyncadd.s32 $0xFFFFC000;
	s24 =	sadd.s32 $0x810, s15  }
0x6f: {  	[tilespmem:s29], [sflag:$0x6] =	stream.linear.gather [hbm4b:s24+s3], $0x80, $0x38;
	[tilespmem:$0x1FF80] =	vst v63  }
0x70: {  	_ =	swait.ge [sflag:s30], $0x80  }
0x71: {  	[sflag:s30] =	ssyncset.done $0x0  }
0x72: {  	[sflag:s30] =	ssyncadd.s32 $0xFFFFFF80  }
0x73: {  	[tilespmem:s26], [sflag:$0x9] =	stream.indirect.gather [hbm4b:s4+s16], $0x80, s17, s16, $0xb8;
	[tilespmem:$0x1FF80] =	vst v63  }
0x74: {  	_ =	swait.ge [sflag:s31], $0x4000  }
0x75: {  	[sflag:s31] =	ssyncset.done $0x0  }
0x76: {  	[sflag:s31] =	ssyncadd.s32 $0xFFFFC000  }
0x77: {  	_ =	swait.ge [sflag:s1], $0x80  }
0x78: {  	[sflag:s1] =	ssyncset.done $0x0  }
0x79: {  	[sflag:s1] =	ssyncadd.s32 $0xFFFFFF80  }
0x7a: {  	[spmem:s2] =	stream.indirect.scatter.add.f32 [tilespmem:s21], [sflag:$0xA], $0x80, s18, s16, $0xb8;
	[tilespmem:$0x1FF80] =	vst v63  }
0x7b: {  	s24 =	sadd.s32 $0xC00, s15  }
0x7c: {  	[tilespmem:s3], [sflag:$0x1] =	stream.linear.gather [hbm4b:s24+s3], $0x80, $0x38;
	[tilespmem:$0x1FF80] =	vst v63  }
0x7d: {  	_ =	swait.ge [sflag:s0], $0x4000  }
0x7e: {  	[sflag:s0] =	ssyncset.done $0x0  }
0x7f: {  	s24 =	sadd.s32 $0xC10, s15;
	[sflag:s0] =	ssyncadd.s32 $0xFFFFC000  }
0x80: {  	[tilespmem:s18], [sflag:$0x4] =	stream.linear.gather [hbm4b:s24+s3], $0x80, $0x38;
	[tilespmem:$0x1FF80] =	vst v63  }
0x81: {  	_ =	swait.ge [sflag:s20], $0x80  }
0x82: {  	[sflag:s20] =	ssyncset.done $0x0  }
0x83: {  	[sflag:s20] =	ssyncadd.s32 $0xFFFFFF80  }
0x84: {  	[tilespmem:s21], [sflag:$0x7] =	stream.indirect.gather [hbm4b:s4+s16], $0x80, s3, s16, $0xb8;
	[tilespmem:$0x1FF80] =	vst v63  }
0x85: {  	_ =	swait.ge [sflag:s7], $0x4000  }
0x86: {  	[sflag:s7] =	ssyncset.done $0x0  }
0x87: {  	[sflag:s7] =	ssyncadd.s32 $0xFFFFC000  }
0x88: {  	_ =	swait.ge [sflag:s8], $0x80  }
0x89: {  	[sflag:s8] =	ssyncset.done $0x0  }
0x8a: {  	[sflag:s8] =	ssyncadd.s32 $0xFFFFFF80  }
0x8b: {  	[spmem:s2] =	stream.indirect.scatter.add.f32 [tilespmem:s23], [sflag:$0xB], $0x80, s19, s16, $0xb8;
	[tilespmem:$0x1FF80] =	vst v63  }
0x8c: {  	s24 =	sadd.s32 $0x1000, s15  }
0x8d: {  	[tilespmem:s16], [sflag:$0x2] =	stream.linear.gather [hbm4b:s24+s3], $0x80, $0x38;
	[tilespmem:$0x1FF80] =	vst v63  }
0x8e: {  	_ =	swait.ge [sflag:s9], $0x4000  }
0x8f: {  	[sflag:s9] =	ssyncset.done $0x0  }
0x90: {  	s24 =	sadd.s32 $0x1010, s15;
	[sflag:s9] =	ssyncadd.s32 $0xFFFFC000  }
0x91: {  	[tilespmem:s19], [sflag:$0x5] =	stream.linear.gather [hbm4b:s24+s3], $0x80, $0x38;
	[tilespmem:$0x1FF80] =	vst v63  }
0x92: {  	_ =	swait.ge [sflag:s22], $0x80  }
0x93: {  	[sflag:s22] =	ssyncset.done $0x0  }
0x94: {  	[sflag:s22] =	ssyncadd.s32 $0xFFFFFF80  }
0x95: {  	[tilespmem:s23], [sflag:$0x8] =	stream.indirect.gather [hbm4b:s4+s16], $0x80, s16, s16, $0xb8;
	[tilespmem:$0x1FF80] =	vst v63  }
0x96: {  	_ =	swait.ge [sflag:s10], $0x4000  }
0x97: {  	p0 =	sne.s32 s14, $0x13800;
	[sflag:s10] =	ssyncset.done $0x0  }
.Ltmp0:
0x98: {  	[sflag:s10] =	ssyncadd.s32 $0xFFFFC000;
	(pc) =	sbr.rel @p0 .LBB2_2-.Ltmp0, $4  }
0x99: {  	_ =	swait.ge [sflag:s11], $0x80  }
0x9a: {  	[sflag:s11] =	ssyncset.done $0x0  }
0x9b: {  	s14 =	sadd.s32 $0xC00, s14;
	s15 =	sadd.s32 $0x1400, s15;
	[sflag:s11] =	ssyncadd.s32 $0xFFFFFF80  }
0x9c: {  	[spmem:s2] =	stream.indirect.scatter.add.f32 [tilespmem:s26], [sflag:$0xC], $0x80, s29, s16, $0xb8;
	[tilespmem:$0x1FF80] =	vst v63  }
0x9d: {  	[tilespmem:s17], [sflag:$0x3] =	stream.linear.gather [hbm4b:s15+s3], $0x80, $0x38;
	[tilespmem:$0x1FF80] =	vst v63  }
0x9e: {  	_ =	swait.ge [sflag:s31], $0x4000  }
0x9f: {  	[sflag:s31] =	ssyncset.done $0x0  }
0xa0: {  	[sflag:s31] =	ssyncadd.s32 $0xFFFFC000  }
0xa1: {  	_ =	swait.ge [sflag:s7], $0x4000  }
0xa2: {  	[sflag:s7] =	ssyncset.done $0x0  }
0xa3: {  	[sflag:s7] =	ssyncadd.s32 $0xFFFFC000  }
0xa4: {  	_ =	swait.ge [sflag:s28], $0x4000  }
0xa5: {  	[sflag:s28] =	ssyncset.done $0x0  }
0xa6: {  	[sflag:s28] =	ssyncadd.s32 $0xFFFFC000  }
0xa7: {  	_ =	swait.ge [sflag:s30], $0x80  }
0xa8: {  	[sflag:s30] =	ssyncset.done $0x0  }
0xa9: {  	[sflag:s30] =	ssyncadd.s32 $0xFFFFFF80  }
0xaa: {  	_ =	swait.ge [sflag:s1], $0x80  }
0xab: {  	[sflag:s1] =	ssyncset.done $0x0  }
0xac: {  	[sflag:s1] =	ssyncadd.s32 $0xFFFFFF80  }
0xad: {  	_ =	swait.ge [sflag:s8], $0x80  }
0xae: {  	[sflag:s8] =	ssyncset.done $0x0  }
0xaf: {  	[sflag:s8] =	ssyncadd.s32 $0xFFFFFF80  }
0xb0: {  	[bflag:$0x0] =	sbarrier.arrive $0xFFFF  }
0xb1: {  	s14 =	rddreg [dreg:$0xd]  }
0xb2: {  	[hbm:s14], [sflag:s13] =	dma.local [spmem:s5], $0x2780  }
0xb3: {  	_ =	swait.ge [sflag:s25], $0x2780  }
0xb4: {  	s12 =	sadd.s32 $0x1, s12;
	s24 =	rddreg [dreg:$0xe]  }
0xb5: {  	p0 =	sne.s32 s12, s24  }
.Ltmp1:
0xb6: {  	_ = 	snop;
	(pc) =	sbr.rel @p0 .LBB2_1-.Ltmp1, $3  }
0xb7: {  	_ =	sdelay $0x1  }
0xb8: {  	[sflag:s25] =	ssyncset.done $0x0  }
0xb9: {  	[sflag:s25] =	ssyncadd.s32 $0xFFFFD880  }
0xba: {  	_ =	sfence.sel $0x180000  }
0xbb: {  	[bflag:$0x0] =	sbarrier.arrive $0xFFFF  }
0xbc: {  	_ =	strace $0x9000004A  }
0xbd: {  	s0 =	stileid.u32;
	[bflag:$0x2] =	sbarrier.arrive $0xFFFF  }
0xbe: {  	p0 =	sne.s32 s0, $0x0;
	s0 =	rddreg [dreg:$0x3]  }
0xbf: {  	s0 =	sadd.s32 @!p0 $0x100000, s0  }
0xc0: {  	[sflag:s0] =	ssyncadd.tile.s32 @!p0 $0x1;
	_ =	shalt  }
.Lfunc_end2:
_tile_overlayer_lowered:
.L_overlay_start_2:
0xc1: {  	(tag) =	ssettag $0x2  }
0xc2: {  	s0 =	rddreg [dreg:$0x0];
	s2 =	stileid.u32  }
0xc3: {  	s1 =	rddreg [dreg:$0x1];
	p0 =	sne.s32 s2, $0x0  }
0xc4: {  	s3 =	rddreg [dreg:$0x2];
	[bflag:$0x3] =	sbarrier.arrive $0xFFFF;
	s2 =	simm.s32 @!p0 $0x1C0D  }
0xc5: {  	[timem:s3], [sflag:s2] =	dma.local @!p0 [hbm:s0], s1  }
0xc6: {  	s0 =	simm.s32 @!p0 $0xD  }
0xc7: {  	_ =	swait.ge @!p0 [sflag:s0], s1  }
0xc8: {  	s1 =	ssub.s32 @!p0 $0x0, s1;
	[sflag:s0] =	ssyncset.done @!p0 $0x0  }
0xc9: {  	[sflag:s0] =	ssyncadd.s32 @!p0 s1  }
0xca: {  	[bflag:$0x3] =	sbarrier.arrive $0xFFFF  }
0xcb: {  	_ =	shalt  }

// kernel: kernel.14.cloned.1.call-start
scs
__scs_entry_jumppad:
0x0: {  	(pc) =	sbr.rel $0x88, $3  }
0x1: {  	(tag) =	ssettag $0x0;
	lr =	simm.s32 $0x1  }
0x2: {  	[smem:$0x3F89] =	sst lr;
	_ =	strace $0xD0000000  }
0x3: {  	_ = 	snop  }
0x4: {  	_ = 	snop  }
0x5: {  	_ = 	snop  }
0x6: {  	_ = 	snop  }
0x7: {  	_ = 	snop  }
__scs_overlays_trampoline_lowered:
0x8: {  	[smem:$0x3F98] =	sst s0  }
0x9: {  	[smem:$0x3F99] =	sst s1  }
0xa: {  	[smem:$0x3F9A] =	sst s2  }
0xb: {  	[smem:$0x3F9B] =	sst s3  }
0xc: {  	[smem:$0x3F9C] =	sst s4  }
0xd: {  	[smem:$0x3F9D] =	sst s5  }
0xe: {  	[smem:$0x3F9E] =	sst s6  }
0xf: {  	[smem:$0x3F9F] =	sst s7  }
0x10: {  	[smem:$0x3FA0] =	sst s8  }
0x11: {  	[smem:$0x3FA1] =	sst s9;
	s0 =	simm.s32 @!p0 $0x0  }
0x12: {  	s1 =	sld [smem:$0x3F87];
	s0 =	simm.s32 @p0 $0x1  }
0x13: {  	[smem:$0x3FA2] =	sst s0;
	s0 =	simm.s32 @!p1 $0x0  }
0x14: {  	s2 =	sld [smem:$0x3F86];
	s0 =	simm.s32 @p1 $0x1  }
0x15: {  	[smem:$0x3FA3] =	sst s0;
	s0 =	simm.s32 @!p2 $0x0  }
0x16: {  	s3 =	sld [smem:$0x3FDB];
	s0 =	simm.s32 @p2 $0x1  }
0x17: {  	s4 =	simm.s32 $0x1BF5;
	[smem:$0x3FA5] =	sst s0  }
0x18: {  	s0 =	sld [smem:$0x3F88];
	_ =	swait.ge [sflag:s4], $0x0  }
0x19: {  	s7 =	sld [smem:$0x3F89]  }
0x1a: {  	s8 =	sadd.s32 $0xFFFFE003, lr  }
0x1b: {  	s9 =	sadd.s32 $0xFFFFFEF7, lr;
	s5 =	simm.s32 $0xFFFFFFFF;
	p2 =	slt.u32 s8, $0xFFFFF086  }
0x1c: {  	p1 =	slt.u32 s9, $0xF7A;
	s5 =	simm.s32 @!p2 $0x0  }
0x1d: {  	s5 =	simm.s32 @p1 $0x1;
	p0 =	seq.s32 s7, s2  }
0x1e: {  	s7 =	smul.u32 @!p0 $0xF7A, s2;
	p2 =	seq.s32 @!p0 s5, $0x0  }
0x1f: {  	s9 =	smul.u32 $0xF7A, s1;
	s8 =	simm.s32 @!p0 $0x1BF5;
	p2 =	por !p2, p0  }
0x20: {  	[sflag:s8] =	ssyncset.s32 @!p0 $0xFFFFF086;
	s6 =	sadd.s32 @!p0 s3, s7;
	s7 =	simm.s32 @!p0 $0x108  }
0x21: {  	s3 =	sadd.s32 s3, s9;
	s6 =	sadd.s32 @!p0 $0x88, s6;
	s7 =	simm.s32 @p2 $0x1082  }
0x22: {  	[simem:s7], [sflag:s8] =	dma.local @!p0 [hbm:s6], $0xF7A  }
0x23: {  	s9 =	sor.u32 $0xD0000000, s2;
	s6 =	simm.s32 $0x108;
	_ =	swait.ge @!p0 [sflag:s8], $0x0  }
0x24: {  	s3 =	sadd.s32 $0x88, s3;
	s6 =	simm.s32 @!p1 $0x1082;
	[sflag:s4] =	ssyncset.s32 $0xFFFFF086  }
0x25: {  	[simem:s6], [sflag:s4] =	dma.local [hbm:s3], $0xF7A  }
0x26: {  	[smem:$0x3F89] =	sst s1;
	(tag) =	ssettag s2;
	_ =	strace s9  }
0x27: {  	s1 =	sld [smem:$0x3F99]  }
0x28: {  	s2 =	sld [smem:$0x3F9A]  }
0x29: {  	s4 =	sld [smem:$0x3F9C]  }
0x2a: {  	p0 =	seq.s32 s5, $0x0;
	s5 =	sld [smem:$0x3F9D]  }
0x2b: {  	s6 =	sld [smem:$0x3F9E]  }
0x2c: {  	s7 =	sld [smem:$0x3F9F]  }
0x2d: {  	s3 =	simm.s32 $0x108;
	s8 =	sld [smem:$0x3FA0]  }
0x2e: {  	s3 =	simm.s32 @!p0 $0x1082;
	s9 =	sld [smem:$0x3FA1]  }
0x2f: {  	lr =	sadd.s32 s0, s3;
	s0 =	sld [smem:$0x3F98]  }
0x30: {  	s3 =	sld [smem:$0x3F9B]  }
0x31: {  	[smem:$0x3FA4] =	sst s10  }
0x32: {  	s10 =	sld [smem:$0x3FA2];
	_ =	sdelay $0x3  }
0x33: {  	p0 =	seq.s32 s10, $0x1;
	s10 =	sld [smem:$0x3FA4];
	_ =	sdelay $0x3  }
0x34: {  	[smem:$0x3FA4] =	sst s10  }
0x35: {  	s10 =	sld [smem:$0x3FA3];
	_ =	sdelay $0x3  }
0x36: {  	p1 =	seq.s32 s10, $0x1;
	s10 =	sld [smem:$0x3FA4];
	_ =	sdelay $0x3  }
0x37: {  	[smem:$0x3FA4] =	sst s10  }
0x38: {  	s10 =	sld [smem:$0x3FA5]  }
0x39: {  	_ = 	snop;
	(pc) =	sbr.ind lr, $3  }
0x3a: {  	_ = 	snop  }
0x3b: {  	_ = 	snop  }
0x3c: {  	p2 =	seq.s32 s10, $0x1;
	s10 =	sld [smem:$0x3FA4]  }
0x3d: {  	_ =	shalt  }
0x3e: {  	_ =	shalt  }
0x3f: {  	_ =	shalt  }
0x40: {  	_ =	shalt  }
0x41: {  	_ =	shalt  }
0x42: {  	_ =	shalt  }
0x43: {  	_ =	shalt  }
0x44: {  	_ =	shalt  }
0x45: {  	_ =	shalt  }
0x46: {  	_ =	shalt  }
0x47: {  	_ =	shalt  }
0x48: {  	_ =	shalt  }
0x49: {  	_ =	shalt  }
0x4a: {  	_ =	shalt  }
0x4b: {  	_ =	shalt  }
0x4c: {  	_ =	shalt  }
0x4d: {  	_ =	shalt  }
0x4e: {  	_ =	shalt  }
0x4f: {  	_ =	shalt  }
0x50: {  	_ =	shalt  }
0x51: {  	_ =	shalt  }
0x52: {  	_ =	shalt  }
0x53: {  	_ =	shalt  }
0x54: {  	_ =	shalt  }
0x55: {  	_ =	shalt  }
0x56: {  	_ =	shalt  }
0x57: {  	_ =	shalt  }
0x58: {  	_ =	shalt  }
0x59: {  	_ =	shalt  }
0x5a: {  	_ =	shalt  }
0x5b: {  	_ =	shalt  }
0x5c: {  	_ =	shalt  }
0x5d: {  	_ =	shalt  }
0x5e: {  	_ =	shalt  }
0x5f: {  	_ =	shalt  }
0x60: {  	_ =	shalt  }
0x61: {  	_ =	shalt  }
0x62: {  	_ =	shalt  }
0x63: {  	_ =	shalt  }
0x64: {  	_ =	shalt  }
0x65: {  	_ =	shalt  }
0x66: {  	_ =	shalt  }
0x67: {  	_ =	shalt  }
0x68: {  	_ =	shalt  }
0x69: {  	_ =	shalt  }
0x6a: {  	_ =	shalt  }
0x6b: {  	_ =	shalt  }
0x6c: {  	_ =	shalt  }
0x6d: {  	_ =	shalt  }
0x6e: {  	_ =	shalt  }
0x6f: {  	_ =	shalt  }
0x70: {  	_ =	shalt  }
0x71: {  	_ =	shalt  }
0x72: {  	_ =	shalt  }
0x73: {  	_ =	shalt  }
0x74: {  	_ =	shalt  }
0x75: {  	_ =	shalt  }
0x76: {  	_ =	shalt  }
0x77: {  	_ =	shalt  }
0x78: {  	_ =	shalt  }
0x79: {  	_ =	shalt  }
0x7a: {  	_ =	shalt  }
0x7b: {  	_ =	shalt  }
0x7c: {  	_ =	shalt  }
0x7d: {  	_ =	shalt  }
0x7e: {  	_ =	shalt  }
0x7f: {  	_ =	shalt  }
0x80: {  	_ =	shalt  }
0x81: {  	_ =	shalt  }
0x82: {  	_ =	shalt  }
0x83: {  	_ =	shalt  }
0x84: {  	_ =	shalt  }
0x85: {  	_ =	shalt  }
0x86: {  	_ =	shalt  }
0x87: {  	_ =	shalt  }
.Lfunc_end0:
.L_simem_size_0:
called_computation.2_lowered:
.L_overlay_start_0:
0x88: {  	s2 =	sld [smem:$0x3FD9]  }
0x89: {  	s3 =	sld [smem:$0x3FFE];
	_ =	sdelay $0x1  }
0x8a: {  	s1 =	srdreg.scid  }
0x8b: {  	s0 =	sand.u32 $0x1, s1  }
0x8c: {  	s17 =	sshll.u32 s0, $0xA;
	s2 =	sadd.s32 s3, s2  }
0x8d: {  	s2 =	sadd.s32 s2, s17  }
0x8e: {  	[smem:$0x3FB0] =	sst s2  }
0x8f: {  	_ = 	snop  }
0x90: {  	s2 =	sld [smem:$0x3FD0];
	(tm) =	ssettm $0x1  }
0x91: {  	s18 =	sld [smem:$0x3FFB];
	_ =	sdelay $0x3  }
0x92: {  	_ =	strace s18  }
0x93: {  	s3 =	sld [smem:$0x3FFC];
	_ =	sdelay $0x3  }
0x94: {  	_ =	strace s3  }
0x95: {  	s3 =	sld [smem:$0x3FFD];
	_ =	sdelay $0x3  }
0x96: {  	_ =	strace s3  }
0x97: {  	_ =	strace $0x8FFFFFFF  }
0x98: {  	s19 =	sld [smem:$0x3FDB];
	_ =	sdelay $0x1  }
0x99: {  	s4 =	simm.s32 $_scs_section_size  }
0x9a: {  	s5 =	simm.s32 $_size__tile_overlayer_lowered;
	s6 =	simm.s32 $_tile_overlayer_lowered  }
0x9b: {  	s22 =	simm.s32 $0x1BFF;
	s21 =	sshll.u32 s6, $0x1;
	s3 =	sadd.s32 s4, s19  }
0x9c: {  	s7 =	simm.s32 $0x0;
	s20 =	sshll.u32 s5, $0x1;
	s5 =	sadd.s32 s21, s3  }
0x9d: {  	[timem:s7], [sflag:s22] =	dma.local [hbm:s5], s20  }
0x9e: {  	_ =	swait.ge [sflag:s22], s20  }
0x9f: {  	s4 =	ssub.s32 $0x0, s20;
	[sflag:s22] =	ssyncset.done $0x0  }
0xa0: {  	[sflag:s22] =	ssyncadd.s32 s4;
	_ =	sdelay $0x1  }
0xa1: {  	s23 =	simm.s32 $0x1B8B  }
0xa2: {  	_ =	swait.ge [sflag:s23], $0x1  }
0xa3: {  	[sflag:s23] =	ssyncset.done $0x0  }
0xa4: {  	s25 =	simm.s32 $0x1B8E;
	s24 =	sld [smem:$0x3FFE];
	[sflag:s23] =	ssyncadd.s32 $0xFFFFFFFF  }
0xa5: {  	s26 =	simm.s32 $execute0_lowered;
	[smem:$0x3FD2] =	sst s25  }
0xa6: {  	s5 =	sshll.u32 s26, $0x1;
	_ =	strace $0x8000004C;
	[dreg:$0x1] =	wrdreg $0xFFFFFFFF  }
0xa7: {  	s28 =	simm.s32 $_size_execute0_lowered;
	s3 =	sadd.s32 s3, s5;
	[dreg:$0x0] =	wrdreg $0x0  }
0xa8: {  	s5 =	sshll.u32 s28, $0x1;
	[dreg:$0x2] =	wrdreg s3  }
0xa9: {  	[dreg:$0x3] =	wrdreg s5  }
0xaa: {  	[dreg:$0x4] =	wrdreg $0xC0  }
0xab: {  	_ =	task [dreg:s7], $0x5FFFF  }
0xac: {  	[dreg:$0x1] =	wrdreg $0xFFFFFFFF  }
0xad: {  	[dreg:$0x0] =	wrdreg $0x60  }
0xae: {  	[dreg:$0x2] =	wrdreg s2  }
0xaf: {  	[dreg:$0x3] =	wrdreg s24  }
0xb0: {  	[dreg:$0x4] =	wrdreg $0xC3800  }
0xb1: {  	[dreg:$0x5] =	wrdreg $0x9  }
0xb2: {  	_ =	task.clear_ibuf [dreg:s7], $0x6FFFF;
	_ =	strace $0x9000004C  }
0xb3: {  	s29 =	simm.s32 $0x9;
	_ =	strace $0x8000004E  }
0xb4: {  	_ =	swait.ge [sflag:s29], $0x1  }
0xb5: {  	[sflag:s29] =	ssyncadd.s32 $0xFFFFFFFF  }
0xb6: {  	_ =	strace $0x9000004E  }
0xb7: {  	_ =	sfence  }
0xb8: {  	s30 =	sld [smem:$0x0];
	_ =	sdelay $0x2  }
0xb9: {  	s31 =	sshll.u32 s1, $0xD;
	s1 =	sshrl.u32 s1, $0x2  }
0xba: {  	s3 =	sand.u32 $0x4000, s31;
	s1 =	sadd.s32 s1, s30  }
0xbb: {  	s0 =	sor.u32 s3, s0;
	s1 =	sshll.u32 s1, $0x11  }
0xbc: {  	s0 =	sor.u32 s1, s0  }
0xbd: {  	s0 =	sadd.s32 $0x8F2B, s0  }
0xbe: {  	[sflag:s0] =	ssyncadd.remote.s32 $0x1  }
0xbf: {  	_ =	sfence.sel $0xFFFF  }
0xc0: {  	[dreg:$0x0] =	wrdreg $0xFFFFFFFF;
	(pc) =	sbr.abs _section_cstart, $3  }
0xc1: {  	[dreg:$0x1] =	wrdreg $0xFFFFFFFF  }
0xc2: {  	_ =	task.clear_ibuf [dreg:s7], $0x2FFFF;
	_ =	strace $0x9FFFFFFF  }
0xc3: {  	(tm) =	ssettm $0x7FFFFFFF  }
tec
execute0_lowered:
.L_overlay_start_1:
0x0: {  	(tag) =	ssettag $0x1  }
0x1: {  	s0 =	rddreg [dreg:$0x0]  }
0x2: {  	s1 =	rddreg [dreg:$0x1]  }
0x3: {  	s10 =	stileid.u32;
	s3 =	srdreg.scid  }
0x4: {  	s2 =	rddreg [dreg:$0x2];
	s16 =	simm.s32 $0x80;
	s17 =	simm.s32 $0x100  }
0x5: {  	s18 =	simm.s32 $0x180;
	s28 =	simm.s32 $0xC;
	s29 =	simm.s32 $0x280  }
0x6: {  	s30 =	simm.s32 $0x3;
	s31 =	simm.s32 $0x7;
	s12 =	simm.s32 $0x0  }
0x7: {  	s4 =	smul.u32 $0x13C00, s10;
	s5 =	sand.u32 $0x1, s3;
	s3 =	simm.s32 $0x0  }
0x8: {  	s11 =	sshll.u32 s10, $0x6;
	s20 =	smul.u32 $0x4F000, s10;
	s25 =	sadd.s32 $0x13890, s0  }
0x9: {  	s10 =	simm.s32 $0x9;
	s6 =	smul.u32 $0x13C000, s5;
	[smem:$0x7FF] =	sst s3  }
0xa: {  	s8 =	ssub.s32 $0x2, s5;
	s5 =	sshll.u32 s5, $0x5;
	_ =	strace $0x8000004D  }
0xb: {  	s7 =	sshrl.u32 s4, $0x3;
	s19 =	sshrl.u32 s8, $0x1;
	[dreg:$0xa] =	wrdreg s25  }
0xc: {  	s9 =	sor.u32 s5, s11;
	[dreg:$0x5] =	wrdreg s11;
	s6 =	sadd.s32 s4, s6  }
0xd: {  	s4 =	sadd.s32 $0x2C600, s1;
	s7 =	sadd.s32 s7, s1;
	s8 =	ssub.s32 s8, s19  }
0xe: {  	s6 =	sshrl.u32 s6, $0x3;
	s7 =	sadd.s32 $0x4E00, s7;
	s26 =	smax.u32 s8, $0x1  }
0xf: {  	s1 =	sadd.s32 s6, s1;
	s6 =	sadd.s32 s0, s9;
	[dreg:$0xc] =	wrdreg s7  }
0x10: {  	s25 =	simm.s32 $0xD;
	[dreg:$0xe] =	wrdreg s26;
	s21 =	sadd.s32 $0x400, s6  }
0x11: {  	s19 =	simm.s32 $0x200;
	s22 =	sadd.s32 $0x800, s6;
	[dreg:$0x6] =	wrdreg s21  }
0x12: {  	s8 =	simm.s32 $0x5;
	s23 =	sadd.s32 $0x10, s6;
	[dreg:$0x7] =	wrdreg s22  }
0x13: {  	s9 =	sshrl.u32 s20, $0x2;
	s24 =	sadd.s32 $0x410, s6;
	[dreg:$0x8] =	wrdreg s23  }
0x14: {  	s0 =	sadd.s32 s11, s0;
	s9 =	sadd.s32 s9, s2;
	[dreg:$0x9] =	wrdreg s24  }
0x15: {  	s20 =	simm.s32 $0x1;
	s1 =	sadd.s32 $0x53E00, s1;
	[dreg:$0xb] =	wrdreg s9  }
0x16: {  	s26 =	simm.s32 $0x8380;
	s0 =	sadd.s32 s5, s0;
	[dreg:$0xd] =	wrdreg s1  }
0x17: {  	s7 =	simm.s32 $0x8;
	s11 =	simm.s32 $0x6;
	[dreg:$0x4] =	wrdreg s0  }
0x18: {  	s21 =	simm.s32 $0x380;
	s22 =	simm.s32 $0x2;
	s23 =	simm.s32 $0x4380  }
0x19: {  	s1 =	simm.s32 $0x4;
	s0 =	simm.s32 $0xA;
	s9 =	simm.s32 $0xB  }
.LBB2_1:
0x1a: {  	[tilespmem:s3], [sflag:$0x1] =	stream.linear.gather [hbm4b:s6+s3], $0x80, $0x38;
	[tilespmem:$0x1FF80] =	vst v63  }
0x1b: {  	s5 =	rddreg [dreg:$0x6]  }
0x1c: {  	[tilespmem:s16], [sflag:$0x2] =	stream.linear.gather [hbm4b:s5+s3], $0x80, $0x38;
	[tilespmem:$0x1FF80] =	vst v63  }
0x1d: {  	s13 =	rddreg [dreg:$0x7]  }
0x1e: {  	[tilespmem:s17], [sflag:$0x3] =	stream.linear.gather [hbm4b:s13+s3], $0x80, $0x38;
	[tilespmem:$0x1FF80] =	vst v63  }
0x1f: {  	s14 =	rddreg [dreg:$0x8]  }
0x20: {  	[tilespmem:s18], [sflag:$0x4] =	stream.linear.gather [hbm4b:s14+s3], $0x80, $0x38;
	[tilespmem:$0x1FF80] =	vst v63  }
0x21: {  	s15 =	rddreg [dreg:$0x9]  }
0x22: {  	[tilespmem:s19], [sflag:$0x5] =	stream.linear.gather [hbm4b:s15+s3], $0x80, $0x38;
	[tilespmem:$0x1FF80] =	vst v63  }
0x23: {  	_ =	swait.ge [sflag:s20], $0x80  }
0x24: {  	[sflag:s20] =	ssyncset.done $0x0  }
0x25: {  	[sflag:s20] =	ssyncadd.s32 $0xFFFFFF80  }
0x26: {  	[tilespmem:s21], [sflag:$0x7] =	stream.indirect.gather [hbm4b:s4+s16], $0x80, s3, s16, $0xb8;
	[tilespmem:$0x1FF80] =	vst v63  }
0x27: {  	_ =	swait.ge [sflag:s22], $0x80  }
0x28: {  	[sflag:s22] =	ssyncset.done $0x0  }
0x29: {  	[sflag:s22] =	ssyncadd.s32 $0xFFFFFF80  }
0x2a: {  	[tilespmem:s23], [sflag:$0x8] =	stream.indirect.gather [hbm4b:s4+s16], $0x80, s16, s16, $0xb8;
	[tilespmem:$0x1FF80] =	vst v63  }
0x2b: {  	s13 =	simm.s32 $0x300;
	s24 =	rddreg [dreg:$0xa]  }
0x2c: {  	[tilespmem:s13], [sflag:$0xD] =	stream.linear.gather [hbm4b:s24+s3], $0x80, $0x38;
	[tilespmem:$0x1FF80] =	vst v63  }
0x2d: {  	_ =	swait.ge [sflag:s25], $0x80  }
0x2e: {  	[sflag:s25] =	ssyncset.done $0x0  }
0x2f: {  	s14 =	rddreg [dreg:$0xb];
	[sflag:s25] =	ssyncadd.s32 $0xFFFFFF80  }
0x30: {  	[spmem:s2] =	stream.indirect.scatter.add.f32 [tilespmem:s26], [sflag:$0xC], $0x80, s13, s16, $0xb8;
	[tilespmem:$0x1FF80] =	vst v63  }
0x31: {  	s13 =	rddreg [dreg:$0x5]  }
0x32: {  	s5 =	sshrl.u32 s14, $0x3;
	s14 =	rddreg [dreg:$0xc];
	s13 =	sor.u32 $0x1C0D, s13  }
0x33: {  	[spmem:s5], [sflag:s13] =	dma.local [hbm:s14], $0x2780  }
0x34: {  	_ =	swait.ge [sflag:s25], $0x2780  }
0x35: {  	[sflag:s25] =	ssyncset.done $0x0  }
0x36: {  	[sflag:s25] =	ssyncadd.s32 $0xFFFFD880  }
0x37: {  	[bflag:$0x0] =	sbarrier.arrive $0xFFFF  }
0x38: {  	_ =	swait.ge [sflag:s28], $0x4000  }
0x39: {  	s15 =	rddreg [dreg:$0x4]  }
0x3a: {  	[sflag:s28] =	ssyncset.done $0x0;
	s15 =	sadd.s32 $0x0, s15  }
0x3b: {  	[sflag:s28] =	ssyncadd.s32 $0xFFFFC000;
	s14 =	sadd.s32 $0x810, s15  }
0x3c: {  	[tilespmem:s29], [sflag:$0x6] =	stream.linear.gather [hbm4b:s14+s3], $0x80, $0x38;
	[tilespmem:$0x1FF80] =	vst v63  }
0x3d: {  	_ =	swait.ge [sflag:s30], $0x80  }
0x3e: {  	[sflag:s30] =	ssyncset.done $0x0  }
0x3f: {  	[sflag:s30] =	ssyncadd.s32 $0xFFFFFF80  }
0x40: {  	[tilespmem:s26], [sflag:$0x9] =	stream.indirect.gather [hbm4b:s4+s16], $0x80, s17, s16, $0xb8;
	[tilespmem:$0x1FF80] =	vst v63  }
0x41: {  	_ =	swait.ge [sflag:s31], $0x4000  }
0x42: {  	[sflag:s31] =	ssyncset.done $0x0  }
0x43: {  	[sflag:s31] =	ssyncadd.s32 $0xFFFFC000  }
0x44: {  	_ =	swait.ge [sflag:s1], $0x80  }
0x45: {  	[sflag:s1] =	ssyncset.done $0x0  }
0x46: {  	[sflag:s1] =	ssyncadd.s32 $0xFFFFFF80  }
0x47: {  	[spmem:s2] =	stream.indirect.scatter.add.f32 [tilespmem:s21], [sflag:$0xA], $0x80, s18, s16, $0xb8;
	[tilespmem:$0x1FF80] =	vst v63  }
0x48: {  	s24 =	sadd.s32 $0xC00, s15  }
0x49: {  	[tilespmem:s3], [sflag:$0x1] =	stream.linear.gather [hbm4b:s24+s3], $0x80, $0x38;
	[tilespmem:$0x1FF80] =	vst v63  }
0x4a: {  	_ =	swait.ge [sflag:s0], $0x4000  }
0x4b: {  	[sflag:s0] =	ssyncset.done $0x0  }
0x4c: {  	s24 =	sadd.s32 $0xC10, s15;
	[sflag:s0] =	ssyncadd.s32 $0xFFFFC000  }
0x4d: {  	[tilespmem:s18], [sflag:$0x4] =	stream.linear.gather [hbm4b:s24+s3], $0x80, $0x38;
	[tilespmem:$0x1FF80] =	vst v63  }
0x4e: {  	_ =	swait.ge [sflag:s20], $0x80  }
0x4f: {  	[sflag:s20] =	ssyncset.done $0x0  }
0x50: {  	[sflag:s20] =	ssyncadd.s32 $0xFFFFFF80  }
0x51: {  	[tilespmem:s21], [sflag:$0x7] =	stream.indirect.gather [hbm4b:s4+s16], $0x80, s3, s16, $0xb8;
	[tilespmem:$0x1FF80] =	vst v63  }
0x52: {  	_ =	swait.ge [sflag:s7], $0x4000  }
0x53: {  	[sflag:s7] =	ssyncset.done $0x0  }
0x54: {  	[sflag:s7] =	ssyncadd.s32 $0xFFFFC000  }
0x55: {  	_ =	swait.ge [sflag:s8], $0x80  }
0x56: {  	[sflag:s8] =	ssyncset.done $0x0  }
0x57: {  	[sflag:s8] =	ssyncadd.s32 $0xFFFFFF80  }
0x58: {  	[spmem:s2] =	stream.indirect.scatter.add.f32 [tilespmem:s23], [sflag:$0xB], $0x80, s19, s16, $0xb8;
	[tilespmem:$0x1FF80] =	vst v63  }
0x59: {  	s24 =	sadd.s32 $0x1000, s15  }
0x5a: {  	[tilespmem:s16], [sflag:$0x2] =	stream.linear.gather [hbm4b:s24+s3], $0x80, $0x38;
	[tilespmem:$0x1FF80] =	vst v63  }
0x5b: {  	_ =	swait.ge [sflag:s9], $0x4000  }
0x5c: {  	[sflag:s9] =	ssyncset.done $0x0  }
0x5d: {  	s24 =	sadd.s32 $0x1010, s15;
	[sflag:s9] =	ssyncadd.s32 $0xFFFFC000  }
0x5e: {  	[tilespmem:s19], [sflag:$0x5] =	stream.linear.gather [hbm4b:s24+s3], $0x80, $0x38;
	[tilespmem:$0x1FF80] =	vst v63  }
0x5f: {  	_ =	swait.ge [sflag:s22], $0x80  }
0x60: {  	[sflag:s22] =	ssyncset.done $0x0  }
0x61: {  	[sflag:s22] =	ssyncadd.s32 $0xFFFFFF80  }
0x62: {  	[tilespmem:s23], [sflag:$0x8] =	stream.indirect.gather [hbm4b:s4+s16], $0x80, s16, s16, $0xb8;
	[tilespmem:$0x1FF80] =	vst v63  }
0x63: {  	_ =	swait.ge [sflag:s10], $0x4000  }
0x64: {  	[sflag:s10] =	ssyncset.done $0x0  }
0x65: {  	[sflag:s10] =	ssyncadd.s32 $0xFFFFC000  }
0x66: {  	_ =	swait.ge [sflag:s11], $0x80  }
0x67: {  	[sflag:s11] =	ssyncset.done $0x0  }
0x68: {  	s14 =	simm.s32 $0xC00;
	s15 =	sadd.s32 $0x1400, s15;
	[sflag:s11] =	ssyncadd.s32 $0xFFFFFF80  }
0x69: {  	[spmem:s2] =	stream.indirect.scatter.add.f32 [tilespmem:s26], [sflag:$0xC], $0x80, s29, s16, $0xb8;
	[tilespmem:$0x1FF80] =	vst v63  }
.LBB2_2:
0x6a: {  	[tilespmem:s17], [sflag:$0x3] =	stream.linear.gather [hbm4b:s15+s3], $0x80, $0x38;
	[tilespmem:$0x1FF80] =	vst v63  }
0x6b: {  	_ =	swait.ge [sflag:s28], $0x4000  }
0x6c: {  	s15 =	smov.u32 s14;
	s24 =	rddreg [dreg:$0x4]  }
0x6d: {  	[sflag:s28] =	ssyncset.done $0x0;
	s15 =	sadd.s32 s15, s24  }
0x6e: {  	[sflag:s28] =	ssyncadd.s32 $0xFFFFC000;
	s24 =	sadd.s32 $0x810, s15  }
0x6f: {  	[tilespmem:s29], [sflag:$0x6] =	stream.linear.gather [hbm4b:s24+s3], $0x80, $0x38;
	[tilespmem:$0x1FF80] =	vst v63  }
0x70: {  	_ =	swait.ge [sflag:s30], $0x80  }
0x71: {  	[sflag:s30] =	ssyncset.done $0x0  }
0x72: {  	[sflag:s30] =	ssyncadd.s32 $0xFFFFFF80  }
0x73: {  	[tilespmem:s26], [sflag:$0x9] =	stream.indirect.gather [hbm4b:s4+s16], $0x80, s17, s16, $0xb8;
	[tilespmem:$0x1FF80] =	vst v63  }
0x74: {  	_ =	swait.ge [sflag:s31], $0x4000  }
0x75: {  	[sflag:s31] =	ssyncset.done $0x0  }
0x76: {  	[sflag:s31] =	ssyncadd.s32 $0xFFFFC000  }
0x77: {  	_ =	swait.ge [sflag:s1], $0x80  }
0x78: {  	[sflag:s1] =	ssyncset.done $0x0  }
0x79: {  	[sflag:s1] =	ssyncadd.s32 $0xFFFFFF80  }
0x7a: {  	[spmem:s2] =	stream.indirect.scatter.add.f32 [tilespmem:s21], [sflag:$0xA], $0x80, s18, s16, $0xb8;
	[tilespmem:$0x1FF80] =	vst v63  }
0x7b: {  	s24 =	sadd.s32 $0xC00, s15  }
0x7c: {  	[tilespmem:s3], [sflag:$0x1] =	stream.linear.gather [hbm4b:s24+s3], $0x80, $0x38;
	[tilespmem:$0x1FF80] =	vst v63  }
0x7d: {  	_ =	swait.ge [sflag:s0], $0x4000  }
0x7e: {  	[sflag:s0] =	ssyncset.done $0x0  }
0x7f: {  	s24 =	sadd.s32 $0xC10, s15;
	[sflag:s0] =	ssyncadd.s32 $0xFFFFC000  }
0x80: {  	[tilespmem:s18], [sflag:$0x4] =	stream.linear.gather [hbm4b:s24+s3], $0x80, $0x38;
	[tilespmem:$0x1FF80] =	vst v63  }
0x81: {  	_ =	swait.ge [sflag:s20], $0x80  }
0x82: {  	[sflag:s20] =	ssyncset.done $0x0  }
0x83: {  	[sflag:s20] =	ssyncadd.s32 $0xFFFFFF80  }
0x84: {  	[tilespmem:s21], [sflag:$0x7] =	stream.indirect.gather [hbm4b:s4+s16], $0x80, s3, s16, $0xb8;
	[tilespmem:$0x1FF80] =	vst v63  }
0x85: {  	_ =	swait.ge [sflag:s7], $0x4000  }
0x86: {  	[sflag:s7] =	ssyncset.done $0x0  }
0x87: {  	[sflag:s7] =	ssyncadd.s32 $0xFFFFC000  }
0x88: {  	_ =	swait.ge [sflag:s8], $0x80  }
0x89: {  	[sflag:s8] =	ssyncset.done $0x0  }
0x8a: {  	[sflag:s8] =	ssyncadd.s32 $0xFFFFFF80  }
0x8b: {  	[spmem:s2] =	stream.indirect.scatter.add.f32 [tilespmem:s23], [sflag:$0xB], $0x80, s19, s16, $0xb8;
	[tilespmem:$0x1FF80] =	vst v63  }
0x8c: {  	s24 =	sadd.s32 $0x1000, s15  }
0x8d: {  	[tilespmem:s16], [sflag:$0x2] =	stream.linear.gather [hbm4b:s24+s3], $0x80, $0x38;
	[tilespmem:$0x1FF80] =	vst v63  }
0x8e: {  	_ =	swait.ge [sflag:s9], $0x4000  }
0x8f: {  	[sflag:s9] =	ssyncset.done $0x0  }
0x90: {  	s24 =	sadd.s32 $0x1010, s15;
	[sflag:s9] =	ssyncadd.s32 $0xFFFFC000  }
0x91: {  	[tilespmem:s19], [sflag:$0x5] =	stream.linear.gather [hbm4b:s24+s3], $0x80, $0x38;
	[tilespmem:$0x1FF80] =	vst v63  }
0x92: {  	_ =	swait.ge [sflag:s22], $0x80  }
0x93: {  	[sflag:s22] =	ssyncset.done $0x0  }
0x94: {  	[sflag:s22] =	ssyncadd.s32 $0xFFFFFF80  }
0x95: {  	[tilespmem:s23], [sflag:$0x8] =	stream.indirect.gather [hbm4b:s4+s16], $0x80, s16, s16, $0xb8;
	[tilespmem:$0x1FF80] =	vst v63  }
0x96: {  	_ =	swait.ge [sflag:s10], $0x4000  }
0x97: {  	p0 =	sne.s32 s14, $0x13800;
	[sflag:s10] =	ssyncset.done $0x0  }
.Ltmp0:
0x98: {  	[sflag:s10] =	ssyncadd.s32 $0xFFFFC000;
	(pc) =	sbr.rel @p0 .LBB2_2-.Ltmp0, $4  }
0x99: {  	_ =	swait.ge [sflag:s11], $0x80  }
0x9a: {  	[sflag:s11] =	ssyncset.done $0x0  }
0x9b: {  	s14 =	sadd.s32 $0xC00, s14;
	s15 =	sadd.s32 $0x1400, s15;
	[sflag:s11] =	ssyncadd.s32 $0xFFFFFF80  }
0x9c: {  	[spmem:s2] =	stream.indirect.scatter.add.f32 [tilespmem:s26], [sflag:$0xC], $0x80, s29, s16, $0xb8;
	[tilespmem:$0x1FF80] =	vst v63  }
0x9d: {  	[tilespmem:s17], [sflag:$0x3] =	stream.linear.gather [hbm4b:s15+s3], $0x80, $0x38;
	[tilespmem:$0x1FF80] =	vst v63  }
0x9e: {  	_ =	swait.ge [sflag:s31], $0x4000  }
0x9f: {  	[sflag:s31] =	ssyncset.done $0x0  }
0xa0: {  	[sflag:s31] =	ssyncadd.s32 $0xFFFFC000  }
0xa1: {  	_ =	swait.ge [sflag:s7], $0x4000  }
0xa2: {  	[sflag:s7] =	ssyncset.done $0x0  }
0xa3: {  	[sflag:s7] =	ssyncadd.s32 $0xFFFFC000  }
0xa4: {  	_ =	swait.ge [sflag:s28], $0x4000  }
0xa5: {  	[sflag:s28] =	ssyncset.done $0x0  }
0xa6: {  	[sflag:s28] =	ssyncadd.s32 $0xFFFFC000  }
0xa7: {  	_ =	swait.ge [sflag:s30], $0x80  }
0xa8: {  	[sflag:s30] =	ssyncset.done $0x0  }
0xa9: {  	[sflag:s30] =	ssyncadd.s32 $0xFFFFFF80  }
0xaa: {  	_ =	swait.ge [sflag:s1], $0x80  }
0xab: {  	[sflag:s1] =	ssyncset.done $0x0  }
0xac: {  	[sflag:s1] =	ssyncadd.s32 $0xFFFFFF80  }
0xad: {  	_ =	swait.ge [sflag:s8], $0x80  }
0xae: {  	[sflag:s8] =	ssyncset.done $0x0  }
0xaf: {  	[sflag:s8] =	ssyncadd.s32 $0xFFFFFF80  }
0xb0: {  	[bflag:$0x0] =	sbarrier.arrive $0xFFFF  }
0xb1: {  	s14 =	rddreg [dreg:$0xd]  }
0xb2: {  	[hbm:s14], [sflag:s13] =	dma.local [spmem:s5], $0x2780  }
0xb3: {  	_ =	swait.ge [sflag:s25], $0x2780  }
0xb4: {  	s12 =	sadd.s32 $0x1, s12;
	s24 =	rddreg [dreg:$0xe]  }
0xb5: {  	p0 =	sne.s32 s12, s24  }
.Ltmp1:
0xb6: {  	_ = 	snop;
	(pc) =	sbr.rel @p0 .LBB2_1-.Ltmp1, $3  }
0xb7: {  	_ =	sdelay $0x1  }
0xb8: {  	[sflag:s25] =	ssyncset.done $0x0  }
0xb9: {  	[sflag:s25] =	ssyncadd.s32 $0xFFFFD880  }
0xba: {  	_ =	sfence.sel $0x180000  }
0xbb: {  	[bflag:$0x0] =	sbarrier.arrive $0xFFFF  }
0xbc: {  	_ =	strace $0x9000004D  }
0xbd: {  	s0 =	stileid.u32;
	[bflag:$0x2] =	sbarrier.arrive $0xFFFF  }
0xbe: {  	p0 =	sne.s32 s0, $0x0;
	s0 =	rddreg [dreg:$0x3]  }
0xbf: {  	s0 =	sadd.s32 @!p0 $0x100000, s0  }
0xc0: {  	[sflag:s0] =	ssyncadd.tile.s32 @!p0 $0x1;
	_ =	shalt  }
.Lfunc_end2:
_tile_overlayer_lowered:
.L_overlay_start_2:
0xc1: {  	(tag) =	ssettag $0x2  }
0xc2: {  	s0 =	rddreg [dreg:$0x0];
	s2 =	stileid.u32  }
0xc3: {  	s1 =	rddreg [dreg:$0x1];
	p0 =	sne.s32 s2, $0x0  }
0xc4: {  	s3 =	rddreg [dreg:$0x2];
	[bflag:$0x3] =	sbarrier.arrive $0xFFFF;
	s2 =	simm.s32 @!p0 $0x1C0D  }
0xc5: {  	[timem:s3], [sflag:s2] =	dma.local @!p0 [hbm:s0], s1  }
0xc6: {  	s0 =	simm.s32 @!p0 $0xD  }
0xc7: {  	_ =	swait.ge @!p0 [sflag:s0], s1  }
0xc8: {  	s1 =	ssub.s32 @!p0 $0x0, s1;
	[sflag:s0] =	ssyncset.done @!p0 $0x0  }
0xc9: {  	[sflag:s0] =	ssyncadd.s32 @!p0 s1  }
0xca: {  	[bflag:$0x3] =	sbarrier.arrive $0xFFFF  }
0xcb: {  	_ =	shalt  }

// kernel: kernel.8.cloned.1.call-start
scs
__scs_entry_jumppad:
0x0: {  	(pc) =	sbr.rel $0x88, $3  }
0x1: {  	(tag) =	ssettag $0x0;
	lr =	simm.s32 $0x1  }
0x2: {  	[smem:$0x3F89] =	sst lr;
	_ =	strace $0xD0000000  }
0x3: {  	_ = 	snop  }
0x4: {  	_ = 	snop  }
0x5: {  	_ = 	snop  }
0x6: {  	_ = 	snop  }
0x7: {  	_ = 	snop  }
__scs_overlays_trampoline_lowered:
0x8: {  	[smem:$0x3F98] =	sst s0  }
0x9: {  	[smem:$0x3F99] =	sst s1  }
0xa: {  	[smem:$0x3F9A] =	sst s2  }
0xb: {  	[smem:$0x3F9B] =	sst s3  }
0xc: {  	[smem:$0x3F9C] =	sst s4  }
0xd: {  	[smem:$0x3F9D] =	sst s5  }
0xe: {  	[smem:$0x3F9E] =	sst s6  }
0xf: {  	[smem:$0x3F9F] =	sst s7  }
0x10: {  	[smem:$0x3FA0] =	sst s8  }
0x11: {  	[smem:$0x3FA1] =	sst s9;
	s0 =	simm.s32 @!p0 $0x0  }
0x12: {  	s1 =	sld [smem:$0x3F87];
	s0 =	simm.s32 @p0 $0x1  }
0x13: {  	[smem:$0x3FA2] =	sst s0;
	s0 =	simm.s32 @!p1 $0x0  }
0x14: {  	s2 =	sld [smem:$0x3F86];
	s0 =	simm.s32 @p1 $0x1  }
0x15: {  	[smem:$0x3FA3] =	sst s0;
	s0 =	simm.s32 @!p2 $0x0  }
0x16: {  	s3 =	sld [smem:$0x3FDB];
	s0 =	simm.s32 @p2 $0x1  }
0x17: {  	s4 =	simm.s32 $0x1BF5;
	[smem:$0x3FA5] =	sst s0  }
0x18: {  	s0 =	sld [smem:$0x3F88];
	_ =	swait.ge [sflag:s4], $0x0  }
0x19: {  	s7 =	sld [smem:$0x3F89]  }
0x1a: {  	s8 =	sadd.s32 $0xFFFFE003, lr  }
0x1b: {  	s9 =	sadd.s32 $0xFFFFFEF7, lr;
	s5 =	simm.s32 $0xFFFFFFFF;
	p2 =	slt.u32 s8, $0xFFFFF086  }
0x1c: {  	p1 =	slt.u32 s9, $0xF7A;
	s5 =	simm.s32 @!p2 $0x0  }
0x1d: {  	s5 =	simm.s32 @p1 $0x1;
	p0 =	seq.s32 s7, s2  }
0x1e: {  	s7 =	smul.u32 @!p0 $0xF7A, s2;
	p2 =	seq.s32 @!p0 s5, $0x0  }
0x1f: {  	s9 =	smul.u32 $0xF7A, s1;
	s8 =	simm.s32 @!p0 $0x1BF5;
	p2 =	por !p2, p0  }
0x20: {  	[sflag:s8] =	ssyncset.s32 @!p0 $0xFFFFF086;
	s6 =	sadd.s32 @!p0 s3, s7;
	s7 =	simm.s32 @!p0 $0x108  }
0x21: {  	s3 =	sadd.s32 s3, s9;
	s6 =	sadd.s32 @!p0 $0x88, s6;
	s7 =	simm.s32 @p2 $0x1082  }
0x22: {  	[simem:s7], [sflag:s8] =	dma.local @!p0 [hbm:s6], $0xF7A  }
0x23: {  	s9 =	sor.u32 $0xD0000000, s2;
	s6 =	simm.s32 $0x108;
	_ =	swait.ge @!p0 [sflag:s8], $0x0  }
0x24: {  	s3 =	sadd.s32 $0x88, s3;
	s6 =	simm.s32 @!p1 $0x1082;
	[sflag:s4] =	ssyncset.s32 $0xFFFFF086  }
0x25: {  	[simem:s6], [sflag:s4] =	dma.local [hbm:s3], $0xF7A  }
0x26: {  	[smem:$0x3F89] =	sst s1;
	(tag) =	ssettag s2;
	_ =	strace s9  }
0x27: {  	s1 =	sld [smem:$0x3F99]  }
0x28: {  	s2 =	sld [smem:$0x3F9A]  }
0x29: {  	s4 =	sld [smem:$0x3F9C]  }
0x2a: {  	p0 =	seq.s32 s5, $0x0;
	s5 =	sld [smem:$0x3F9D]  }
0x2b: {  	s6 =	sld [smem:$0x3F9E]  }
0x2c: {  	s7 =	sld [smem:$0x3F9F]  }
0x2d: {  	s3 =	simm.s32 $0x108;
	s8 =	sld [smem:$0x3FA0]  }
0x2e: {  	s3 =	simm.s32 @!p0 $0x1082;
	s9 =	sld [smem:$0x3FA1]  }
0x2f: {  	lr =	sadd.s32 s0, s3;
	s0 =	sld [smem:$0x3F98]  }
0x30: {  	s3 =	sld [smem:$0x3F9B]  }
0x31: {  	[smem:$0x3FA4] =	sst s10  }
0x32: {  	s10 =	sld [smem:$0x3FA2];
	_ =	sdelay $0x3  }
0x33: {  	p0 =	seq.s32 s10, $0x1;
	s10 =	sld [smem:$0x3FA4];
	_ =	sdelay $0x3  }
0x34: {  	[smem:$0x3FA4] =	sst s10  }
0x35: {  	s10 =	sld [smem:$0x3FA3];
	_ =	sdelay $0x3  }
0x36: {  	p1 =	seq.s32 s10, $0x1;
	s10 =	sld [smem:$0x3FA4];
	_ =	sdelay $0x3  }
0x37: {  	[smem:$0x3FA4] =	sst s10  }
0x38: {  	s10 =	sld [smem:$0x3FA5]  }
0x39: {  	_ = 	snop;
	(pc) =	sbr.ind lr, $3  }
0x3a: {  	_ = 	snop  }
0x3b: {  	_ = 	snop  }
0x3c: {  	p2 =	seq.s32 s10, $0x1;
	s10 =	sld [smem:$0x3FA4]  }
0x3d: {  	_ =	shalt  }
0x3e: {  	_ =	shalt  }
0x3f: {  	_ =	shalt  }
0x40: {  	_ =	shalt  }
0x41: {  	_ =	shalt  }
0x42: {  	_ =	shalt  }
0x43: {  	_ =	shalt  }
0x44: {  	_ =	shalt  }
0x45: {  	_ =	shalt  }
0x46: {  	_ =	shalt  }
0x47: {  	_ =	shalt  }
0x48: {  	_ =	shalt  }
0x49: {  	_ =	shalt  }
0x4a: {  	_ =	shalt  }
0x4b: {  	_ =	shalt  }
0x4c: {  	_ =	shalt  }
0x4d: {  	_ =	shalt  }
0x4e: {  	_ =	shalt  }
0x4f: {  	_ =	shalt  }
0x50: {  	_ =	shalt  }
0x51: {  	_ =	shalt  }
0x52: {  	_ =	shalt  }
0x53: {  	_ =	shalt  }
0x54: {  	_ =	shalt  }
0x55: {  	_ =	shalt  }
0x56: {  	_ =	shalt  }
0x57: {  	_ =	shalt  }
0x58: {  	_ =	shalt  }
0x59: {  	_ =	shalt  }
0x5a: {  	_ =	shalt  }
0x5b: {  	_ =	shalt  }
0x5c: {  	_ =	shalt  }
0x5d: {  	_ =	shalt  }
0x5e: {  	_ =	shalt  }
0x5f: {  	_ =	shalt  }
0x60: {  	_ =	shalt  }
0x61: {  	_ =	shalt  }
0x62: {  	_ =	shalt  }
0x63: {  	_ =	shalt  }
0x64: {  	_ =	shalt  }
0x65: {  	_ =	shalt  }
0x66: {  	_ =	shalt  }
0x67: {  	_ =	shalt  }
0x68: {  	_ =	shalt  }
0x69: {  	_ =	shalt  }
0x6a: {  	_ =	shalt  }
0x6b: {  	_ =	shalt  }
0x6c: {  	_ =	shalt  }
0x6d: {  	_ =	shalt  }
0x6e: {  	_ =	shalt  }
0x6f: {  	_ =	shalt  }
0x70: {  	_ =	shalt  }
0x71: {  	_ =	shalt  }
0x72: {  	_ =	shalt  }
0x73: {  	_ =	shalt  }
0x74: {  	_ =	shalt  }
0x75: {  	_ =	shalt  }
0x76: {  	_ =	shalt  }
0x77: {  	_ =	shalt  }
0x78: {  	_ =	shalt  }
0x79: {  	_ =	shalt  }
0x7a: {  	_ =	shalt  }
0x7b: {  	_ =	shalt  }
0x7c: {  	_ =	shalt  }
0x7d: {  	_ =	shalt  }
0x7e: {  	_ =	shalt  }
0x7f: {  	_ =	shalt  }
0x80: {  	_ =	shalt  }
0x81: {  	_ =	shalt  }
0x82: {  	_ =	shalt  }
0x83: {  	_ =	shalt  }
0x84: {  	_ =	shalt  }
0x85: {  	_ =	shalt  }
0x86: {  	_ =	shalt  }
0x87: {  	_ =	shalt  }
.Lfunc_end0:
.L_simem_size_0:
called_computation_lowered:
.L_overlay_start_0:
0x88: {  	s2 =	sld [smem:$0x3FD9]  }
0x89: {  	s3 =	sld [smem:$0x3FFE];
	_ =	sdelay $0x1  }
0x8a: {  	s1 =	srdreg.scid  }
0x8b: {  	s0 =	sand.u32 $0x1, s1  }
0x8c: {  	s17 =	sshll.u32 s0, $0xA;
	s2 =	sadd.s32 s3, s2  }
0x8d: {  	s2 =	sadd.s32 s2, s17  }
0x8e: {  	[smem:$0x3FB0] =	sst s2  }
0x8f: {  	_ = 	snop  }
0x90: {  	s2 =	sld [smem:$0x3FC9]  }
0x91: {  	s18 =	sld [smem:$0x3FD0];
	(tm) =	ssettm $0x1  }
0x92: {  	s4 =	sld [smem:$0x3FFB];
	_ =	sdelay $0x3  }
0x93: {  	_ =	strace s4  }
0x94: {  	s4 =	sld [smem:$0x3FFC];
	_ =	sdelay $0x3  }
0x95: {  	_ =	strace s4  }
0x96: {  	s4 =	sld [smem:$0x3FFD];
	_ =	sdelay $0x3  }
0x97: {  	_ =	strace s4  }
0x98: {  	_ =	strace $0x8FFFFFFF  }
0x99: {  	s19 =	sld [smem:$0x3FDB];
	_ =	sdelay $0x1  }
0x9a: {  	s5 =	simm.s32 $_scs_section_size  }
0x9b: {  	s6 =	simm.s32 $_size__tile_overlayer_lowered;
	s7 =	simm.s32 $_tile_overlayer_lowered  }
0x9c: {  	s22 =	simm.s32 $0x1BFF;
	s21 =	sshll.u32 s7, $0x1;
	s4 =	sadd.s32 s5, s19  }
0x9d: {  	s8 =	simm.s32 $0x0;
	s20 =	sshll.u32 s6, $0x1;
	s6 =	sadd.s32 s21, s4  }
0x9e: {  	[timem:s8], [sflag:s22] =	dma.local [hbm:s6], s20  }
0x9f: {  	_ =	swait.ge [sflag:s22], s20  }
0xa0: {  	s5 =	ssub.s32 $0x0, s20;
	[sflag:s22] =	ssyncset.done $0x0  }
0xa1: {  	[sflag:s22] =	ssyncadd.s32 s5;
	_ =	sdelay $0x1  }
0xa2: {  	s23 =	simm.s32 $0x1B8B  }
0xa3: {  	_ =	swait.ge [sflag:s23], $0x1  }
0xa4: {  	[sflag:s23] =	ssyncset.done $0x0  }
0xa5: {  	s25 =	simm.s32 $0x1B8E;
	s24 =	sld [smem:$0x3FFE];
	[sflag:s23] =	ssyncadd.s32 $0xFFFFFFFF  }
0xa6: {  	s26 =	simm.s32 $execute0_lowered;
	[smem:$0x3FD2] =	sst s25  }
0xa7: {  	s6 =	sshll.u32 s26, $0x1;
	_ =	strace $0x80000046;
	[dreg:$0x1] =	wrdreg $0xFFFFFFFF  }
0xa8: {  	s28 =	simm.s32 $_size_execute0_lowered;
	s4 =	sadd.s32 s4, s6;
	[dreg:$0x0] =	wrdreg $0x0  }
0xa9: {  	s6 =	sshll.u32 s28, $0x1;
	[dreg:$0x2] =	wrdreg s4  }
0xaa: {  	[dreg:$0x3] =	wrdreg s6  }
0xab: {  	[dreg:$0x4] =	wrdreg $0xC0  }
0xac: {  	_ =	task [dreg:s8], $0x5FFFF  }
0xad: {  	[dreg:$0x1] =	wrdreg $0xFFFFFFFF  }
0xae: {  	[dreg:$0x0] =	wrdreg $0x60  }
0xaf: {  	[dreg:$0x2] =	wrdreg s18  }
0xb0: {  	[dreg:$0x3] =	wrdreg s2  }
0xb1: {  	[dreg:$0x4] =	wrdreg s24  }
0xb2: {  	[dreg:$0x5] =	wrdreg $0xC3800  }
0xb3: {  	[dreg:$0x6] =	wrdreg $0x9  }
0xb4: {  	_ =	task.clear_ibuf [dreg:s8], $0x7FFFF;
	_ =	strace $0x90000046  }
0xb5: {  	s29 =	simm.s32 $0x9;
	_ =	strace $0x80000048  }
0xb6: {  	_ =	swait.ge [sflag:s29], $0x1  }
0xb7: {  	[sflag:s29] =	ssyncadd.s32 $0xFFFFFFFF  }
0xb8: {  	_ =	strace $0x90000048  }
0xb9: {  	_ =	sfence  }
0xba: {  	s30 =	sld [smem:$0x0];
	_ =	sdelay $0x2  }
0xbb: {  	s31 =	sshll.u32 s1, $0xD;
	s1 =	sshrl.u32 s1, $0x2  }
0xbc: {  	s3 =	sand.u32 $0x4000, s31;
	s1 =	sadd.s32 s1, s30  }
0xbd: {  	s0 =	sor.u32 s3, s0;
	s1 =	sshll.u32 s1, $0x11  }
0xbe: {  	s0 =	sor.u32 s1, s0  }
0xbf: {  	s0 =	sadd.s32 $0x8F2B, s0  }
0xc0: {  	[sflag:s0] =	ssyncadd.remote.s32 $0x1  }
0xc1: {  	_ =	sfence.sel $0xFFFF  }
0xc2: {  	[dreg:$0x0] =	wrdreg $0xFFFFFFFF;
	(pc) =	sbr.abs _section_cstart, $3  }
0xc3: {  	[dreg:$0x1] =	wrdreg $0xFFFFFFFF  }
0xc4: {  	_ =	task.clear_ibuf [dreg:s8], $0x2FFFF;
	_ =	strace $0x9FFFFFFF  }
0xc5: {  	(tm) =	ssettm $0x7FFFFFFF  }
tec
execute0_lowered:
.L_overlay_start_1:
0x0: {  	(tag) =	ssettag $0x1  }
0x1: {  	s0 =	rddreg [dreg:$0x0]  }
0x2: {  	s1 =	rddreg [dreg:$0x1]  }
0x3: {  	s10 =	stileid.u32;
	s5 =	rddreg [dreg:$0x2]  }
0x4: {  	s2 =	srdreg.scid;
	s3 =	rddreg [dreg:$0x3];
	s4 =	simm.s32 $0x0  }
0x5: {  	s16 =	simm.s32 $0x80;
	s28 =	simm.s32 $0xC;
	s29 =	simm.s32 $0x280  }
0x6: {  	s30 =	simm.s32 $0x3;
	s31 =	simm.s32 $0x7;
	s12 =	simm.s32 $0x0  }
0x7: {  	s6 =	smul.u32 $0x13C00, s10;
	s2 =	sand.u32 $0x1, s2;
	[smem:$0x7FF] =	sst s4  }
0x8: {  	s11 =	sshll.u32 s10, $0x6;
	s20 =	smul.u32 $0x4F000, s10;
	s25 =	sadd.s32 $0x13890, s0  }
0x9: {  	s10 =	simm.s32 $0x9;
	s7 =	smul.u32 $0x13C000, s2;
	_ =	strace $0x80000047  }
0xa: {  	s18 =	ssub.s32 $0x2, s2;
	s2 =	sshll.u32 s2, $0x5;
	[dreg:$0xb] =	wrdreg s25  }
0xb: {  	[dreg:$0x6] =	wrdreg s11;
	s25 =	simm.s32 $0xD;
	s8 =	sshrl.u32 s6, $0x3  }
0xc: {  	s19 =	sshrl.u32 s18, $0x1;
	s9 =	sor.u32 s2, s11;
	s6 =	sadd.s32 s6, s7  }
0xd: {  	s17 =	sadd.s32 s8, s5;
	s8 =	ssub.s32 s18, s19;
	s18 =	simm.s32 $0x180  }
0xe: {  	s19 =	simm.s32 $0x200;
	s6 =	sshrl.u32 s6, $0x3;
	s7 =	sadd.s32 $0x4E00, s17  }
0xf: {  	s26 =	smax.u32 s8, $0x1;
	s17 =	simm.s32 $0x100;
	s8 =	simm.s32 $0x5  }
0x10: {  	s5 =	sadd.s32 s6, s5;
	s6 =	sadd.s32 s0, s9;
	[dreg:$0xd] =	wrdreg s7  }
0x11: {  	s9 =	sshrl.u32 s20, $0x2;
	[dreg:$0xf] =	wrdreg s26;
	s21 =	sadd.s32 $0x400, s6  }
0x12: {  	s0 =	sadd.s32 s11, s0;
	s22 =	sadd.s32 $0x800, s6;
	[dreg:$0x7] =	wrdreg s21  }
0x13: {  	s20 =	simm.s32 $0x1;
	s23 =	sadd.s32 $0x10, s6;
	[dreg:$0x8] =	wrdreg s22  }
0x14: {  	s26 =	simm.s32 $0x8380;
	s24 =	sadd.s32 $0x410, s6;
	[dreg:$0x9] =	wrdreg s23  }
0x15: {  	s7 =	simm.s32 $0x8;
	s9 =	sadd.s32 s9, s3;
	[dreg:$0xa] =	wrdreg s24  }
0x16: {  	s11 =	simm.s32 $0x6;
	s5 =	sadd.s32 $0x2C600, s5;
	[dreg:$0xc] =	wrdreg s9  }
0x17: {  	s0 =	sadd.s32 s2, s0;
	s2 =	simm.s32 $0x4;
	[dreg:$0xe] =	wrdreg s5  }
0x18: {  	[dreg:$0x5] =	wrdreg s0;
	s21 =	simm.s32 $0x380;
	s22 =	simm.s32 $0x2  }
0x19: {  	s23 =	simm.s32 $0x4380;
	s0 =	simm.s32 $0xA;
	s9 =	simm.s32 $0xB  }
.LBB2_1:
0x1a: {  	[tilespmem:s4], [sflag:$0x1] =	stream.linear.gather [hbm4b:s6+s4], $0x80, $0x38;
	[tilespmem:$0x1FF80] =	vst v63  }
0x1b: {  	s5 =	rddreg [dreg:$0x7]  }
0x1c: {  	[tilespmem:s16], [sflag:$0x2] =	stream.linear.gather [hbm4b:s5+s4], $0x80, $0x38;
	[tilespmem:$0x1FF80] =	vst v63  }
0x1d: {  	s13 =	rddreg [dreg:$0x8]  }
0x1e: {  	[tilespmem:s17], [sflag:$0x3] =	stream.linear.gather [hbm4b:s13+s4], $0x80, $0x38;
	[tilespmem:$0x1FF80] =	vst v63  }
0x1f: {  	s14 =	rddreg [dreg:$0x9]  }
0x20: {  	[tilespmem:s18], [sflag:$0x4] =	stream.linear.gather [hbm4b:s14+s4], $0x80, $0x38;
	[tilespmem:$0x1FF80] =	vst v63  }
0x21: {  	s15 =	rddreg [dreg:$0xa]  }
0x22: {  	[tilespmem:s19], [sflag:$0x5] =	stream.linear.gather [hbm4b:s15+s4], $0x80, $0x38;
	[tilespmem:$0x1FF80] =	vst v63  }
0x23: {  	_ =	swait.ge [sflag:s20], $0x80  }
0x24: {  	[sflag:s20] =	ssyncset.done $0x0  }
0x25: {  	[sflag:s20] =	ssyncadd.s32 $0xFFFFFF80  }
0x26: {  	[tilespmem:s21], [sflag:$0x7] =	stream.indirect.gather [hbm4b:s1+s16], $0x80, s4, s16, $0xb8;
	[tilespmem:$0x1FF80] =	vst v63  }
0x27: {  	_ =	swait.ge [sflag:s22], $0x80  }
0x28: {  	[sflag:s22] =	ssyncset.done $0x0  }
0x29: {  	[sflag:s22] =	ssyncadd.s32 $0xFFFFFF80  }
0x2a: {  	[tilespmem:s23], [sflag:$0x8] =	stream.indirect.gather [hbm4b:s1+s16], $0x80, s16, s16, $0xb8;
	[tilespmem:$0x1FF80] =	vst v63  }
0x2b: {  	s13 =	simm.s32 $0x300;
	s24 =	rddreg [dreg:$0xb]  }
0x2c: {  	[tilespmem:s13], [sflag:$0xD] =	stream.linear.gather [hbm4b:s24+s4], $0x80, $0x38;
	[tilespmem:$0x1FF80] =	vst v63  }
0x2d: {  	_ =	swait.ge [sflag:s25], $0x80  }
0x2e: {  	[sflag:s25] =	ssyncset.done $0x0  }
0x2f: {  	s14 =	rddreg [dreg:$0xc];
	[sflag:s25] =	ssyncadd.s32 $0xFFFFFF80  }
0x30: {  	[spmem:s3] =	stream.indirect.scatter.add.f32 [tilespmem:s26], [sflag:$0xC], $0x80, s13, s16, $0xb8;
	[tilespmem:$0x1FF80] =	vst v63  }
0x31: {  	s13 =	rddreg [dreg:$0x6]  }
0x32: {  	s5 =	sshrl.u32 s14, $0x3;
	s14 =	rddreg [dreg:$0xd];
	s13 =	sor.u32 $0x1C0D, s13  }
0x33: {  	[spmem:s5], [sflag:s13] =	dma.local [hbm:s14], $0x2780  }
0x34: {  	_ =	swait.ge [sflag:s25], $0x2780  }
0x35: {  	[sflag:s25] =	ssyncset.done $0x0  }
0x36: {  	[sflag:s25] =	ssyncadd.s32 $0xFFFFD880  }
0x37: {  	[bflag:$0x0] =	sbarrier.arrive $0xFFFF  }
0x38: {  	_ =	swait.ge [sflag:s28], $0x4000  }
0x39: {  	s15 =	rddreg [dreg:$0x5]  }
0x3a: {  	[sflag:s28] =	ssyncset.done $0x0;
	s15 =	sadd.s32 $0x0, s15  }
0x3b: {  	[sflag:s28] =	ssyncadd.s32 $0xFFFFC000;
	s14 =	sadd.s32 $0x810, s15  }
0x3c: {  	[tilespmem:s29], [sflag:$0x6] =	stream.linear.gather [hbm4b:s14+s4], $0x80, $0x38;
	[tilespmem:$0x1FF80] =	vst v63  }
0x3d: {  	_ =	swait.ge [sflag:s30], $0x80  }
0x3e: {  	[sflag:s30] =	ssyncset.done $0x0  }
0x3f: {  	[sflag:s30] =	ssyncadd.s32 $0xFFFFFF80  }
0x40: {  	[tilespmem:s26], [sflag:$0x9] =	stream.indirect.gather [hbm4b:s1+s16], $0x80, s17, s16, $0xb8;
	[tilespmem:$0x1FF80] =	vst v63  }
0x41: {  	_ =	swait.ge [sflag:s31], $0x4000  }
0x42: {  	[sflag:s31] =	ssyncset.done $0x0  }
0x43: {  	[sflag:s31] =	ssyncadd.s32 $0xFFFFC000  }
0x44: {  	_ =	swait.ge [sflag:s2], $0x80  }
0x45: {  	[sflag:s2] =	ssyncset.done $0x0  }
0x46: {  	[sflag:s2] =	ssyncadd.s32 $0xFFFFFF80  }
0x47: {  	[spmem:s3] =	stream.indirect.scatter.add.f32 [tilespmem:s21], [sflag:$0xA], $0x80, s18, s16, $0xb8;
	[tilespmem:$0x1FF80] =	vst v63  }
0x48: {  	s24 =	sadd.s32 $0xC00, s15  }
0x49: {  	[tilespmem:s4], [sflag:$0x1] =	stream.linear.gather [hbm4b:s24+s4], $0x80, $0x38;
	[tilespmem:$0x1FF80] =	vst v63  }
0x4a: {  	_ =	swait.ge [sflag:s0], $0x4000  }
0x4b: {  	[sflag:s0] =	ssyncset.done $0x0  }
0x4c: {  	s24 =	sadd.s32 $0xC10, s15;
	[sflag:s0] =	ssyncadd.s32 $0xFFFFC000  }
0x4d: {  	[tilespmem:s18], [sflag:$0x4] =	stream.linear.gather [hbm4b:s24+s4], $0x80, $0x38;
	[tilespmem:$0x1FF80] =	vst v63  }
0x4e: {  	_ =	swait.ge [sflag:s20], $0x80  }
0x4f: {  	[sflag:s20] =	ssyncset.done $0x0  }
0x50: {  	[sflag:s20] =	ssyncadd.s32 $0xFFFFFF80  }
0x51: {  	[tilespmem:s21], [sflag:$0x7] =	stream.indirect.gather [hbm4b:s1+s16], $0x80, s4, s16, $0xb8;
	[tilespmem:$0x1FF80] =	vst v63  }
0x52: {  	_ =	swait.ge [sflag:s7], $0x4000  }
0x53: {  	[sflag:s7] =	ssyncset.done $0x0  }
0x54: {  	[sflag:s7] =	ssyncadd.s32 $0xFFFFC000  }
0x55: {  	_ =	swait.ge [sflag:s8], $0x80  }
0x56: {  	[sflag:s8] =	ssyncset.done $0x0  }
0x57: {  	[sflag:s8] =	ssyncadd.s32 $0xFFFFFF80  }
0x58: {  	[spmem:s3] =	stream.indirect.scatter.add.f32 [tilespmem:s23], [sflag:$0xB], $0x80, s19, s16, $0xb8;
	[tilespmem:$0x1FF80] =	vst v63  }
0x59: {  	s24 =	sadd.s32 $0x1000, s15  }
0x5a: {  	[tilespmem:s16], [sflag:$0x2] =	stream.linear.gather [hbm4b:s24+s4], $0x80, $0x38;
	[tilespmem:$0x1FF80] =	vst v63  }
0x5b: {  	_ =	swait.ge [sflag:s9], $0x4000  }
0x5c: {  	[sflag:s9] =	ssyncset.done $0x0  }
0x5d: {  	s24 =	sadd.s32 $0x1010, s15;
	[sflag:s9] =	ssyncadd.s32 $0xFFFFC000  }
0x5e: {  	[tilespmem:s19], [sflag:$0x5] =	stream.linear.gather [hbm4b:s24+s4], $0x80, $0x38;
	[tilespmem:$0x1FF80] =	vst v63  }
0x5f: {  	_ =	swait.ge [sflag:s22], $0x80  }
0x60: {  	[sflag:s22] =	ssyncset.done $0x0  }
0x61: {  	[sflag:s22] =	ssyncadd.s32 $0xFFFFFF80  }
0x62: {  	[tilespmem:s23], [sflag:$0x8] =	stream.indirect.gather [hbm4b:s1+s16], $0x80, s16, s16, $0xb8;
	[tilespmem:$0x1FF80] =	vst v63  }
0x63: {  	_ =	swait.ge [sflag:s10], $0x4000  }
0x64: {  	[sflag:s10] =	ssyncset.done $0x0  }
0x65: {  	[sflag:s10] =	ssyncadd.s32 $0xFFFFC000  }
0x66: {  	_ =	swait.ge [sflag:s11], $0x80  }
0x67: {  	[sflag:s11] =	ssyncset.done $0x0  }
0x68: {  	s14 =	simm.s32 $0xC00;
	s15 =	sadd.s32 $0x1400, s15;
	[sflag:s11] =	ssyncadd.s32 $0xFFFFFF80  }
0x69: {  	[spmem:s3] =	stream.indirect.scatter.add.f32 [tilespmem:s26], [sflag:$0xC], $0x80, s29, s16, $0xb8;
	[tilespmem:$0x1FF80] =	vst v63  }
.LBB2_2:
0x6a: {  	[tilespmem:s17], [sflag:$0x3] =	stream.linear.gather [hbm4b:s15+s4], $0x80, $0x38;
	[tilespmem:$0x1FF80] =	vst v63  }
0x6b: {  	_ =	swait.ge [sflag:s28], $0x4000  }
0x6c: {  	s15 =	smov.u32 s14;
	s24 =	rddreg [dreg:$0x5]  }
0x6d: {  	[sflag:s28] =	ssyncset.done $0x0;
	s15 =	sadd.s32 s15, s24  }
0x6e: {  	[sflag:s28] =	ssyncadd.s32 $0xFFFFC000;
	s24 =	sadd.s32 $0x810, s15  }
0x6f: {  	[tilespmem:s29], [sflag:$0x6] =	stream.linear.gather [hbm4b:s24+s4], $0x80, $0x38;
	[tilespmem:$0x1FF80] =	vst v63  }
0x70: {  	_ =	swait.ge [sflag:s30], $0x80  }
0x71: {  	[sflag:s30] =	ssyncset.done $0x0  }
0x72: {  	[sflag:s30] =	ssyncadd.s32 $0xFFFFFF80  }
0x73: {  	[tilespmem:s26], [sflag:$0x9] =	stream.indirect.gather [hbm4b:s1+s16], $0x80, s17, s16, $0xb8;
	[tilespmem:$0x1FF80] =	vst v63  }
0x74: {  	_ =	swait.ge [sflag:s31], $0x4000  }
0x75: {  	[sflag:s31] =	ssyncset.done $0x0  }
0x76: {  	[sflag:s31] =	ssyncadd.s32 $0xFFFFC000  }
0x77: {  	_ =	swait.ge [sflag:s2], $0x80  }
0x78: {  	[sflag:s2] =	ssyncset.done $0x0  }
0x79: {  	[sflag:s2] =	ssyncadd.s32 $0xFFFFFF80  }
0x7a: {  	[spmem:s3] =	stream.indirect.scatter.add.f32 [tilespmem:s21], [sflag:$0xA], $0x80, s18, s16, $0xb8;
	[tilespmem:$0x1FF80] =	vst v63  }
0x7b: {  	s24 =	sadd.s32 $0xC00, s15  }
0x7c: {  	[tilespmem:s4], [sflag:$0x1] =	stream.linear.gather [hbm4b:s24+s4], $0x80, $0x38;
	[tilespmem:$0x1FF80] =	vst v63  }
0x7d: {  	_ =	swait.ge [sflag:s0], $0x4000  }
0x7e: {  	[sflag:s0] =	ssyncset.done $0x0  }
0x7f: {  	s24 =	sadd.s32 $0xC10, s15;
	[sflag:s0] =	ssyncadd.s32 $0xFFFFC000  }
0x80: {  	[tilespmem:s18], [sflag:$0x4] =	stream.linear.gather [hbm4b:s24+s4], $0x80, $0x38;
	[tilespmem:$0x1FF80] =	vst v63  }
0x81: {  	_ =	swait.ge [sflag:s20], $0x80  }
0x82: {  	[sflag:s20] =	ssyncset.done $0x0  }
0x83: {  	[sflag:s20] =	ssyncadd.s32 $0xFFFFFF80  }
0x84: {  	[tilespmem:s21], [sflag:$0x7] =	stream.indirect.gather [hbm4b:s1+s16], $0x80, s4, s16, $0xb8;
	[tilespmem:$0x1FF80] =	vst v63  }
0x85: {  	_ =	swait.ge [sflag:s7], $0x4000  }
0x86: {  	[sflag:s7] =	ssyncset.done $0x0  }
0x87: {  	[sflag:s7] =	ssyncadd.s32 $0xFFFFC000  }
0x88: {  	_ =	swait.ge [sflag:s8], $0x80  }
0x89: {  	[sflag:s8] =	ssyncset.done $0x0  }
0x8a: {  	[sflag:s8] =	ssyncadd.s32 $0xFFFFFF80  }
0x8b: {  	[spmem:s3] =	stream.indirect.scatter.add.f32 [tilespmem:s23], [sflag:$0xB], $0x80, s19, s16, $0xb8;
	[tilespmem:$0x1FF80] =	vst v63  }
0x8c: {  	s24 =	sadd.s32 $0x1000, s15  }
0x8d: {  	[tilespmem:s16], [sflag:$0x2] =	stream.linear.gather [hbm4b:s24+s4], $0x80, $0x38;
	[tilespmem:$0x1FF80] =	vst v63  }
0x8e: {  	_ =	swait.ge [sflag:s9], $0x4000  }
0x8f: {  	[sflag:s9] =	ssyncset.done $0x0  }
0x90: {  	s24 =	sadd.s32 $0x1010, s15;
	[sflag:s9] =	ssyncadd.s32 $0xFFFFC000  }
0x91: {  	[tilespmem:s19], [sflag:$0x5] =	stream.linear.gather [hbm4b:s24+s4], $0x80, $0x38;
	[tilespmem:$0x1FF80] =	vst v63  }
0x92: {  	_ =	swait.ge [sflag:s22], $0x80  }
0x93: {  	[sflag:s22] =	ssyncset.done $0x0  }
0x94: {  	[sflag:s22] =	ssyncadd.s32 $0xFFFFFF80  }
0x95: {  	[tilespmem:s23], [sflag:$0x8] =	stream.indirect.gather [hbm4b:s1+s16], $0x80, s16, s16, $0xb8;
	[tilespmem:$0x1FF80] =	vst v63  }
0x96: {  	_ =	swait.ge [sflag:s10], $0x4000  }
0x97: {  	p0 =	sne.s32 s14, $0x13800;
	[sflag:s10] =	ssyncset.done $0x0  }
.Ltmp0:
0x98: {  	[sflag:s10] =	ssyncadd.s32 $0xFFFFC000;
	(pc) =	sbr.rel @p0 .LBB2_2-.Ltmp0, $4  }
0x99: {  	_ =	swait.ge [sflag:s11], $0x80  }
0x9a: {  	[sflag:s11] =	ssyncset.done $0x0  }
0x9b: {  	s14 =	sadd.s32 $0xC00, s14;
	s15 =	sadd.s32 $0x1400, s15;
	[sflag:s11] =	ssyncadd.s32 $0xFFFFFF80  }
0x9c: {  	[spmem:s3] =	stream.indirect.scatter.add.f32 [tilespmem:s26], [sflag:$0xC], $0x80, s29, s16, $0xb8;
	[tilespmem:$0x1FF80] =	vst v63  }
0x9d: {  	[tilespmem:s17], [sflag:$0x3] =	stream.linear.gather [hbm4b:s15+s4], $0x80, $0x38;
	[tilespmem:$0x1FF80] =	vst v63  }
0x9e: {  	_ =	swait.ge [sflag:s31], $0x4000  }
0x9f: {  	[sflag:s31] =	ssyncset.done $0x0  }
0xa0: {  	[sflag:s31] =	ssyncadd.s32 $0xFFFFC000  }
0xa1: {  	_ =	swait.ge [sflag:s7], $0x4000  }
0xa2: {  	[sflag:s7] =	ssyncset.done $0x0  }
0xa3: {  	[sflag:s7] =	ssyncadd.s32 $0xFFFFC000  }
0xa4: {  	_ =	swait.ge [sflag:s28], $0x4000  }
0xa5: {  	[sflag:s28] =	ssyncset.done $0x0  }
0xa6: {  	[sflag:s28] =	ssyncadd.s32 $0xFFFFC000  }
0xa7: {  	_ =	swait.ge [sflag:s30], $0x80  }
0xa8: {  	[sflag:s30] =	ssyncset.done $0x0  }
0xa9: {  	[sflag:s30] =	ssyncadd.s32 $0xFFFFFF80  }
0xaa: {  	_ =	swait.ge [sflag:s2], $0x80  }
0xab: {  	[sflag:s2] =	ssyncset.done $0x0  }
0xac: {  	[sflag:s2] =	ssyncadd.s32 $0xFFFFFF80  }
0xad: {  	_ =	swait.ge [sflag:s8], $0x80  }
0xae: {  	[sflag:s8] =	ssyncset.done $0x0  }
0xaf: {  	[sflag:s8] =	ssyncadd.s32 $0xFFFFFF80  }
0xb0: {  	[bflag:$0x0] =	sbarrier.arrive $0xFFFF  }
0xb1: {  	s14 =	rddreg [dreg:$0xe]  }
0xb2: {  	[hbm:s14], [sflag:s13] =	dma.local [spmem:s5], $0x2780  }
0xb3: {  	_ =	swait.ge [sflag:s25], $0x2780  }
0xb4: {  	s12 =	sadd.s32 $0x1, s12;
	s24 =	rddreg [dreg:$0xf]  }
0xb5: {  	p0 =	sne.s32 s12, s24  }
.Ltmp1:
0xb6: {  	_ = 	snop;
	(pc) =	sbr.rel @p0 .LBB2_1-.Ltmp1, $3  }
0xb7: {  	_ =	sdelay $0x1  }
0xb8: {  	[sflag:s25] =	ssyncset.done $0x0  }
0xb9: {  	[sflag:s25] =	ssyncadd.s32 $0xFFFFD880  }
0xba: {  	_ =	sfence.sel $0x180000  }
0xbb: {  	[bflag:$0x0] =	sbarrier.arrive $0xFFFF  }
0xbc: {  	_ =	strace $0x90000047  }
0xbd: {  	s0 =	stileid.u32;
	[bflag:$0x2] =	sbarrier.arrive $0xFFFF  }
0xbe: {  	p0 =	sne.s32 s0, $0x0;
	s0 =	rddreg [dreg:$0x4]  }
0xbf: {  	s0 =	sadd.s32 @!p0 $0x100000, s0  }
0xc0: {  	[sflag:s0] =	ssyncadd.tile.s32 @!p0 $0x1;
	_ =	shalt  }
.Lfunc_end2:
_tile_overlayer_lowered:
.L_overlay_start_2:
0xc1: {  	(tag) =	ssettag $0x2  }
0xc2: {  	s0 =	rddreg [dreg:$0x0];
	s2 =	stileid.u32  }
0xc3: {  	s1 =	rddreg [dreg:$0x1];
	p0 =	sne.s32 s2, $0x0  }
0xc4: {  	s3 =	rddreg [dreg:$0x2];
	[bflag:$0x3] =	sbarrier.arrive $0xFFFF;
	s2 =	simm.s32 @!p0 $0x1C0D  }
0xc5: {  	[timem:s3], [sflag:s2] =	dma.local @!p0 [hbm:s0], s1  }
0xc6: {  	s0 =	simm.s32 @!p0 $0xD  }
0xc7: {  	_ =	swait.ge @!p0 [sflag:s0], s1  }
0xc8: {  	s1 =	ssub.s32 @!p0 $0x0, s1;
	[sflag:s0] =	ssyncset.done @!p0 $0x0  }
0xc9: {  	[sflag:s0] =	ssyncadd.s32 @!p0 s1  }
0xca: {  	[bflag:$0x3] =	sbarrier.arrive $0xFFFF  }
0xcb: {  	_ =	shalt  }

</sc_bundles>
